<compile_context>
chip_gen: v7x
topology: tpu7x:2x2x1
jax: 0.10.2.dev20260603
libtpu: 0.0.44.dev20260713+nightly
codegen_flags: <defaults>
</compile_context>

<pallas_src>
import functools

import jax
import jax.numpy as jnp
from jax import lax
from jax.experimental import pallas as pl
from jax.experimental.pallas import tpu as pltpu
from jax.experimental.pallas import tpu_sc as plsc

U = 1024
I = 1000
K = 50
B = 4096
NEIGH = 50.0

NC = 2
NS = 16
L = 16
NW = NC * NS
BW = B // NW
G = BW // L
HBW = BW // 2
HG = HBW // L
K2 = K // 2
IW = 2 * HBW

QROWS = K * I * U // 8
KSTRIDE = I * U // 8
RROWS = U * I // 8
WROWS = I * I // 8


def _sc_body(x_hbm, r8_hbm, w8_hbm, q6_hbm, bu_hbm, bi_hbm,
             out_hbm,
             u_seg, t_seg, a_seg, cu_seg,
             qidx0, qidx1, ridx, widx, qtu80, qtu81, r8b, w8b,
             bu_buf, bi_buf, out_buf,
             sem_q, sem_r, sem_w):
    cid = lax.axis_index("c")
    sid = lax.axis_index("s")
    wid = sid * NC + cid
    base = pl.multiple_of(wid * BW, BW)

    pltpu.sync_copy(x_hbm.at[0, pl.ds(base, BW)], u_seg)
    pltpu.sync_copy(x_hbm.at[1, pl.ds(base, BW)], t_seg)
    pltpu.sync_copy(bu_hbm, bu_buf)
    pltpu.sync_copy(bi_hbm, bi_buf)

    for c in range(G):
        sl = pl.ds(c * L, L)
        uc = u_seg[sl]
        tc = t_seg[sl]
        uhi = lax.shift_right_logical(uc, 3) & 15
        a_seg[sl] = ((lax.shift_right_logical(tc, 3) * 8
                      + lax.shift_right_logical(uc, 7)) * 8
                     + (tc & 7)) * 16 + uhi
        cu_seg[sl] = lax.shift_right_logical(uc, 7) * 128 + uhi

    lanes = lax.iota(jnp.int32, L)

    def make_qfire(qh, qidx, qtu8):
        def qfire(k2, carry):
            row = qidx.at[k2]
            for c in range(2 * HG):
                sl = pl.ds(c * L, L)
                gsl = pl.ds(qh + (c % HG) * L, L)
                row[sl] = a_seg[gsl] + (2 * k2 + c // HG) * KSTRIDE
            pltpu.async_copy(
                q6_hbm.at[row],
                qtu8.at[pl.ds(pl.multiple_of(k2 * IW, IW), IW)],
                sem_q)
            return carry
        return qfire

    def qdrain(qtu8):
        pltpu.make_async_copy(
            q6_hbm.at[pl.ds(0, K * HBW)], qtu8, sem_q).wait()

    def make_rwfire(qh, qtu8):
        def rwfire(k2, carry):
            rrow = ridx.at[k2]
            wrow = widx.at[k2]
            kb = pl.multiple_of(k2 * IW, IW)
            for c in range(2 * HG):
                sl = pl.ds(c * L, L)
                gsl = pl.ds(qh + (c % HG) * L, L)
                ul = u_seg[gsl] & 7
                j = plsc.load_gather(qtu8, [kb + c * L + lanes, ul])
                rrow[sl] = (lax.shift_right_logical(j, 3) * 1024
                            + (j & 7) * 16 + cu_seg[gsl])
                wrow[sl] = j * 125 + lax.shift_right_logical(t_seg[gsl], 3)
            pltpu.async_copy(r8_hbm.at[rrow], r8b.at[pl.ds(kb, IW)], sem_r)
            pltpu.async_copy(w8_hbm.at[wrow], w8b.at[pl.ds(kb, IW)], sem_w)
            return carry
        return rwfire

    def rwdrain():
        pltpu.make_async_copy(
            r8_hbm.at[pl.ds(0, K * HBW)], r8b, sem_r).wait()
        pltpu.make_async_copy(
            w8_hbm.at[pl.ds(0, K * HBW)], w8b, sem_w).wait()

    def compute(qh, qtu8):
        for c in range(HG):
            gsl = pl.ds(qh + c * L, L)
            u16 = u_seg[gsl]
            t16 = t_seg[gsl]
            ul = u16 & 7
            wc = t16 & 7
            bu_v = plsc.load_gather(bu_buf, [u16])
            bt_v = plsc.load_gather(bi_buf, [t16])
            pbase = c * L + lanes

            def kstep(k, acc):
                pos = pbase + k * HBW
                j = plsc.load_gather(qtu8, [pos, ul])
                wv = plsc.load_gather(w8b, [pos, wc])
                rv = plsc.load_gather(r8b, [pos, ul])
                biv = plsc.load_gather(bi_buf, [j])
                return acc + wv * (rv - bu_v - biv)

            acc = lax.fori_loop(0, K, kstep, jnp.zeros((L,), jnp.float32))
            out_buf[pl.ds(qh + c * L, L)] = bu_v + bt_v + acc / NEIGH

    lax.fori_loop(0, K2, make_qfire(0, qidx0, qtu80), 0)
    qdrain(qtu80)
    lax.fori_loop(0, K2, make_rwfire(0, qtu80), 0)
    lax.fori_loop(0, K2, make_qfire(HBW, qidx1, qtu81), 0)
    rwdrain()
    compute(0, qtu80)
    qdrain(qtu81)
    lax.fori_loop(0, K2, make_rwfire(HBW, qtu81), 0)
    rwdrain()
    compute(HBW, qtu81)

    pltpu.sync_copy(out_buf, out_hbm.at[pl.ds(base, BW)])


@functools.partial(jax.jit)
def _sc_call(x, r8, w8, q6, b_user, b_item):
    mesh = plsc.VectorSubcoreMesh(core_axis_name="c", subcore_axis_name="s")
    f = pl.kernel(
        _sc_body,
        out_type=jax.ShapeDtypeStruct((B,), jnp.float32),
        mesh=mesh,
        scratch_types=[
            pltpu.VMEM((BW,), jnp.int32),
            pltpu.VMEM((BW,), jnp.int32),
            pltpu.VMEM((BW,), jnp.int32),
            pltpu.VMEM((BW,), jnp.int32),
            pltpu.VMEM((K2, IW), jnp.int32),
            pltpu.VMEM((K2, IW), jnp.int32),
            pltpu.VMEM((K2, IW), jnp.int32),
            pltpu.VMEM((K2, IW), jnp.int32),
            pltpu.VMEM((K * HBW, 8), jnp.int32),
            pltpu.VMEM((K * HBW, 8), jnp.int32),
            pltpu.VMEM((K * HBW, 8), jnp.float32),
            pltpu.VMEM((K * HBW, 8), jnp.float32),
            pltpu.VMEM((U,), jnp.float32),
            pltpu.VMEM((I,), jnp.float32),
            pltpu.VMEM((BW,), jnp.float32),
            pltpu.SemaphoreType.DMA,
            pltpu.SemaphoreType.DMA,
            pltpu.SemaphoreType.DMA,
        ],
        compiler_params=pltpu.CompilerParams(
            needs_layout_passes=False, use_tc_tiling_on_sc=False),
    )
    return f(x, r8, w8, q6, b_user, b_item)


def kernel(x, rating_matrix, qtus, weight, b_user, b_item):
    q6 = (qtus.transpose(2, 1, 0)
          .reshape(50, 125, 8, 8, 128)
          .transpose(0, 1, 3, 2, 4)
          .reshape(QROWS, 8))
    r8 = (rating_matrix.transpose(1, 0)
          .reshape(125, 8, 8, 128)
          .transpose(0, 2, 1, 3)
          .reshape(RROWS, 8))
    w8 = weight.reshape(WROWS, 8)
    return _sc_call(x, r8, w8, q6, b_user, b_item)

# --- scband reference (transcript-rebuilt; emitter-appended) ---
"""Pipeline reference for scband-item-regression-model-22694607192172 (READ-ONLY COPY).

The authoritative reference and input builder live on the scoring server;
editing this copy changes nothing except your own understanding.
"""

import jax, jax.numpy as jnp
import numpy as np

U = 1024   # users_count
I = 1000   # items_count
K = 50     # neighborhood size (qtus last dim)
B = 4096   # query batch
NEIGH = 50.0


def setup_inputs(seed: int = 0) -> dict:
    key = jax.random.key(seed)
    ks = jax.random.split(key, 6)
    # forward arg: x[0]=user ids, x[1]=item ids (values < 1000 <= min(U, I))
    x = jax.random.randint(ks[0], (2, B), 0, I, dtype=jnp.int32)
    # constructor tensors
    rating_matrix = jax.random.normal(ks[1], (U, I), dtype=jnp.float32)
    qtus = jax.random.randint(ks[2], (U, I, K), 0, I, dtype=jnp.int32)
    # parameters: kaiming_normal_ on [I, I] -> std = sqrt(2 / fan_in) = sqrt(2 / I)
    weight = jax.random.normal(ks[3], (I, I), dtype=jnp.float32) * np.sqrt(2.0 / I).astype(np.float32)
    b_user = jax.random.normal(ks[4], (U,), dtype=jnp.float32)
    b_item = jax.random.normal(ks[5], (I,), dtype=jnp.float32)
    return {"x": x, "rating_matrix": rating_matrix, "qtus": qtus,
            "weight": weight, "b_user": b_user, "b_item": b_item}


def reference(x, rating_matrix, qtus, weight, b_user, b_item):
    # Vectorized translation of the per-(u, t) python loop.
    u = x[0]
    t = x[1]
    qtu = qtus[u, t]                          # [B, K] neighbor item ids
    w_jt = weight[qtu, t[:, None]]            # [B, K] == weight[qtu, t] per row
    r_uj = rating_matrix[u[:, None], qtu]     # [B, K]
    bu = b_user[u]                            # [B]
    bt = b_item[t]                            # [B]
    resid = r_uj - bu[:, None] - b_item[qtu]  # [B, K]
    dot = jnp.sum(w_jt * resid, axis=1)       # [B]
    rut_hat = bu + bt + dot / NEIGH
    return rut_hat

if __name__ == "__main__":
    import jax
    _d = setup_inputs()
    print(jax.jit(kernel)(*tuple(_d.values())))

</pallas_src>

<mosaic_0001>
#map = affine_map<(d0, d1) -> (0, 0)>
#map1 = affine_map<(d0, d1) -> (0)>
module attributes {stable_mosaic.version = 14 : i64} {
  func.func @_sc_body(%arg0: i32, %arg1: i32, %arg2: memref<2x4096xi32, #tpu.memory_space<hbm>>, %arg3: memref<128000x8xf32, #tpu.memory_space<hbm>>, %arg4: memref<125000x8xf32, #tpu.memory_space<hbm>>, %arg5: memref<6400000x8xi32, #tpu.memory_space<hbm>>, %arg6: memref<1024xf32, #tpu.memory_space<hbm>>, %arg7: memref<1000xf32, #tpu.memory_space<hbm>>, %arg8: memref<4096xf32, #tpu.memory_space<hbm>>, %arg9: memref<128xi32, #tpu.memory_space<vmem>>, %arg10: memref<128xi32, #tpu.memory_space<vmem>>, %arg11: memref<128xi32, #tpu.memory_space<vmem>>, %arg12: memref<128xi32, #tpu.memory_space<vmem>>, %arg13: memref<25x128xi32, #tpu.memory_space<vmem>>, %arg14: memref<25x128xi32, #tpu.memory_space<vmem>>, %arg15: memref<25x128xi32, #tpu.memory_space<vmem>>, %arg16: memref<25x128xi32, #tpu.memory_space<vmem>>, %arg17: memref<3200x8xi32, #tpu.memory_space<vmem>>, %arg18: memref<3200x8xi32, #tpu.memory_space<vmem>>, %arg19: memref<3200x8xf32, #tpu.memory_space<vmem>>, %arg20: memref<3200x8xf32, #tpu.memory_space<vmem>>, %arg21: memref<1024xf32, #tpu.memory_space<vmem>>, %arg22: memref<1000xf32, #tpu.memory_space<vmem>>, %arg23: memref<128xf32, #tpu.memory_space<vmem>>, %arg24: memref<!tpu.dma_semaphore, #tpu.memory_space<semaphore_mem>>, %arg25: memref<!tpu.dma_semaphore, #tpu.memory_space<semaphore_mem>>, %arg26: memref<!tpu.dma_semaphore, #tpu.memory_space<semaphore_mem>>) attributes {dimension_semantics = [#tpu.dimension_semantics<core_parallel>, #tpu.dimension_semantics<subcore_parallel>], iteration_bounds = array<i64: 2, 16>, scalar_prefetch = 0 : i64, scratch_operands = 18 : i64, tpu.core_type = #tpu.core_type<sc_vector_subcore>, window_params = [{transform_indices = #map}, {transform_indices = #map}, {transform_indices = #map}, {transform_indices = #map}, {transform_indices = #map1}, {transform_indices = #map1}, {transform_indices = #map1}]} {
    %mul3A = arith.constant 2 : i32
    %mul3A_0 = arith.muli %arg1, %mul3A : i32
    %add3A = arith.addi %mul3A_0, %arg0 : i32
    %mul3A_1 = arith.constant 128 : i32
    %mul3A_2 = arith.muli %add3A, %mul3A_1 : i32
    %multiple_of3A = tpu.assume_multiple %mul3A_2, 128 : i32
    %run_scoped3A = arith.constant 0 : i32
    "tpu.region"() ({
      %run_scoped3A_631 = tpu.sem_alloc : memref<!tpu.dma_semaphore, #tpu.memory_space<semaphore_mem>>
      %dma_start3A = tpu.memref_slice %arg2[%run_scoped3A, %multiple_of3A] : memref<2x4096xi32, #tpu.memory_space<hbm>> -> memref<1x128xi32, #tpu.memory_space<hbm>>
      %dma_start3A_632 = tpu.memref_squeeze %dma_start3A : memref<1x128xi32, #tpu.memory_space<hbm>> -> memref<128xi32, #tpu.memory_space<hbm>>
      %dma_start3A_633 = tpu.memref_slice %arg2[%run_scoped3A, %multiple_of3A] : memref<2x4096xi32, #tpu.memory_space<hbm>> -> memref<1x128xi32, #tpu.memory_space<hbm>>
      %dma_start3A_634 = tpu.memref_squeeze %dma_start3A_633 : memref<1x128xi32, #tpu.memory_space<hbm>> -> memref<128xi32, #tpu.memory_space<hbm>>
      tpu.enqueue_dma source(%dma_start3A_634 : memref<128xi32, #tpu.memory_space<hbm>>) target(%arg9 : memref<128xi32, #tpu.memory_space<vmem>>) target_semaphore(%run_scoped3A_631 : memref<!tpu.dma_semaphore, #tpu.memory_space<semaphore_mem>>)
      %dma_wait3A_635 = tpu.memref_slice %arg2[%run_scoped3A, %multiple_of3A] : memref<2x4096xi32, #tpu.memory_space<hbm>> -> memref<1x128xi32, #tpu.memory_space<hbm>>
      %dma_wait3A_636 = tpu.memref_squeeze %dma_wait3A_635 : memref<1x128xi32, #tpu.memory_space<hbm>> -> memref<128xi32, #tpu.memory_space<hbm>>
      %dma_wait3A_637 = tpu.memref_slice %arg2[%run_scoped3A, %multiple_of3A] : memref<2x4096xi32, #tpu.memory_space<hbm>> -> memref<1x128xi32, #tpu.memory_space<hbm>>
      %dma_wait3A_638 = tpu.memref_squeeze %dma_wait3A_637 : memref<1x128xi32, #tpu.memory_space<hbm>> -> memref<128xi32, #tpu.memory_space<hbm>>
      tpu.wait_dma2 semaphore(%run_scoped3A_631 : memref<!tpu.dma_semaphore, #tpu.memory_space<semaphore_mem>>) src(%dma_wait3A_638 : memref<128xi32, #tpu.memory_space<hbm>>) dst(%arg9 : memref<128xi32, #tpu.memory_space<vmem>>)
      tpu.yield
    }) : () -> ()
    %run_scoped3A_3 = arith.constant 1 : i32
    "tpu.region"() ({
      %run_scoped3A_631 = tpu.sem_alloc : memref<!tpu.dma_semaphore, #tpu.memory_space<semaphore_mem>>
      %dma_start3A = tpu.memref_slice %arg2[%run_scoped3A_3, %multiple_of3A] : memref<2x4096xi32, #tpu.memory_space<hbm>> -> memref<1x128xi32, #tpu.memory_space<hbm>>
      %dma_start3A_632 = tpu.memref_squeeze %dma_start3A : memref<1x128xi32, #tpu.memory_space<hbm>> -> memref<128xi32, #tpu.memory_space<hbm>>
      %dma_start3A_633 = tpu.memref_slice %arg2[%run_scoped3A_3, %multiple_of3A] : memref<2x4096xi32, #tpu.memory_space<hbm>> -> memref<1x128xi32, #tpu.memory_space<hbm>>
      %dma_start3A_634 = tpu.memref_squeeze %dma_start3A_633 : memref<1x128xi32, #tpu.memory_space<hbm>> -> memref<128xi32, #tpu.memory_space<hbm>>
      tpu.enqueue_dma source(%dma_start3A_634 : memref<128xi32, #tpu.memory_space<hbm>>) target(%arg10 : memref<128xi32, #tpu.memory_space<vmem>>) target_semaphore(%run_scoped3A_631 : memref<!tpu.dma_semaphore, #tpu.memory_space<semaphore_mem>>)
      %dma_wait3A_635 = tpu.memref_slice %arg2[%run_scoped3A_3, %multiple_of3A] : memref<2x4096xi32, #tpu.memory_space<hbm>> -> memref<1x128xi32, #tpu.memory_space<hbm>>
      %dma_wait3A_636 = tpu.memref_squeeze %dma_wait3A_635 : memref<1x128xi32, #tpu.memory_space<hbm>> -> memref<128xi32, #tpu.memory_space<hbm>>
      %dma_wait3A_637 = tpu.memref_slice %arg2[%run_scoped3A_3, %multiple_of3A] : memref<2x4096xi32, #tpu.memory_space<hbm>> -> memref<1x128xi32, #tpu.memory_space<hbm>>
      %dma_wait3A_638 = tpu.memref_squeeze %dma_wait3A_637 : memref<1x128xi32, #tpu.memory_space<hbm>> -> memref<128xi32, #tpu.memory_space<hbm>>
      tpu.wait_dma2 semaphore(%run_scoped3A_631 : memref<!tpu.dma_semaphore, #tpu.memory_space<semaphore_mem>>) src(%dma_wait3A_638 : memref<128xi32, #tpu.memory_space<hbm>>) dst(%arg10 : memref<128xi32, #tpu.memory_space<vmem>>)
      tpu.yield
    }) : () -> ()
    "tpu.region"() ({
      %run_scoped3A_631 = tpu.sem_alloc : memref<!tpu.dma_semaphore, #tpu.memory_space<semaphore_mem>>
      tpu.enqueue_dma source(%arg6 : memref<1024xf32, #tpu.memory_space<hbm>>) target(%arg21 : memref<1024xf32, #tpu.memory_space<vmem>>) target_semaphore(%run_scoped3A_631 : memref<!tpu.dma_semaphore, #tpu.memory_space<semaphore_mem>>)
      tpu.wait_dma2 semaphore(%run_scoped3A_631 : memref<!tpu.dma_semaphore, #tpu.memory_space<semaphore_mem>>) src(%arg6 : memref<1024xf32, #tpu.memory_space<hbm>>) dst(%arg21 : memref<1024xf32, #tpu.memory_space<vmem>>)
      tpu.yield
    }) : () -> ()
    "tpu.region"() ({
      %run_scoped3A_631 = tpu.sem_alloc : memref<!tpu.dma_semaphore, #tpu.memory_space<semaphore_mem>>
      tpu.enqueue_dma source(%arg7 : memref<1000xf32, #tpu.memory_space<hbm>>) target(%arg22 : memref<1000xf32, #tpu.memory_space<vmem>>) target_semaphore(%run_scoped3A_631 : memref<!tpu.dma_semaphore, #tpu.memory_space<semaphore_mem>>)
      tpu.wait_dma2 semaphore(%run_scoped3A_631 : memref<!tpu.dma_semaphore, #tpu.memory_space<semaphore_mem>>) src(%arg7 : memref<1000xf32, #tpu.memory_space<hbm>>) dst(%arg22 : memref<1000xf32, #tpu.memory_space<vmem>>)
      tpu.yield
    }) : () -> ()
    %get3A = arith.constant 0 : index
    %get3A_4 = tpu.vector_load %arg9[%get3A] {strides = array<i32>} : memref<128xi32, #tpu.memory_space<vmem>>, vector<16xi32>,
    %get3A_5 = arith.constant 0 : index
    %get3A_6 = tpu.vector_load %arg10[%get3A_5] {strides = array<i32>} : memref<128xi32, #tpu.memory_space<vmem>>, vector<16xi32>,
    %shift_right_logical3A = arith.constant 3 : i32
    %shift_right_logical3A_7 = vector.broadcast %shift_right_logical3A : i32 to vector<16xi32>
    %shift_right_logical3A_8 = arith.shrui %get3A_4, %shift_right_logical3A_7 : vector<16xi32>
    %and3A = arith.constant 15 : i32
    %and3A_9 = vector.broadcast %and3A : i32 to vector<16xi32>
    %and3A_10 = arith.andi %shift_right_logical3A_8, %and3A_9 : vector<16xi32>
    %shift_right_logical3A_11 = arith.constant 3 : i32
    %shift_right_logical3A_12 = vector.broadcast %shift_right_logical3A_11 : i32 to vector<16xi32>
    %shift_right_logical3A_13 = arith.shrui %get3A_6, %shift_right_logical3A_12 : vector<16xi32>
    %mul3A_14 = arith.constant 8 : i32
    %mul3A_15 = vector.broadcast %mul3A_14 : i32 to vector<16xi32>
    %mul3A_16 = arith.muli %shift_right_logical3A_13, %mul3A_15 : vector<16xi32>
    %shift_right_logical3A_17 = arith.constant 7 : i32
    %shift_right_logical3A_18 = vector.broadcast %shift_right_logical3A_17 : i32 to vector<16xi32>
    %shift_right_logical3A_19 = arith.shrui %get3A_4, %shift_right_logical3A_18 : vector<16xi32>
    %add3A_20 = arith.addi %mul3A_16, %shift_right_logical3A_19 : vector<16xi32>
    %mul3A_21 = arith.constant 8 : i32
    %mul3A_22 = vector.broadcast %mul3A_21 : i32 to vector<16xi32>
    %mul3A_23 = arith.muli %add3A_20, %mul3A_22 : vector<16xi32>
    %and3A_24 = arith.constant 7 : i32
    %and3A_25 = vector.broadcast %and3A_24 : i32 to vector<16xi32>
    %and3A_26 = arith.andi %get3A_6, %and3A_25 : vector<16xi32>
    %add3A_27 = arith.addi %mul3A_23, %and3A_26 : vector<16xi32>
    %mul3A_28 = arith.constant 16 : i32
    %mul3A_29 = vector.broadcast %mul3A_28 : i32 to vector<16xi32>
    %mul3A_30 = arith.muli %add3A_27, %mul3A_29 : vector<16xi32>
    %add3A_31 = arith.addi %mul3A_30, %and3A_10 : vector<16xi32>
    %swap3A = arith.constant 0 : index
    %swap3A_32 = tpu.vector_load %arg11[%swap3A] {strides = array<i32>} : memref<128xi32, #tpu.memory_space<vmem>>, vector<16xi32>,
    tpu.vector_store %arg11[%swap3A], %add3A_31 {strides = array<i32>} : memref<128xi32, #tpu.memory_space<vmem>>, vector<16xi32>,
    %shift_right_logical3A_33 = arith.constant 7 : i32
    %shift_right_logical3A_34 = vector.broadcast %shift_right_logical3A_33 : i32 to vector<16xi32>
    %shift_right_logical3A_35 = arith.shrui %get3A_4, %shift_right_logical3A_34 : vector<16xi32>
    %mul3A_36 = arith.constant 128 : i32
    %mul3A_37 = vector.broadcast %mul3A_36 : i32 to vector<16xi32>
    %mul3A_38 = arith.muli %shift_right_logical3A_35, %mul3A_37 : vector<16xi32>
    %add3A_39 = arith.addi %mul3A_38, %and3A_10 : vector<16xi32>
    %swap3A_40 = arith.constant 0 : index
    %swap3A_41 = tpu.vector_load %arg12[%swap3A_40] {strides = array<i32>} : memref<128xi32, #tpu.memory_space<vmem>>, vector<16xi32>,
    tpu.vector_store %arg12[%swap3A_40], %add3A_39 {strides = array<i32>} : memref<128xi32, #tpu.memory_space<vmem>>, vector<16xi32>,
    %get3A_42 = arith.constant 16 : index
    %get3A_43 = tpu.vector_load %arg9[%get3A_42] {strides = array<i32>} : memref<128xi32, #tpu.memory_space<vmem>>, vector<16xi32>,
    %get3A_44 = arith.constant 16 : index
    %get3A_45 = tpu.vector_load %arg10[%get3A_44] {strides = array<i32>} : memref<128xi32, #tpu.memory_space<vmem>>, vector<16xi32>,
    %shift_right_logical3A_46 = arith.constant 3 : i32
    %shift_right_logical3A_47 = vector.broadcast %shift_right_logical3A_46 : i32 to vector<16xi32>
    %shift_right_logical3A_48 = arith.shrui %get3A_43, %shift_right_logical3A_47 : vector<16xi32>
    %and3A_49 = arith.constant 15 : i32
    %and3A_50 = vector.broadcast %and3A_49 : i32 to vector<16xi32>
    %and3A_51 = arith.andi %shift_right_logical3A_48, %and3A_50 : vector<16xi32>
    %shift_right_logical3A_52 = arith.constant 3 : i32
    %shift_right_logical3A_53 = vector.broadcast %shift_right_logical3A_52 : i32 to vector<16xi32>
    %shift_right_logical3A_54 = arith.shrui %get3A_45, %shift_right_logical3A_53 : vector<16xi32>
    %mul3A_55 = arith.constant 8 : i32
    %mul3A_56 = vector.broadcast %mul3A_55 : i32 to vector<16xi32>
    %mul3A_57 = arith.muli %shift_right_logical3A_54, %mul3A_56 : vector<16xi32>
    %shift_right_logical3A_58 = arith.constant 7 : i32
    %shift_right_logical3A_59 = vector.broadcast %shift_right_logical3A_58 : i32 to vector<16xi32>
    %shift_right_logical3A_60 = arith.shrui %get3A_43, %shift_right_logical3A_59 : vector<16xi32>
    %add3A_61 = arith.addi %mul3A_57, %shift_right_logical3A_60 : vector<16xi32>
    %mul3A_62 = arith.constant 8 : i32
    %mul3A_63 = vector.broadcast %mul3A_62 : i32 to vector<16xi32>
    %mul3A_64 = arith.muli %add3A_61, %mul3A_63 : vector<16xi32>
    %and3A_65 = arith.constant 7 : i32
    %and3A_66 = vector.broadcast %and3A_65 : i32 to vector<16xi32>
    %and3A_67 = arith.andi %get3A_45, %and3A_66 : vector<16xi32>
    %add3A_68 = arith.addi %mul3A_64, %and3A_67 : vector<16xi32>
    %mul3A_69 = arith.constant 16 : i32
    %mul3A_70 = vector.broadcast %mul3A_69 : i32 to vector<16xi32>
    %mul3A_71 = arith.muli %add3A_68, %mul3A_70 : vector<16xi32>
    %add3A_72 = arith.addi %mul3A_71, %and3A_51 : vector<16xi32>
    %swap3A_73 = arith.constant 16 : index
    %swap3A_74 = tpu.vector_load %arg11[%swap3A_73] {strides = array<i32>} : memref<128xi32, #tpu.memory_space<vmem>>, vector<16xi32>,
    tpu.vector_store %arg11[%swap3A_73], %add3A_72 {strides = array<i32>} : memref<128xi32, #tpu.memory_space<vmem>>, vector<16xi32>,
    %shift_right_logical3A_75 = arith.constant 7 : i32
    %shift_right_logical3A_76 = vector.broadcast %shift_right_logical3A_75 : i32 to vector<16xi32>
    %shift_right_logical3A_77 = arith.shrui %get3A_43, %shift_right_logical3A_76 : vector<16xi32>
    %mul3A_78 = arith.constant 128 : i32
    %mul3A_79 = vector.broadcast %mul3A_78 : i32 to vector<16xi32>
    %mul3A_80 = arith.muli %shift_right_logical3A_77, %mul3A_79 : vector<16xi32>
    %add3A_81 = arith.addi %mul3A_80, %and3A_51 : vector<16xi32>
    %swap3A_82 = arith.constant 16 : index
    %swap3A_83 = tpu.vector_load %arg12[%swap3A_82] {strides = array<i32>} : memref<128xi32, #tpu.memory_space<vmem>>, vector<16xi32>,
    tpu.vector_store %arg12[%swap3A_82], %add3A_81 {strides = array<i32>} : memref<128xi32, #tpu.memory_space<vmem>>, vector<16xi32>,
    %get3A_84 = arith.constant 32 : index
    %get3A_85 = tpu.vector_load %arg9[%get3A_84] {strides = array<i32>} : memref<128xi32, #tpu.memory_space<vmem>>, vector<16xi32>,
    %get3A_86 = arith.constant 32 : index
    %get3A_87 = tpu.vector_load %arg10[%get3A_86] {strides = array<i32>} : memref<128xi32, #tpu.memory_space<vmem>>, vector<16xi32>,
    %shift_right_logical3A_88 = arith.constant 3 : i32
    %shift_right_logical3A_89 = vector.broadcast %shift_right_logical3A_88 : i32 to vector<16xi32>
    %shift_right_logical3A_90 = arith.shrui %get3A_85, %shift_right_logical3A_89 : vector<16xi32>
    %and3A_91 = arith.constant 15 : i32
    %and3A_92 = vector.broadcast %and3A_91 : i32 to vector<16xi32>
    %and3A_93 = arith.andi %shift_right_logical3A_90, %and3A_92 : vector<16xi32>
    %shift_right_logical3A_94 = arith.constant 3 : i32
    %shift_right_logical3A_95 = vector.broadcast %shift_right_logical3A_94 : i32 to vector<16xi32>
    %shift_right_logical3A_96 = arith.shrui %get3A_87, %shift_right_logical3A_95 : vector<16xi32>
    %mul3A_97 = arith.constant 8 : i32
    %mul3A_98 = vector.broadcast %mul3A_97 : i32 to vector<16xi32>
    %mul3A_99 = arith.muli %shift_right_logical3A_96, %mul3A_98 : vector<16xi32>
    %shift_right_logical3A_100 = arith.constant 7 : i32
    %shift_right_logical3A_101 = vector.broadcast %shift_right_logical3A_100 : i32 to vector<16xi32>
    %shift_right_logical3A_102 = arith.shrui %get3A_85, %shift_right_logical3A_101 : vector<16xi32>
    %add3A_103 = arith.addi %mul3A_99, %shift_right_logical3A_102 : vector<16xi32>
    %mul3A_104 = arith.constant 8 : i32
    %mul3A_105 = vector.broadcast %mul3A_104 : i32 to vector<16xi32>
    %mul3A_106 = arith.muli %add3A_103, %mul3A_105 : vector<16xi32>
    %and3A_107 = arith.constant 7 : i32
    %and3A_108 = vector.broadcast %and3A_107 : i32 to vector<16xi32>
    %and3A_109 = arith.andi %get3A_87, %and3A_108 : vector<16xi32>
    %add3A_110 = arith.addi %mul3A_106, %and3A_109 : vector<16xi32>
    %mul3A_111 = arith.constant 16 : i32
    %mul3A_112 = vector.broadcast %mul3A_111 : i32 to vector<16xi32>
    %mul3A_113 = arith.muli %add3A_110, %mul3A_112 : vector<16xi32>
    %add3A_114 = arith.addi %mul3A_113, %and3A_93 : vector<16xi32>
    %swap3A_115 = arith.constant 32 : index
    %swap3A_116 = tpu.vector_load %arg11[%swap3A_115] {strides = array<i32>} : memref<128xi32, #tpu.memory_space<vmem>>, vector<16xi32>,
    tpu.vector_store %arg11[%swap3A_115], %add3A_114 {strides = array<i32>} : memref<128xi32, #tpu.memory_space<vmem>>, vector<16xi32>,
    %shift_right_logical3A_117 = arith.constant 7 : i32
    %shift_right_logical3A_118 = vector.broadcast %shift_right_logical3A_117 : i32 to vector<16xi32>
    %shift_right_logical3A_119 = arith.shrui %get3A_85, %shift_right_logical3A_118 : vector<16xi32>
    %mul3A_120 = arith.constant 128 : i32
    %mul3A_121 = vector.broadcast %mul3A_120 : i32 to vector<16xi32>
    %mul3A_122 = arith.muli %shift_right_logical3A_119, %mul3A_121 : vector<16xi32>
    %add3A_123 = arith.addi %mul3A_122, %and3A_93 : vector<16xi32>
    %swap3A_124 = arith.constant 32 : index
    %swap3A_125 = tpu.vector_load %arg12[%swap3A_124] {strides = array<i32>} : memref<128xi32, #tpu.memory_space<vmem>>, vector<16xi32>,
    tpu.vector_store %arg12[%swap3A_124], %add3A_123 {strides = array<i32>} : memref<128xi32, #tpu.memory_space<vmem>>, vector<16xi32>,
    %get3A_126 = arith.constant 48 : index
    %get3A_127 = tpu.vector_load %arg9[%get3A_126] {strides = array<i32>} : memref<128xi32, #tpu.memory_space<vmem>>, vector<16xi32>,
    %get3A_128 = arith.constant 48 : index
    %get3A_129 = tpu.vector_load %arg10[%get3A_128] {strides = array<i32>} : memref<128xi32, #tpu.memory_space<vmem>>, vector<16xi32>,
    %shift_right_logical3A_130 = arith.constant 3 : i32
    %shift_right_logical3A_131 = vector.broadcast %shift_right_logical3A_130 : i32 to vector<16xi32>
    %shift_right_logical3A_132 = arith.shrui %get3A_127, %shift_right_logical3A_131 : vector<16xi32>
    %and3A_133 = arith.constant 15 : i32
    %and3A_134 = vector.broadcast %and3A_133 : i32 to vector<16xi32>
    %and3A_135 = arith.andi %shift_right_logical3A_132, %and3A_134 : vector<16xi32>
    %shift_right_logical3A_136 = arith.constant 3 : i32
    %shift_right_logical3A_137 = vector.broadcast %shift_right_logical3A_136 : i32 to vector<16xi32>
    %shift_right_logical3A_138 = arith.shrui %get3A_129, %shift_right_logical3A_137 : vector<16xi32>
    %mul3A_139 = arith.constant 8 : i32
    %mul3A_140 = vector.broadcast %mul3A_139 : i32 to vector<16xi32>
    %mul3A_141 = arith.muli %shift_right_logical3A_138, %mul3A_140 : vector<16xi32>
    %shift_right_logical3A_142 = arith.constant 7 : i32
    %shift_right_logical3A_143 = vector.broadcast %shift_right_logical3A_142 : i32 to vector<16xi32>
    %shift_right_logical3A_144 = arith.shrui %get3A_127, %shift_right_logical3A_143 : vector<16xi32>
    %add3A_145 = arith.addi %mul3A_141, %shift_right_logical3A_144 : vector<16xi32>
    %mul3A_146 = arith.constant 8 : i32
    %mul3A_147 = vector.broadcast %mul3A_146 : i32 to vector<16xi32>
    %mul3A_148 = arith.muli %add3A_145, %mul3A_147 : vector<16xi32>
    %and3A_149 = arith.constant 7 : i32
    %and3A_150 = vector.broadcast %and3A_149 : i32 to vector<16xi32>
    %and3A_151 = arith.andi %get3A_129, %and3A_150 : vector<16xi32>
    %add3A_152 = arith.addi %mul3A_148, %and3A_151 : vector<16xi32>
    %mul3A_153 = arith.constant 16 : i32
    %mul3A_154 = vector.broadcast %mul3A_153 : i32 to vector<16xi32>
    %mul3A_155 = arith.muli %add3A_152, %mul3A_154 : vector<16xi32>
    %add3A_156 = arith.addi %mul3A_155, %and3A_135 : vector<16xi32>
    %swap3A_157 = arith.constant 48 : index
    %swap3A_158 = tpu.vector_load %arg11[%swap3A_157] {strides = array<i32>} : memref<128xi32, #tpu.memory_space<vmem>>, vector<16xi32>,
    tpu.vector_store %arg11[%swap3A_157], %add3A_156 {strides = array<i32>} : memref<128xi32, #tpu.memory_space<vmem>>, vector<16xi32>,
    %shift_right_logical3A_159 = arith.constant 7 : i32
    %shift_right_logical3A_160 = vector.broadcast %shift_right_logical3A_159 : i32 to vector<16xi32>
    %shift_right_logical3A_161 = arith.shrui %get3A_127, %shift_right_logical3A_160 : vector<16xi32>
    %mul3A_162 = arith.constant 128 : i32
    %mul3A_163 = vector.broadcast %mul3A_162 : i32 to vector<16xi32>
    %mul3A_164 = arith.muli %shift_right_logical3A_161, %mul3A_163 : vector<16xi32>
    %add3A_165 = arith.addi %mul3A_164, %and3A_135 : vector<16xi32>
    %swap3A_166 = arith.constant 48 : index
    %swap3A_167 = tpu.vector_load %arg12[%swap3A_166] {strides = array<i32>} : memref<128xi32, #tpu.memory_space<vmem>>, vector<16xi32>,
    tpu.vector_store %arg12[%swap3A_166], %add3A_165 {strides = array<i32>} : memref<128xi32, #tpu.memory_space<vmem>>, vector<16xi32>,
    %get3A_168 = arith.constant 64 : index
    %get3A_169 = tpu.vector_load %arg9[%get3A_168] {strides = array<i32>} : memref<128xi32, #tpu.memory_space<vmem>>, vector<16xi32>,
    %get3A_170 = arith.constant 64 : index
    %get3A_171 = tpu.vector_load %arg10[%get3A_170] {strides = array<i32>} : memref<128xi32, #tpu.memory_space<vmem>>, vector<16xi32>,
    %shift_right_logical3A_172 = arith.constant 3 : i32
    %shift_right_logical3A_173 = vector.broadcast %shift_right_logical3A_172 : i32 to vector<16xi32>
    %shift_right_logical3A_174 = arith.shrui %get3A_169, %shift_right_logical3A_173 : vector<16xi32>
    %and3A_175 = arith.constant 15 : i32
    %and3A_176 = vector.broadcast %and3A_175 : i32 to vector<16xi32>
    %and3A_177 = arith.andi %shift_right_logical3A_174, %and3A_176 : vector<16xi32>
    %shift_right_logical3A_178 = arith.constant 3 : i32
    %shift_right_logical3A_179 = vector.broadcast %shift_right_logical3A_178 : i32 to vector<16xi32>
    %shift_right_logical3A_180 = arith.shrui %get3A_171, %shift_right_logical3A_179 : vector<16xi32>
    %mul3A_181 = arith.constant 8 : i32
    %mul3A_182 = vector.broadcast %mul3A_181 : i32 to vector<16xi32>
    %mul3A_183 = arith.muli %shift_right_logical3A_180, %mul3A_182 : vector<16xi32>
    %shift_right_logical3A_184 = arith.constant 7 : i32
    %shift_right_logical3A_185 = vector.broadcast %shift_right_logical3A_184 : i32 to vector<16xi32>
    %shift_right_logical3A_186 = arith.shrui %get3A_169, %shift_right_logical3A_185 : vector<16xi32>
    %add3A_187 = arith.addi %mul3A_183, %shift_right_logical3A_186 : vector<16xi32>
    %mul3A_188 = arith.constant 8 : i32
    %mul3A_189 = vector.broadcast %mul3A_188 : i32 to vector<16xi32>
    %mul3A_190 = arith.muli %add3A_187, %mul3A_189 : vector<16xi32>
    %and3A_191 = arith.constant 7 : i32
    %and3A_192 = vector.broadcast %and3A_191 : i32 to vector<16xi32>
    %and3A_193 = arith.andi %get3A_171, %and3A_192 : vector<16xi32>
    %add3A_194 = arith.addi %mul3A_190, %and3A_193 : vector<16xi32>
    %mul3A_195 = arith.constant 16 : i32
    %mul3A_196 = vector.broadcast %mul3A_195 : i32 to vector<16xi32>
    %mul3A_197 = arith.muli %add3A_194, %mul3A_196 : vector<16xi32>
    %add3A_198 = arith.addi %mul3A_197, %and3A_177 : vector<16xi32>
    %swap3A_199 = arith.constant 64 : index
    %swap3A_200 = tpu.vector_load %arg11[%swap3A_199] {strides = array<i32>} : memref<128xi32, #tpu.memory_space<vmem>>, vector<16xi32>,
    tpu.vector_store %arg11[%swap3A_199], %add3A_198 {strides = array<i32>} : memref<128xi32, #tpu.memory_space<vmem>>, vector<16xi32>,
    %shift_right_logical3A_201 = arith.constant 7 : i32
    %shift_right_logical3A_202 = vector.broadcast %shift_right_logical3A_201 : i32 to vector<16xi32>
    %shift_right_logical3A_203 = arith.shrui %get3A_169, %shift_right_logical3A_202 : vector<16xi32>
    %mul3A_204 = arith.constant 128 : i32
    %mul3A_205 = vector.broadcast %mul3A_204 : i32 to vector<16xi32>
    %mul3A_206 = arith.muli %shift_right_logical3A_203, %mul3A_205 : vector<16xi32>
    %add3A_207 = arith.addi %mul3A_206, %and3A_177 : vector<16xi32>
    %swap3A_208 = arith.constant 64 : index
    %swap3A_209 = tpu.vector_load %arg12[%swap3A_208] {strides = array<i32>} : memref<128xi32, #tpu.memory_space<vmem>>, vector<16xi32>,
    tpu.vector_store %arg12[%swap3A_208], %add3A_207 {strides = array<i32>} : memref<128xi32, #tpu.memory_space<vmem>>, vector<16xi32>,
    %get3A_210 = arith.constant 80 : index
    %get3A_211 = tpu.vector_load %arg9[%get3A_210] {strides = array<i32>} : memref<128xi32, #tpu.memory_space<vmem>>, vector<16xi32>,
    %get3A_212 = arith.constant 80 : index
    %get3A_213 = tpu.vector_load %arg10[%get3A_212] {strides = array<i32>} : memref<128xi32, #tpu.memory_space<vmem>>, vector<16xi32>,
    %shift_right_logical3A_214 = arith.constant 3 : i32
    %shift_right_logical3A_215 = vector.broadcast %shift_right_logical3A_214 : i32 to vector<16xi32>
    %shift_right_logical3A_216 = arith.shrui %get3A_211, %shift_right_logical3A_215 : vector<16xi32>
    %and3A_217 = arith.constant 15 : i32
    %and3A_218 = vector.broadcast %and3A_217 : i32 to vector<16xi32>
    %and3A_219 = arith.andi %shift_right_logical3A_216, %and3A_218 : vector<16xi32>
    %shift_right_logical3A_220 = arith.constant 3 : i32
    %shift_right_logical3A_221 = vector.broadcast %shift_right_logical3A_220 : i32 to vector<16xi32>
    %shift_right_logical3A_222 = arith.shrui %get3A_213, %shift_right_logical3A_221 : vector<16xi32>
    %mul3A_223 = arith.constant 8 : i32
    %mul3A_224 = vector.broadcast %mul3A_223 : i32 to vector<16xi32>
    %mul3A_225 = arith.muli %shift_right_logical3A_222, %mul3A_224 : vector<16xi32>
    %shift_right_logical3A_226 = arith.constant 7 : i32
    %shift_right_logical3A_227 = vector.broadcast %shift_right_logical3A_226 : i32 to vector<16xi32>
    %shift_right_logical3A_228 = arith.shrui %get3A_211, %shift_right_logical3A_227 : vector<16xi32>
    %add3A_229 = arith.addi %mul3A_225, %shift_right_logical3A_228 : vector<16xi32>
    %mul3A_230 = arith.constant 8 : i32
    %mul3A_231 = vector.broadcast %mul3A_230 : i32 to vector<16xi32>
    %mul3A_232 = arith.muli %add3A_229, %mul3A_231 : vector<16xi32>
    %and3A_233 = arith.constant 7 : i32
    %and3A_234 = vector.broadcast %and3A_233 : i32 to vector<16xi32>
    %and3A_235 = arith.andi %get3A_213, %and3A_234 : vector<16xi32>
    %add3A_236 = arith.addi %mul3A_232, %and3A_235 : vector<16xi32>
    %mul3A_237 = arith.constant 16 : i32
    %mul3A_238 = vector.broadcast %mul3A_237 : i32 to vector<16xi32>
    %mul3A_239 = arith.muli %add3A_236, %mul3A_238 : vector<16xi32>
    %add3A_240 = arith.addi %mul3A_239, %and3A_219 : vector<16xi32>
    %swap3A_241 = arith.constant 80 : index
    %swap3A_242 = tpu.vector_load %arg11[%swap3A_241] {strides = array<i32>} : memref<128xi32, #tpu.memory_space<vmem>>, vector<16xi32>,
    tpu.vector_store %arg11[%swap3A_241], %add3A_240 {strides = array<i32>} : memref<128xi32, #tpu.memory_space<vmem>>, vector<16xi32>,
    %shift_right_logical3A_243 = arith.constant 7 : i32
    %shift_right_logical3A_244 = vector.broadcast %shift_right_logical3A_243 : i32 to vector<16xi32>
    %shift_right_logical3A_245 = arith.shrui %get3A_211, %shift_right_logical3A_244 : vector<16xi32>
    %mul3A_246 = arith.constant 128 : i32
    %mul3A_247 = vector.broadcast %mul3A_246 : i32 to vector<16xi32>
    %mul3A_248 = arith.muli %shift_right_logical3A_245, %mul3A_247 : vector<16xi32>
    %add3A_249 = arith.addi %mul3A_248, %and3A_219 : vector<16xi32>
    %swap3A_250 = arith.constant 80 : index
    %swap3A_251 = tpu.vector_load %arg12[%swap3A_250] {strides = array<i32>} : memref<128xi32, #tpu.memory_space<vmem>>, vector<16xi32>,
    tpu.vector_store %arg12[%swap3A_250], %add3A_249 {strides = array<i32>} : memref<128xi32, #tpu.memory_space<vmem>>, vector<16xi32>,
    %get3A_252 = arith.constant 96 : index
    %get3A_253 = tpu.vector_load %arg9[%get3A_252] {strides = array<i32>} : memref<128xi32, #tpu.memory_space<vmem>>, vector<16xi32>,
    %get3A_254 = arith.constant 96 : index
    %get3A_255 = tpu.vector_load %arg10[%get3A_254] {strides = array<i32>} : memref<128xi32, #tpu.memory_space<vmem>>, vector<16xi32>,
    %shift_right_logical3A_256 = arith.constant 3 : i32
    %shift_right_logical3A_257 = vector.broadcast %shift_right_logical3A_256 : i32 to vector<16xi32>
    %shift_right_logical3A_258 = arith.shrui %get3A_253, %shift_right_logical3A_257 : vector<16xi32>
    %and3A_259 = arith.constant 15 : i32
    %and3A_260 = vector.broadcast %and3A_259 : i32 to vector<16xi32>
    %and3A_261 = arith.andi %shift_right_logical3A_258, %and3A_260 : vector<16xi32>
    %shift_right_logical3A_262 = arith.constant 3 : i32
    %shift_right_logical3A_263 = vector.broadcast %shift_right_logical3A_262 : i32 to vector<16xi32>
    %shift_right_logical3A_264 = arith.shrui %get3A_255, %shift_right_logical3A_263 : vector<16xi32>
    %mul3A_265 = arith.constant 8 : i32
    %mul3A_266 = vector.broadcast %mul3A_265 : i32 to vector<16xi32>
    %mul3A_267 = arith.muli %shift_right_logical3A_264, %mul3A_266 : vector<16xi32>
    %shift_right_logical3A_268 = arith.constant 7 : i32
    %shift_right_logical3A_269 = vector.broadcast %shift_right_logical3A_268 : i32 to vector<16xi32>
    %shift_right_logical3A_270 = arith.shrui %get3A_253, %shift_right_logical3A_269 : vector<16xi32>
    %add3A_271 = arith.addi %mul3A_267, %shift_right_logical3A_270 : vector<16xi32>
    %mul3A_272 = arith.constant 8 : i32
    %mul3A_273 = vector.broadcast %mul3A_272 : i32 to vector<16xi32>
    %mul3A_274 = arith.muli %add3A_271, %mul3A_273 : vector<16xi32>
    %and3A_275 = arith.constant 7 : i32
    %and3A_276 = vector.broadcast %and3A_275 : i32 to vector<16xi32>
    %and3A_277 = arith.andi %get3A_255, %and3A_276 : vector<16xi32>
    %add3A_278 = arith.addi %mul3A_274, %and3A_277 : vector<16xi32>
    %mul3A_279 = arith.constant 16 : i32
    %mul3A_280 = vector.broadcast %mul3A_279 : i32 to vector<16xi32>
    %mul3A_281 = arith.muli %add3A_278, %mul3A_280 : vector<16xi32>
    %add3A_282 = arith.addi %mul3A_281, %and3A_261 : vector<16xi32>
    %swap3A_283 = arith.constant 96 : index
    %swap3A_284 = tpu.vector_load %arg11[%swap3A_283] {strides = array<i32>} : memref<128xi32, #tpu.memory_space<vmem>>, vector<16xi32>,
    tpu.vector_store %arg11[%swap3A_283], %add3A_282 {strides = array<i32>} : memref<128xi32, #tpu.memory_space<vmem>>, vector<16xi32>,
    %shift_right_logical3A_285 = arith.constant 7 : i32
    %shift_right_logical3A_286 = vector.broadcast %shift_right_logical3A_285 : i32 to vector<16xi32>
    %shift_right_logical3A_287 = arith.shrui %get3A_253, %shift_right_logical3A_286 : vector<16xi32>
    %mul3A_288 = arith.constant 128 : i32
    %mul3A_289 = vector.broadcast %mul3A_288 : i32 to vector<16xi32>
    %mul3A_290 = arith.muli %shift_right_logical3A_287, %mul3A_289 : vector<16xi32>
    %add3A_291 = arith.addi %mul3A_290, %and3A_261 : vector<16xi32>
    %swap3A_292 = arith.constant 96 : index
    %swap3A_293 = tpu.vector_load %arg12[%swap3A_292] {strides = array<i32>} : memref<128xi32, #tpu.memory_space<vmem>>, vector<16xi32>,
    tpu.vector_store %arg12[%swap3A_292], %add3A_291 {strides = array<i32>} : memref<128xi32, #tpu.memory_space<vmem>>, vector<16xi32>,
    %get3A_294 = arith.constant 112 : index
    %get3A_295 = tpu.vector_load %arg9[%get3A_294] {strides = array<i32>} : memref<128xi32, #tpu.memory_space<vmem>>, vector<16xi32>,
    %get3A_296 = arith.constant 112 : index
    %get3A_297 = tpu.vector_load %arg10[%get3A_296] {strides = array<i32>} : memref<128xi32, #tpu.memory_space<vmem>>, vector<16xi32>,
    %shift_right_logical3A_298 = arith.constant 3 : i32
    %shift_right_logical3A_299 = vector.broadcast %shift_right_logical3A_298 : i32 to vector<16xi32>
    %shift_right_logical3A_300 = arith.shrui %get3A_295, %shift_right_logical3A_299 : vector<16xi32>
    %and3A_301 = arith.constant 15 : i32
    %and3A_302 = vector.broadcast %and3A_301 : i32 to vector<16xi32>
    %and3A_303 = arith.andi %shift_right_logical3A_300, %and3A_302 : vector<16xi32>
    %shift_right_logical3A_304 = arith.constant 3 : i32
    %shift_right_logical3A_305 = vector.broadcast %shift_right_logical3A_304 : i32 to vector<16xi32>
    %shift_right_logical3A_306 = arith.shrui %get3A_297, %shift_right_logical3A_305 : vector<16xi32>
    %mul3A_307 = arith.constant 8 : i32
    %mul3A_308 = vector.broadcast %mul3A_307 : i32 to vector<16xi32>
    %mul3A_309 = arith.muli %shift_right_logical3A_306, %mul3A_308 : vector<16xi32>
    %shift_right_logical3A_310 = arith.constant 7 : i32
    %shift_right_logical3A_311 = vector.broadcast %shift_right_logical3A_310 : i32 to vector<16xi32>
    %shift_right_logical3A_312 = arith.shrui %get3A_295, %shift_right_logical3A_311 : vector<16xi32>
    %add3A_313 = arith.addi %mul3A_309, %shift_right_logical3A_312 : vector<16xi32>
    %mul3A_314 = arith.constant 8 : i32
    %mul3A_315 = vector.broadcast %mul3A_314 : i32 to vector<16xi32>
    %mul3A_316 = arith.muli %add3A_313, %mul3A_315 : vector<16xi32>
    %and3A_317 = arith.constant 7 : i32
    %and3A_318 = vector.broadcast %and3A_317 : i32 to vector<16xi32>
    %and3A_319 = arith.andi %get3A_297, %and3A_318 : vector<16xi32>
    %add3A_320 = arith.addi %mul3A_316, %and3A_319 : vector<16xi32>
    %mul3A_321 = arith.constant 16 : i32
    %mul3A_322 = vector.broadcast %mul3A_321 : i32 to vector<16xi32>
    %mul3A_323 = arith.muli %add3A_320, %mul3A_322 : vector<16xi32>
    %add3A_324 = arith.addi %mul3A_323, %and3A_303 : vector<16xi32>
    %swap3A_325 = arith.constant 112 : index
    %swap3A_326 = tpu.vector_load %arg11[%swap3A_325] {strides = array<i32>} : memref<128xi32, #tpu.memory_space<vmem>>, vector<16xi32>,
    tpu.vector_store %arg11[%swap3A_325], %add3A_324 {strides = array<i32>} : memref<128xi32, #tpu.memory_space<vmem>>, vector<16xi32>,
    %shift_right_logical3A_327 = arith.constant 7 : i32
    %shift_right_logical3A_328 = vector.broadcast %shift_right_logical3A_327 : i32 to vector<16xi32>
    %shift_right_logical3A_329 = arith.shrui %get3A_295, %shift_right_logical3A_328 : vector<16xi32>
    %mul3A_330 = arith.constant 128 : i32
    %mul3A_331 = vector.broadcast %mul3A_330 : i32 to vector<16xi32>
    %mul3A_332 = arith.muli %shift_right_logical3A_329, %mul3A_331 : vector<16xi32>
    %add3A_333 = arith.addi %mul3A_332, %and3A_303 : vector<16xi32>
    %swap3A_334 = arith.constant 112 : index
    %swap3A_335 = tpu.vector_load %arg12[%swap3A_334] {strides = array<i32>} : memref<128xi32, #tpu.memory_space<vmem>>, vector<16xi32>,
    tpu.vector_store %arg12[%swap3A_334], %add3A_333 {strides = array<i32>} : memref<128xi32, #tpu.memory_space<vmem>>, vector<16xi32>,
    %iota3A = tpu.iota {dimensions = array<i32: 0>} : vector<16xi32>
    %scan3A = arith.constant 0 : i32
    %scan3A_336 = arith.constant 0 : i32
    %scan3A_337 = arith.constant 25 : i32
    %scan3A_338 = arith.addi %scan3A_336, %scan3A_337 : i32
    %scan3A_339 = arith.constant 1 : i32
    scf.for %scan3A_631 = %scan3A_336 to %scan3A_338 step %scan3A_339  : i32 {
      %get3A_632 = arith.constant 0 : index
      %get3A_633 = tpu.vector_load %arg11[%get3A_632] {strides = array<i32>} : memref<128xi32, #tpu.memory_space<vmem>>, vector<16xi32>,
      %mul3A_634 = arith.constant 2 : i32
      %mul3A_635 = arith.muli %mul3A_634, %scan3A_631 : i32
      %add3A_636 = arith.constant 0 : i32
      %add3A_637 = arith.addi %mul3A_635, %add3A_636 : i32
      %mul3A_638 = arith.constant 128000 : i32
      %mul3A_639 = arith.muli %add3A_637, %mul3A_638 : i32
      %add3A_640 = vector.broadcast %mul3A_639 : i32 to vector<16xi32>
      %add3A_641 = arith.addi %get3A_633, %add3A_640 : vector<16xi32>
      %swap3A_642 = arith.constant 0 : i32
      %swap3A_643 = tpu.memref_slice %arg13[%scan3A_631, %swap3A_642] : memref<25x128xi32, #tpu.memory_space<vmem>> -> memref<1x128xi32, #tpu.memory_space<vmem>>
      %swap3A_644 = tpu.memref_squeeze %swap3A_643 : memref<1x128xi32, #tpu.memory_space<vmem>> -> memref<128xi32, #tpu.memory_space<vmem>>
      %swap3A_645 = arith.constant 0 : index
      %swap3A_646 = tpu.vector_load %swap3A_644[%swap3A_645] {strides = array<i32>} : memref<128xi32, #tpu.memory_space<vmem>>, vector<16xi32>,
      tpu.vector_store %swap3A_644[%swap3A_645], %add3A_641 {strides = array<i32>} : memref<128xi32, #tpu.memory_space<vmem>>, vector<16xi32>,
      %get3A_647 = arith.constant 16 : index
      %get3A_648 = tpu.vector_load %arg11[%get3A_647] {strides = array<i32>} : memref<128xi32, #tpu.memory_space<vmem>>, vector<16xi32>,
      %mul3A_649 = arith.constant 2 : i32
      %mul3A_650 = arith.muli %mul3A_649, %scan3A_631 : i32
      %add3A_651 = arith.constant 0 : i32
      %add3A_652 = arith.addi %mul3A_650, %add3A_651 : i32
      %mul3A_653 = arith.constant 128000 : i32
      %mul3A_654 = arith.muli %add3A_652, %mul3A_653 : i32
      %add3A_655 = vector.broadcast %mul3A_654 : i32 to vector<16xi32>
      %add3A_656 = arith.addi %get3A_648, %add3A_655 : vector<16xi32>
      %swap3A_657 = arith.constant 0 : i32
      %swap3A_658 = tpu.memref_slice %arg13[%scan3A_631, %swap3A_657] : memref<25x128xi32, #tpu.memory_space<vmem>> -> memref<1x128xi32, #tpu.memory_space<vmem>>
      %swap3A_659 = tpu.memref_squeeze %swap3A_658 : memref<1x128xi32, #tpu.memory_space<vmem>> -> memref<128xi32, #tpu.memory_space<vmem>>
      %swap3A_660 = arith.constant 16 : index
      %swap3A_661 = tpu.vector_load %swap3A_659[%swap3A_660] {strides = array<i32>} : memref<128xi32, #tpu.memory_space<vmem>>, vector<16xi32>,
      tpu.vector_store %swap3A_659[%swap3A_660], %add3A_656 {strides = array<i32>} : memref<128xi32, #tpu.memory_space<vmem>>, vector<16xi32>,
      %get3A_662 = arith.constant 32 : index
      %get3A_663 = tpu.vector_load %arg11[%get3A_662] {strides = array<i32>} : memref<128xi32, #tpu.memory_space<vmem>>, vector<16xi32>,
      %mul3A_664 = arith.constant 2 : i32
      %mul3A_665 = arith.muli %mul3A_664, %scan3A_631 : i32
      %add3A_666 = arith.constant 0 : i32
      %add3A_667 = arith.addi %mul3A_665, %add3A_666 : i32
      %mul3A_668 = arith.constant 128000 : i32
      %mul3A_669 = arith.muli %add3A_667, %mul3A_668 : i32
      %add3A_670 = vector.broadcast %mul3A_669 : i32 to vector<16xi32>
      %add3A_671 = arith.addi %get3A_663, %add3A_670 : vector<16xi32>
      %swap3A_672 = arith.constant 0 : i32
      %swap3A_673 = tpu.memref_slice %arg13[%scan3A_631, %swap3A_672] : memref<25x128xi32, #tpu.memory_space<vmem>> -> memref<1x128xi32, #tpu.memory_space<vmem>>
      %swap3A_674 = tpu.memref_squeeze %swap3A_673 : memref<1x128xi32, #tpu.memory_space<vmem>> -> memref<128xi32, #tpu.memory_space<vmem>>
      %swap3A_675 = arith.constant 32 : index
      %swap3A_676 = tpu.vector_load %swap3A_674[%swap3A_675] {strides = array<i32>} : memref<128xi32, #tpu.memory_space<vmem>>, vector<16xi32>,
      tpu.vector_store %swap3A_674[%swap3A_675], %add3A_671 {strides = array<i32>} : memref<128xi32, #tpu.memory_space<vmem>>, vector<16xi32>,
      %get3A_677 = arith.constant 48 : index
      %get3A_678 = tpu.vector_load %arg11[%get3A_677] {strides = array<i32>} : memref<128xi32, #tpu.memory_space<vmem>>, vector<16xi32>,
      %mul3A_679 = arith.constant 2 : i32
      %mul3A_680 = arith.muli %mul3A_679, %scan3A_631 : i32
      %add3A_681 = arith.constant 0 : i32
      %add3A_682 = arith.addi %mul3A_680, %add3A_681 : i32
      %mul3A_683 = arith.constant 128000 : i32
      %mul3A_684 = arith.muli %add3A_682, %mul3A_683 : i32
      %add3A_685 = vector.broadcast %mul3A_684 : i32 to vector<16xi32>
      %add3A_686 = arith.addi %get3A_678, %add3A_685 : vector<16xi32>
      %swap3A_687 = arith.constant 0 : i32
      %swap3A_688 = tpu.memref_slice %arg13[%scan3A_631, %swap3A_687] : memref<25x128xi32, #tpu.memory_space<vmem>> -> memref<1x128xi32, #tpu.memory_space<vmem>>
      %swap3A_689 = tpu.memref_squeeze %swap3A_688 : memref<1x128xi32, #tpu.memory_space<vmem>> -> memref<128xi32, #tpu.memory_space<vmem>>
      %swap3A_690 = arith.constant 48 : index
      %swap3A_691 = tpu.vector_load %swap3A_689[%swap3A_690] {strides = array<i32>} : memref<128xi32, #tpu.memory_space<vmem>>, vector<16xi32>,
      tpu.vector_store %swap3A_689[%swap3A_690], %add3A_686 {strides = array<i32>} : memref<128xi32, #tpu.memory_space<vmem>>, vector<16xi32>,
      %get3A_692 = arith.constant 0 : index
      %get3A_693 = tpu.vector_load %arg11[%get3A_692] {strides = array<i32>} : memref<128xi32, #tpu.memory_space<vmem>>, vector<16xi32>,
      %mul3A_694 = arith.constant 2 : i32
      %mul3A_695 = arith.muli %mul3A_694, %scan3A_631 : i32
      %add3A_696 = arith.constant 1 : i32
      %add3A_697 = arith.addi %mul3A_695, %add3A_696 : i32
      %mul3A_698 = arith.constant 128000 : i32
      %mul3A_699 = arith.muli %add3A_697, %mul3A_698 : i32
      %add3A_700 = vector.broadcast %mul3A_699 : i32 to vector<16xi32>
      %add3A_701 = arith.addi %get3A_693, %add3A_700 : vector<16xi32>
      %swap3A_702 = arith.constant 0 : i32
      %swap3A_703 = tpu.memref_slice %arg13[%scan3A_631, %swap3A_702] : memref<25x128xi32, #tpu.memory_space<vmem>> -> memref<1x128xi32, #tpu.memory_space<vmem>>
      %swap3A_704 = tpu.memref_squeeze %swap3A_703 : memref<1x128xi32, #tpu.memory_space<vmem>> -> memref<128xi32, #tpu.memory_space<vmem>>
      %swap3A_705 = arith.constant 64 : index
      %swap3A_706 = tpu.vector_load %swap3A_704[%swap3A_705] {strides = array<i32>} : memref<128xi32, #tpu.memory_space<vmem>>, vector<16xi32>,
      tpu.vector_store %swap3A_704[%swap3A_705], %add3A_701 {strides = array<i32>} : memref<128xi32, #tpu.memory_space<vmem>>, vector<16xi32>,
      %get3A_707 = arith.constant 16 : index
      %get3A_708 = tpu.vector_load %arg11[%get3A_707] {strides = array<i32>} : memref<128xi32, #tpu.memory_space<vmem>>, vector<16xi32>,
      %mul3A_709 = arith.constant 2 : i32
      %mul3A_710 = arith.muli %mul3A_709, %scan3A_631 : i32
      %add3A_711 = arith.constant 1 : i32
      %add3A_712 = arith.addi %mul3A_710, %add3A_711 : i32
      %mul3A_713 = arith.constant 128000 : i32
      %mul3A_714 = arith.muli %add3A_712, %mul3A_713 : i32
      %add3A_715 = vector.broadcast %mul3A_714 : i32 to vector<16xi32>
      %add3A_716 = arith.addi %get3A_708, %add3A_715 : vector<16xi32>
      %swap3A_717 = arith.constant 0 : i32
      %swap3A_718 = tpu.memref_slice %arg13[%scan3A_631, %swap3A_717] : memref<25x128xi32, #tpu.memory_space<vmem>> -> memref<1x128xi32, #tpu.memory_space<vmem>>
      %swap3A_719 = tpu.memref_squeeze %swap3A_718 : memref<1x128xi32, #tpu.memory_space<vmem>> -> memref<128xi32, #tpu.memory_space<vmem>>
      %swap3A_720 = arith.constant 80 : index
      %swap3A_721 = tpu.vector_load %swap3A_719[%swap3A_720] {strides = array<i32>} : memref<128xi32, #tpu.memory_space<vmem>>, vector<16xi32>,
      tpu.vector_store %swap3A_719[%swap3A_720], %add3A_716 {strides = array<i32>} : memref<128xi32, #tpu.memory_space<vmem>>, vector<16xi32>,
      %get3A_722 = arith.constant 32 : index
      %get3A_723 = tpu.vector_load %arg11[%get3A_722] {strides = array<i32>} : memref<128xi32, #tpu.memory_space<vmem>>, vector<16xi32>,
      %mul3A_724 = arith.constant 2 : i32
      %mul3A_725 = arith.muli %mul3A_724, %scan3A_631 : i32
      %add3A_726 = arith.constant 1 : i32
      %add3A_727 = arith.addi %mul3A_725, %add3A_726 : i32
      %mul3A_728 = arith.constant 128000 : i32
      %mul3A_729 = arith.muli %add3A_727, %mul3A_728 : i32
      %add3A_730 = vector.broadcast %mul3A_729 : i32 to vector<16xi32>
      %add3A_731 = arith.addi %get3A_723, %add3A_730 : vector<16xi32>
      %swap3A_732 = arith.constant 0 : i32
      %swap3A_733 = tpu.memref_slice %arg13[%scan3A_631, %swap3A_732] : memref<25x128xi32, #tpu.memory_space<vmem>> -> memref<1x128xi32, #tpu.memory_space<vmem>>
      %swap3A_734 = tpu.memref_squeeze %swap3A_733 : memref<1x128xi32, #tpu.memory_space<vmem>> -> memref<128xi32, #tpu.memory_space<vmem>>
      %swap3A_735 = arith.constant 96 : index
      %swap3A_736 = tpu.vector_load %swap3A_734[%swap3A_735] {strides = array<i32>} : memref<128xi32, #tpu.memory_space<vmem>>, vector<16xi32>,
      tpu.vector_store %swap3A_734[%swap3A_735], %add3A_731 {strides = array<i32>} : memref<128xi32, #tpu.memory_space<vmem>>, vector<16xi32>,
      %get3A_737 = arith.constant 48 : index
      %get3A_738 = tpu.vector_load %arg11[%get3A_737] {strides = array<i32>} : memref<128xi32, #tpu.memory_space<vmem>>, vector<16xi32>,
      %mul3A_739 = arith.constant 2 : i32
      %mul3A_740 = arith.muli %mul3A_739, %scan3A_631 : i32
      %add3A_741 = arith.constant 1 : i32
      %add3A_742 = arith.addi %mul3A_740, %add3A_741 : i32
      %mul3A_743 = arith.constant 128000 : i32
      %mul3A_744 = arith.muli %add3A_742, %mul3A_743 : i32
      %add3A_745 = vector.broadcast %mul3A_744 : i32 to vector<16xi32>
      %add3A_746 = arith.addi %get3A_738, %add3A_745 : vector<16xi32>
      %swap3A_747 = arith.constant 0 : i32
      %swap3A_748 = tpu.memref_slice %arg13[%scan3A_631, %swap3A_747] : memref<25x128xi32, #tpu.memory_space<vmem>> -> memref<1x128xi32, #tpu.memory_space<vmem>>
      %swap3A_749 = tpu.memref_squeeze %swap3A_748 : memref<1x128xi32, #tpu.memory_space<vmem>> -> memref<128xi32, #tpu.memory_space<vmem>>
      %swap3A_750 = arith.constant 112 : index
      %swap3A_751 = tpu.vector_load %swap3A_749[%swap3A_750] {strides = array<i32>} : memref<128xi32, #tpu.memory_space<vmem>>, vector<16xi32>,
      tpu.vector_store %swap3A_749[%swap3A_750], %add3A_746 {strides = array<i32>} : memref<128xi32, #tpu.memory_space<vmem>>, vector<16xi32>,
      %mul3A_752 = arith.constant 128 : i32
      %mul3A_753 = arith.muli %scan3A_631, %mul3A_752 : i32
      %multiple_of3A_754 = tpu.assume_multiple %mul3A_753, 128 : i32
      %dma_start3A = arith.constant 0 : i32
      %dma_start3A_755 = tpu.memref_slice %arg17[%multiple_of3A_754, %dma_start3A] : memref<3200x8xi32, #tpu.memory_space<vmem>> -> memref<128x8xi32, #tpu.memory_space<vmem>>
      %dma_start3A_756 = arith.constant 0 : i32
      %dma_start3A_757 = tpu.memref_slice %arg13[%scan3A_631, %dma_start3A_756] : memref<25x128xi32, #tpu.memory_space<vmem>> -> memref<1x128xi32, #tpu.memory_space<vmem>>
      %dma_start3A_758 = tpu.memref_squeeze %dma_start3A_757 : memref<1x128xi32, #tpu.memory_space<vmem>> -> memref<128xi32, #tpu.memory_space<vmem>>
      %dma_start3A_759 = arith.constant 0 : i32
      %dma_start3A_760 = arith.constant 0 : i32
      %dma_start3A_761 = tpu.memref_slice %arg5[%dma_start3A_759, %dma_start3A_760] : memref<6400000x8xi32, #tpu.memory_space<hbm>> -> memref<6400000x8xi32, #tpu.memory_space<hbm>>
      tpu.enqueue_indirect_dma source(%dma_start3A_761 : memref<6400000x8xi32, #tpu.memory_space<hbm>>) target(%dma_start3A_755 : memref<128x8xi32, #tpu.memory_space<vmem>>) offsets(%dma_start3A_758 : memref<128xi32, #tpu.memory_space<vmem>>) semaphore(%arg24 : memref<!tpu.dma_semaphore, #tpu.memory_space<semaphore_mem>>)
    }
    %scan3A_340 = arith.constant 25 : i32
    %dma_wait3A = arith.constant 0 : i32
    %dma_wait3A_341 = arith.constant 0 : i32
    %dma_wait3A_342 = tpu.memref_slice %arg5[%dma_wait3A, %dma_wait3A_341] : memref<6400000x8xi32, #tpu.memory_space<hbm>> -> memref<3200x8xi32, #tpu.memory_space<hbm>>
    %dma_wait3A_343 = arith.constant 0 : i32
    %dma_wait3A_344 = arith.constant 0 : i32
    %dma_wait3A_345 = tpu.memref_slice %arg5[%dma_wait3A_343, %dma_wait3A_344] : memref<6400000x8xi32, #tpu.memory_space<hbm>> -> memref<3200x8xi32, #tpu.memory_space<hbm>>
    tpu.wait_dma2 semaphore(%arg24 : memref<!tpu.dma_semaphore, #tpu.memory_space<semaphore_mem>>) src(%dma_wait3A_345 : memref<3200x8xi32, #tpu.memory_space<hbm>>) dst(%arg17 : memref<3200x8xi32, #tpu.memory_space<vmem>>)
    %scan3A_346 = arith.constant 0 : i32
    %scan3A_347 = arith.constant 0 : i32
    %scan3A_348 = arith.constant 25 : i32
    %scan3A_349 = arith.addi %scan3A_347, %scan3A_348 : i32
    %scan3A_350 = arith.constant 1 : i32
    scf.for %scan3A_631 = %scan3A_347 to %scan3A_349 step %scan3A_350  : i32 {
      %mul3A_632 = arith.constant 128 : i32
      %mul3A_633 = arith.muli %scan3A_631, %mul3A_632 : i32
      %multiple_of3A_634 = tpu.assume_multiple %mul3A_633, 128 : i32
      %get3A_635 = arith.constant 0 : index
      %get3A_636 = tpu.vector_load %arg9[%get3A_635] {strides = array<i32>} : memref<128xi32, #tpu.memory_space<vmem>>, vector<16xi32>,
      %and3A_637 = arith.constant 7 : i32
      %and3A_638 = vector.broadcast %and3A_637 : i32 to vector<16xi32>
      %and3A_639 = arith.andi %get3A_636, %and3A_638 : vector<16xi32>
      %add3A_640 = arith.constant 0 : i32
      %add3A_641 = arith.addi %multiple_of3A_634, %add3A_640 : i32
      %add3A_642 = vector.broadcast %add3A_641 : i32 to vector<16xi32>
      %add3A_643 = arith.addi %add3A_642, %iota3A : vector<16xi32>
      %gather3A_644 = tpu.vector_load_idx %arg17[%add3A_643, %and3A_639] : memref<3200x8xi32, #tpu.memory_space<vmem>>[vector<16xi32>, vector<16xi32>], vector<16xi32>,
      %shift_right_logical3A_645 = arith.constant 3 : i32
      %shift_right_logical3A_646 = vector.broadcast %shift_right_logical3A_645 : i32 to vector<16xi32>
      %shift_right_logical3A_647 = arith.shrui %gather3A_644, %shift_right_logical3A_646 : vector<16xi32>
      %mul3A_648 = arith.constant 1024 : i32
      %mul3A_649 = vector.broadcast %mul3A_648 : i32 to vector<16xi32>
      %mul3A_650 = arith.muli %shift_right_logical3A_647, %mul3A_649 : vector<16xi32>
      %and3A_651 = arith.constant 7 : i32
      %and3A_652 = vector.broadcast %and3A_651 : i32 to vector<16xi32>
      %and3A_653 = arith.andi %gather3A_644, %and3A_652 : vector<16xi32>
      %mul3A_654 = arith.constant 16 : i32
      %mul3A_655 = vector.broadcast %mul3A_654 : i32 to vector<16xi32>
      %mul3A_656 = arith.muli %and3A_653, %mul3A_655 : vector<16xi32>
      %add3A_657 = arith.addi %mul3A_650, %mul3A_656 : vector<16xi32>
      %get3A_658 = arith.constant 0 : index
      %get3A_659 = tpu.vector_load %arg12[%get3A_658] {strides = array<i32>} : memref<128xi32, #tpu.memory_space<vmem>>, vector<16xi32>,
      %add3A_660 = arith.addi %add3A_657, %get3A_659 : vector<16xi32>
      %swap3A_661 = arith.constant 0 : i32
      %swap3A_662 = tpu.memref_slice %arg15[%scan3A_631, %swap3A_661] : memref<25x128xi32, #tpu.memory_space<vmem>> -> memref<1x128xi32, #tpu.memory_space<vmem>>
      %swap3A_663 = tpu.memref_squeeze %swap3A_662 : memref<1x128xi32, #tpu.memory_space<vmem>> -> memref<128xi32, #tpu.memory_space<vmem>>
      %swap3A_664 = arith.constant 0 : index
      %swap3A_665 = tpu.vector_load %swap3A_663[%swap3A_664] {strides = array<i32>} : memref<128xi32, #tpu.memory_space<vmem>>, vector<16xi32>,
      tpu.vector_store %swap3A_663[%swap3A_664], %add3A_660 {strides = array<i32>} : memref<128xi32, #tpu.memory_space<vmem>>, vector<16xi32>,
      %mul3A_666 = arith.constant 125 : i32
      %mul3A_667 = vector.broadcast %mul3A_666 : i32 to vector<16xi32>
      %mul3A_668 = arith.muli %gather3A_644, %mul3A_667 : vector<16xi32>
      %get3A_669 = arith.constant 0 : index
      %get3A_670 = tpu.vector_load %arg10[%get3A_669] {strides = array<i32>} : memref<128xi32, #tpu.memory_space<vmem>>, vector<16xi32>,
      %shift_right_logical3A_671 = arith.constant 3 : i32
      %shift_right_logical3A_672 = vector.broadcast %shift_right_logical3A_671 : i32 to vector<16xi32>
      %shift_right_logical3A_673 = arith.shrui %get3A_670, %shift_right_logical3A_672 : vector<16xi32>
      %add3A_674 = arith.addi %mul3A_668, %shift_right_logical3A_673 : vector<16xi32>
      %swap3A_675 = arith.constant 0 : i32
      %swap3A_676 = tpu.memref_slice %arg16[%scan3A_631, %swap3A_675] : memref<25x128xi32, #tpu.memory_space<vmem>> -> memref<1x128xi32, #tpu.memory_space<vmem>>
      %swap3A_677 = tpu.memref_squeeze %swap3A_676 : memref<1x128xi32, #tpu.memory_space<vmem>> -> memref<128xi32, #tpu.memory_space<vmem>>
      %swap3A_678 = arith.constant 0 : index
      %swap3A_679 = tpu.vector_load %swap3A_677[%swap3A_678] {strides = array<i32>} : memref<128xi32, #tpu.memory_space<vmem>>, vector<16xi32>,
      tpu.vector_store %swap3A_677[%swap3A_678], %add3A_674 {strides = array<i32>} : memref<128xi32, #tpu.memory_space<vmem>>, vector<16xi32>,
      %get3A_680 = arith.constant 16 : index
      %get3A_681 = tpu.vector_load %arg9[%get3A_680] {strides = array<i32>} : memref<128xi32, #tpu.memory_space<vmem>>, vector<16xi32>,
      %and3A_682 = arith.constant 7 : i32
      %and3A_683 = vector.broadcast %and3A_682 : i32 to vector<16xi32>
      %and3A_684 = arith.andi %get3A_681, %and3A_683 : vector<16xi32>
      %add3A_685 = arith.constant 16 : i32
      %add3A_686 = arith.addi %multiple_of3A_634, %add3A_685 : i32
      %add3A_687 = vector.broadcast %add3A_686 : i32 to vector<16xi32>
      %add3A_688 = arith.addi %add3A_687, %iota3A : vector<16xi32>
      %gather3A_689 = tpu.vector_load_idx %arg17[%add3A_688, %and3A_684] : memref<3200x8xi32, #tpu.memory_space<vmem>>[vector<16xi32>, vector<16xi32>], vector<16xi32>,
      %shift_right_logical3A_690 = arith.constant 3 : i32
      %shift_right_logical3A_691 = vector.broadcast %shift_right_logical3A_690 : i32 to vector<16xi32>
      %shift_right_logical3A_692 = arith.shrui %gather3A_689, %shift_right_logical3A_691 : vector<16xi32>
      %mul3A_693 = arith.constant 1024 : i32
      %mul3A_694 = vector.broadcast %mul3A_693 : i32 to vector<16xi32>
      %mul3A_695 = arith.muli %shift_right_logical3A_692, %mul3A_694 : vector<16xi32>
      %and3A_696 = arith.constant 7 : i32
      %and3A_697 = vector.broadcast %and3A_696 : i32 to vector<16xi32>
      %and3A_698 = arith.andi %gather3A_689, %and3A_697 : vector<16xi32>
      %mul3A_699 = arith.constant 16 : i32
      %mul3A_700 = vector.broadcast %mul3A_699 : i32 to vector<16xi32>
      %mul3A_701 = arith.muli %and3A_698, %mul3A_700 : vector<16xi32>
      %add3A_702 = arith.addi %mul3A_695, %mul3A_701 : vector<16xi32>
      %get3A_703 = arith.constant 16 : index
      %get3A_704 = tpu.vector_load %arg12[%get3A_703] {strides = array<i32>} : memref<128xi32, #tpu.memory_space<vmem>>, vector<16xi32>,
      %add3A_705 = arith.addi %add3A_702, %get3A_704 : vector<16xi32>
      %swap3A_706 = arith.constant 0 : i32
      %swap3A_707 = tpu.memref_slice %arg15[%scan3A_631, %swap3A_706] : memref<25x128xi32, #tpu.memory_space<vmem>> -> memref<1x128xi32, #tpu.memory_space<vmem>>
      %swap3A_708 = tpu.memref_squeeze %swap3A_707 : memref<1x128xi32, #tpu.memory_space<vmem>> -> memref<128xi32, #tpu.memory_space<vmem>>
      %swap3A_709 = arith.constant 16 : index
      %swap3A_710 = tpu.vector_load %swap3A_708[%swap3A_709] {strides = array<i32>} : memref<128xi32, #tpu.memory_space<vmem>>, vector<16xi32>,
      tpu.vector_store %swap3A_708[%swap3A_709], %add3A_705 {strides = array<i32>} : memref<128xi32, #tpu.memory_space<vmem>>, vector<16xi32>,
      %mul3A_711 = arith.constant 125 : i32
      %mul3A_712 = vector.broadcast %mul3A_711 : i32 to vector<16xi32>
      %mul3A_713 = arith.muli %gather3A_689, %mul3A_712 : vector<16xi32>
      %get3A_714 = arith.constant 16 : index
      %get3A_715 = tpu.vector_load %arg10[%get3A_714] {strides = array<i32>} : memref<128xi32, #tpu.memory_space<vmem>>, vector<16xi32>,
      %shift_right_logical3A_716 = arith.constant 3 : i32
      %shift_right_logical3A_717 = vector.broadcast %shift_right_logical3A_716 : i32 to vector<16xi32>
      %shift_right_logical3A_718 = arith.shrui %get3A_715, %shift_right_logical3A_717 : vector<16xi32>
      %add3A_719 = arith.addi %mul3A_713, %shift_right_logical3A_718 : vector<16xi32>
      %swap3A_720 = arith.constant 0 : i32
      %swap3A_721 = tpu.memref_slice %arg16[%scan3A_631, %swap3A_720] : memref<25x128xi32, #tpu.memory_space<vmem>> -> memref<1x128xi32, #tpu.memory_space<vmem>>
      %swap3A_722 = tpu.memref_squeeze %swap3A_721 : memref<1x128xi32, #tpu.memory_space<vmem>> -> memref<128xi32, #tpu.memory_space<vmem>>
      %swap3A_723 = arith.constant 16 : index
      %swap3A_724 = tpu.vector_load %swap3A_722[%swap3A_723] {strides = array<i32>} : memref<128xi32, #tpu.memory_space<vmem>>, vector<16xi32>,
      tpu.vector_store %swap3A_722[%swap3A_723], %add3A_719 {strides = array<i32>} : memref<128xi32, #tpu.memory_space<vmem>>, vector<16xi32>,
      %get3A_725 = arith.constant 32 : index
      %get3A_726 = tpu.vector_load %arg9[%get3A_725] {strides = array<i32>} : memref<128xi32, #tpu.memory_space<vmem>>, vector<16xi32>,
      %and3A_727 = arith.constant 7 : i32
      %and3A_728 = vector.broadcast %and3A_727 : i32 to vector<16xi32>
      %and3A_729 = arith.andi %get3A_726, %and3A_728 : vector<16xi32>
      %add3A_730 = arith.constant 32 : i32
      %add3A_731 = arith.addi %multiple_of3A_634, %add3A_730 : i32
      %add3A_732 = vector.broadcast %add3A_731 : i32 to vector<16xi32>
      %add3A_733 = arith.addi %add3A_732, %iota3A : vector<16xi32>
      %gather3A_734 = tpu.vector_load_idx %arg17[%add3A_733, %and3A_729] : memref<3200x8xi32, #tpu.memory_space<vmem>>[vector<16xi32>, vector<16xi32>], vector<16xi32>,
      %shift_right_logical3A_735 = arith.constant 3 : i32
      %shift_right_logical3A_736 = vector.broadcast %shift_right_logical3A_735 : i32 to vector<16xi32>
      %shift_right_logical3A_737 = arith.shrui %gather3A_734, %shift_right_logical3A_736 : vector<16xi32>
      %mul3A_738 = arith.constant 1024 : i32
      %mul3A_739 = vector.broadcast %mul3A_738 : i32 to vector<16xi32>
      %mul3A_740 = arith.muli %shift_right_logical3A_737, %mul3A_739 : vector<16xi32>
      %and3A_741 = arith.constant 7 : i32
      %and3A_742 = vector.broadcast %and3A_741 : i32 to vector<16xi32>
      %and3A_743 = arith.andi %gather3A_734, %and3A_742 : vector<16xi32>
      %mul3A_744 = arith.constant 16 : i32
      %mul3A_745 = vector.broadcast %mul3A_744 : i32 to vector<16xi32>
      %mul3A_746 = arith.muli %and3A_743, %mul3A_745 : vector<16xi32>
      %add3A_747 = arith.addi %mul3A_740, %mul3A_746 : vector<16xi32>
      %get3A_748 = arith.constant 32 : index
      %get3A_749 = tpu.vector_load %arg12[%get3A_748] {strides = array<i32>} : memref<128xi32, #tpu.memory_space<vmem>>, vector<16xi32>,
      %add3A_750 = arith.addi %add3A_747, %get3A_749 : vector<16xi32>
      %swap3A_751 = arith.constant 0 : i32
      %swap3A_752 = tpu.memref_slice %arg15[%scan3A_631, %swap3A_751] : memref<25x128xi32, #tpu.memory_space<vmem>> -> memref<1x128xi32, #tpu.memory_space<vmem>>
      %swap3A_753 = tpu.memref_squeeze %swap3A_752 : memref<1x128xi32, #tpu.memory_space<vmem>> -> memref<128xi32, #tpu.memory_space<vmem>>
      %swap3A_754 = arith.constant 32 : index
      %swap3A_755 = tpu.vector_load %swap3A_753[%swap3A_754] {strides = array<i32>} : memref<128xi32, #tpu.memory_space<vmem>>, vector<16xi32>,
      tpu.vector_store %swap3A_753[%swap3A_754], %add3A_750 {strides = array<i32>} : memref<128xi32, #tpu.memory_space<vmem>>, vector<16xi32>,
      %mul3A_756 = arith.constant 125 : i32
      %mul3A_757 = vector.broadcast %mul3A_756 : i32 to vector<16xi32>
      %mul3A_758 = arith.muli %gather3A_734, %mul3A_757 : vector<16xi32>
      %get3A_759 = arith.constant 32 : index
      %get3A_760 = tpu.vector_load %arg10[%get3A_759] {strides = array<i32>} : memref<128xi32, #tpu.memory_space<vmem>>, vector<16xi32>,
      %shift_right_logical3A_761 = arith.constant 3 : i32
      %shift_right_logical3A_762 = vector.broadcast %shift_right_logical3A_761 : i32 to vector<16xi32>
      %shift_right_logical3A_763 = arith.shrui %get3A_760, %shift_right_logical3A_762 : vector<16xi32>
      %add3A_764 = arith.addi %mul3A_758, %shift_right_logical3A_763 : vector<16xi32>
      %swap3A_765 = arith.constant 0 : i32
      %swap3A_766 = tpu.memref_slice %arg16[%scan3A_631, %swap3A_765] : memref<25x128xi32, #tpu.memory_space<vmem>> -> memref<1x128xi32, #tpu.memory_space<vmem>>
      %swap3A_767 = tpu.memref_squeeze %swap3A_766 : memref<1x128xi32, #tpu.memory_space<vmem>> -> memref<128xi32, #tpu.memory_space<vmem>>
      %swap3A_768 = arith.constant 32 : index
      %swap3A_769 = tpu.vector_load %swap3A_767[%swap3A_768] {strides = array<i32>} : memref<128xi32, #tpu.memory_space<vmem>>, vector<16xi32>,
      tpu.vector_store %swap3A_767[%swap3A_768], %add3A_764 {strides = array<i32>} : memref<128xi32, #tpu.memory_space<vmem>>, vector<16xi32>,
      %get3A_770 = arith.constant 48 : index
      %get3A_771 = tpu.vector_load %arg9[%get3A_770] {strides = array<i32>} : memref<128xi32, #tpu.memory_space<vmem>>, vector<16xi32>,
      %and3A_772 = arith.constant 7 : i32
      %and3A_773 = vector.broadcast %and3A_772 : i32 to vector<16xi32>
      %and3A_774 = arith.andi %get3A_771, %and3A_773 : vector<16xi32>
      %add3A_775 = arith.constant 48 : i32
      %add3A_776 = arith.addi %multiple_of3A_634, %add3A_775 : i32
      %add3A_777 = vector.broadcast %add3A_776 : i32 to vector<16xi32>
      %add3A_778 = arith.addi %add3A_777, %iota3A : vector<16xi32>
      %gather3A_779 = tpu.vector_load_idx %arg17[%add3A_778, %and3A_774] : memref<3200x8xi32, #tpu.memory_space<vmem>>[vector<16xi32>, vector<16xi32>], vector<16xi32>,
      %shift_right_logical3A_780 = arith.constant 3 : i32
      %shift_right_logical3A_781 = vector.broadcast %shift_right_logical3A_780 : i32 to vector<16xi32>
      %shift_right_logical3A_782 = arith.shrui %gather3A_779, %shift_right_logical3A_781 : vector<16xi32>
      %mul3A_783 = arith.constant 1024 : i32
      %mul3A_784 = vector.broadcast %mul3A_783 : i32 to vector<16xi32>
      %mul3A_785 = arith.muli %shift_right_logical3A_782, %mul3A_784 : vector<16xi32>
      %and3A_786 = arith.constant 7 : i32
      %and3A_787 = vector.broadcast %and3A_786 : i32 to vector<16xi32>
      %and3A_788 = arith.andi %gather3A_779, %and3A_787 : vector<16xi32>
      %mul3A_789 = arith.constant 16 : i32
      %mul3A_790 = vector.broadcast %mul3A_789 : i32 to vector<16xi32>
      %mul3A_791 = arith.muli %and3A_788, %mul3A_790 : vector<16xi32>
      %add3A_792 = arith.addi %mul3A_785, %mul3A_791 : vector<16xi32>
      %get3A_793 = arith.constant 48 : index
      %get3A_794 = tpu.vector_load %arg12[%get3A_793] {strides = array<i32>} : memref<128xi32, #tpu.memory_space<vmem>>, vector<16xi32>,
      %add3A_795 = arith.addi %add3A_792, %get3A_794 : vector<16xi32>
      %swap3A_796 = arith.constant 0 : i32
      %swap3A_797 = tpu.memref_slice %arg15[%scan3A_631, %swap3A_796] : memref<25x128xi32, #tpu.memory_space<vmem>> -> memref<1x128xi32, #tpu.memory_space<vmem>>
      %swap3A_798 = tpu.memref_squeeze %swap3A_797 : memref<1x128xi32, #tpu.memory_space<vmem>> -> memref<128xi32, #tpu.memory_space<vmem>>
      %swap3A_799 = arith.constant 48 : index
      %swap3A_800 = tpu.vector_load %swap3A_798[%swap3A_799] {strides = array<i32>} : memref<128xi32, #tpu.memory_space<vmem>>, vector<16xi32>,
      tpu.vector_store %swap3A_798[%swap3A_799], %add3A_795 {strides = array<i32>} : memref<128xi32, #tpu.memory_space<vmem>>, vector<16xi32>,
      %mul3A_801 = arith.constant 125 : i32
      %mul3A_802 = vector.broadcast %mul3A_801 : i32 to vector<16xi32>
      %mul3A_803 = arith.muli %gather3A_779, %mul3A_802 : vector<16xi32>
      %get3A_804 = arith.constant 48 : index
      %get3A_805 = tpu.vector_load %arg10[%get3A_804] {strides = array<i32>} : memref<128xi32, #tpu.memory_space<vmem>>, vector<16xi32>,
      %shift_right_logical3A_806 = arith.constant 3 : i32
      %shift_right_logical3A_807 = vector.broadcast %shift_right_logical3A_806 : i32 to vector<16xi32>
      %shift_right_logical3A_808 = arith.shrui %get3A_805, %shift_right_logical3A_807 : vector<16xi32>
      %add3A_809 = arith.addi %mul3A_803, %shift_right_logical3A_808 : vector<16xi32>
      %swap3A_810 = arith.constant 0 : i32
      %swap3A_811 = tpu.memref_slice %arg16[%scan3A_631, %swap3A_810] : memref<25x128xi32, #tpu.memory_space<vmem>> -> memref<1x128xi32, #tpu.memory_space<vmem>>
      %swap3A_812 = tpu.memref_squeeze %swap3A_811 : memref<1x128xi32, #tpu.memory_space<vmem>> -> memref<128xi32, #tpu.memory_space<vmem>>
      %swap3A_813 = arith.constant 48 : index
      %swap3A_814 = tpu.vector_load %swap3A_812[%swap3A_813] {strides = array<i32>} : memref<128xi32, #tpu.memory_space<vmem>>, vector<16xi32>,
      tpu.vector_store %swap3A_812[%swap3A_813], %add3A_809 {strides = array<i32>} : memref<128xi32, #tpu.memory_space<vmem>>, vector<16xi32>,
      %get3A_815 = arith.constant 0 : index
      %get3A_816 = tpu.vector_load %arg9[%get3A_815] {strides = array<i32>} : memref<128xi32, #tpu.memory_space<vmem>>, vector<16xi32>,
      %and3A_817 = arith.constant 7 : i32
      %and3A_818 = vector.broadcast %and3A_817 : i32 to vector<16xi32>
      %and3A_819 = arith.andi %get3A_816, %and3A_818 : vector<16xi32>
      %add3A_820 = arith.constant 64 : i32
      %add3A_821 = arith.addi %multiple_of3A_634, %add3A_820 : i32
      %add3A_822 = vector.broadcast %add3A_821 : i32 to vector<16xi32>
      %add3A_823 = arith.addi %add3A_822, %iota3A : vector<16xi32>
      %gather3A_824 = tpu.vector_load_idx %arg17[%add3A_823, %and3A_819] : memref<3200x8xi32, #tpu.memory_space<vmem>>[vector<16xi32>, vector<16xi32>], vector<16xi32>,
      %shift_right_logical3A_825 = arith.constant 3 : i32
      %shift_right_logical3A_826 = vector.broadcast %shift_right_logical3A_825 : i32 to vector<16xi32>
      %shift_right_logical3A_827 = arith.shrui %gather3A_824, %shift_right_logical3A_826 : vector<16xi32>
      %mul3A_828 = arith.constant 1024 : i32
      %mul3A_829 = vector.broadcast %mul3A_828 : i32 to vector<16xi32>
      %mul3A_830 = arith.muli %shift_right_logical3A_827, %mul3A_829 : vector<16xi32>
      %and3A_831 = arith.constant 7 : i32
      %and3A_832 = vector.broadcast %and3A_831 : i32 to vector<16xi32>
      %and3A_833 = arith.andi %gather3A_824, %and3A_832 : vector<16xi32>
      %mul3A_834 = arith.constant 16 : i32
      %mul3A_835 = vector.broadcast %mul3A_834 : i32 to vector<16xi32>
      %mul3A_836 = arith.muli %and3A_833, %mul3A_835 : vector<16xi32>
      %add3A_837 = arith.addi %mul3A_830, %mul3A_836 : vector<16xi32>
      %get3A_838 = arith.constant 0 : index
      %get3A_839 = tpu.vector_load %arg12[%get3A_838] {strides = array<i32>} : memref<128xi32, #tpu.memory_space<vmem>>, vector<16xi32>,
      %add3A_840 = arith.addi %add3A_837, %get3A_839 : vector<16xi32>
      %swap3A_841 = arith.constant 0 : i32
      %swap3A_842 = tpu.memref_slice %arg15[%scan3A_631, %swap3A_841] : memref<25x128xi32, #tpu.memory_space<vmem>> -> memref<1x128xi32, #tpu.memory_space<vmem>>
      %swap3A_843 = tpu.memref_squeeze %swap3A_842 : memref<1x128xi32, #tpu.memory_space<vmem>> -> memref<128xi32, #tpu.memory_space<vmem>>
      %swap3A_844 = arith.constant 64 : index
      %swap3A_845 = tpu.vector_load %swap3A_843[%swap3A_844] {strides = array<i32>} : memref<128xi32, #tpu.memory_space<vmem>>, vector<16xi32>,
      tpu.vector_store %swap3A_843[%swap3A_844], %add3A_840 {strides = array<i32>} : memref<128xi32, #tpu.memory_space<vmem>>, vector<16xi32>,
      %mul3A_846 = arith.constant 125 : i32
      %mul3A_847 = vector.broadcast %mul3A_846 : i32 to vector<16xi32>
      %mul3A_848 = arith.muli %gather3A_824, %mul3A_847 : vector<16xi32>
      %get3A_849 = arith.constant 0 : index
      %get3A_850 = tpu.vector_load %arg10[%get3A_849] {strides = array<i32>} : memref<128xi32, #tpu.memory_space<vmem>>, vector<16xi32>,
      %shift_right_logical3A_851 = arith.constant 3 : i32
      %shift_right_logical3A_852 = vector.broadcast %shift_right_logical3A_851 : i32 to vector<16xi32>
      %shift_right_logical3A_853 = arith.shrui %get3A_850, %shift_right_logical3A_852 : vector<16xi32>
      %add3A_854 = arith.addi %mul3A_848, %shift_right_logical3A_853 : vector<16xi32>
      %swap3A_855 = arith.constant 0 : i32
      %swap3A_856 = tpu.memref_slice %arg16[%scan3A_631, %swap3A_855] : memref<25x128xi32, #tpu.memory_space<vmem>> -> memref<1x128xi32, #tpu.memory_space<vmem>>
      %swap3A_857 = tpu.memref_squeeze %swap3A_856 : memref<1x128xi32, #tpu.memory_space<vmem>> -> memref<128xi32, #tpu.memory_space<vmem>>
      %swap3A_858 = arith.constant 64 : index
      %swap3A_859 = tpu.vector_load %swap3A_857[%swap3A_858] {strides = array<i32>} : memref<128xi32, #tpu.memory_space<vmem>>, vector<16xi32>,
      tpu.vector_store %swap3A_857[%swap3A_858], %add3A_854 {strides = array<i32>} : memref<128xi32, #tpu.memory_space<vmem>>, vector<16xi32>,
      %get3A_860 = arith.constant 16 : index
      %get3A_861 = tpu.vector_load %arg9[%get3A_860] {strides = array<i32>} : memref<128xi32, #tpu.memory_space<vmem>>, vector<16xi32>,
      %and3A_862 = arith.constant 7 : i32
      %and3A_863 = vector.broadcast %and3A_862 : i32 to vector<16xi32>
      %and3A_864 = arith.andi %get3A_861, %and3A_863 : vector<16xi32>
      %add3A_865 = arith.constant 80 : i32
      %add3A_866 = arith.addi %multiple_of3A_634, %add3A_865 : i32
      %add3A_867 = vector.broadcast %add3A_866 : i32 to vector<16xi32>
      %add3A_868 = arith.addi %add3A_867, %iota3A : vector<16xi32>
      %gather3A_869 = tpu.vector_load_idx %arg17[%add3A_868, %and3A_864] : memref<3200x8xi32, #tpu.memory_space<vmem>>[vector<16xi32>, vector<16xi32>], vector<16xi32>,
      %shift_right_logical3A_870 = arith.constant 3 : i32
      %shift_right_logical3A_871 = vector.broadcast %shift_right_logical3A_870 : i32 to vector<16xi32>
      %shift_right_logical3A_872 = arith.shrui %gather3A_869, %shift_right_logical3A_871 : vector<16xi32>
      %mul3A_873 = arith.constant 1024 : i32
      %mul3A_874 = vector.broadcast %mul3A_873 : i32 to vector<16xi32>
      %mul3A_875 = arith.muli %shift_right_logical3A_872, %mul3A_874 : vector<16xi32>
      %and3A_876 = arith.constant 7 : i32
      %and3A_877 = vector.broadcast %and3A_876 : i32 to vector<16xi32>
      %and3A_878 = arith.andi %gather3A_869, %and3A_877 : vector<16xi32>
      %mul3A_879 = arith.constant 16 : i32
      %mul3A_880 = vector.broadcast %mul3A_879 : i32 to vector<16xi32>
      %mul3A_881 = arith.muli %and3A_878, %mul3A_880 : vector<16xi32>
      %add3A_882 = arith.addi %mul3A_875, %mul3A_881 : vector<16xi32>
      %get3A_883 = arith.constant 16 : index
      %get3A_884 = tpu.vector_load %arg12[%get3A_883] {strides = array<i32>} : memref<128xi32, #tpu.memory_space<vmem>>, vector<16xi32>,
      %add3A_885 = arith.addi %add3A_882, %get3A_884 : vector<16xi32>
      %swap3A_886 = arith.constant 0 : i32
      %swap3A_887 = tpu.memref_slice %arg15[%scan3A_631, %swap3A_886] : memref<25x128xi32, #tpu.memory_space<vmem>> -> memref<1x128xi32, #tpu.memory_space<vmem>>
      %swap3A_888 = tpu.memref_squeeze %swap3A_887 : memref<1x128xi32, #tpu.memory_space<vmem>> -> memref<128xi32, #tpu.memory_space<vmem>>
      %swap3A_889 = arith.constant 80 : index
      %swap3A_890 = tpu.vector_load %swap3A_888[%swap3A_889] {strides = array<i32>} : memref<128xi32, #tpu.memory_space<vmem>>, vector<16xi32>,
      tpu.vector_store %swap3A_888[%swap3A_889], %add3A_885 {strides = array<i32>} : memref<128xi32, #tpu.memory_space<vmem>>, vector<16xi32>,
      %mul3A_891 = arith.constant 125 : i32
      %mul3A_892 = vector.broadcast %mul3A_891 : i32 to vector<16xi32>
      %mul3A_893 = arith.muli %gather3A_869, %mul3A_892 : vector<16xi32>
      %get3A_894 = arith.constant 16 : index
      %get3A_895 = tpu.vector_load %arg10[%get3A_894] {strides = array<i32>} : memref<128xi32, #tpu.memory_space<vmem>>, vector<16xi32>,
      %shift_right_logical3A_896 = arith.constant 3 : i32
      %shift_right_logical3A_897 = vector.broadcast %shift_right_logical3A_896 : i32 to vector<16xi32>
      %shift_right_logical3A_898 = arith.shrui %get3A_895, %shift_right_logical3A_897 : vector<16xi32>
      %add3A_899 = arith.addi %mul3A_893, %shift_right_logical3A_898 : vector<16xi32>
      %swap3A_900 = arith.constant 0 : i32
      %swap3A_901 = tpu.memref_slice %arg16[%scan3A_631, %swap3A_900] : memref<25x128xi32, #tpu.memory_space<vmem>> -> memref<1x128xi32, #tpu.memory_space<vmem>>
      %swap3A_902 = tpu.memref_squeeze %swap3A_901 : memref<1x128xi32, #tpu.memory_space<vmem>> -> memref<128xi32, #tpu.memory_space<vmem>>
      %swap3A_903 = arith.constant 80 : index
      %swap3A_904 = tpu.vector_load %swap3A_902[%swap3A_903] {strides = array<i32>} : memref<128xi32, #tpu.memory_space<vmem>>, vector<16xi32>,
      tpu.vector_store %swap3A_902[%swap3A_903], %add3A_899 {strides = array<i32>} : memref<128xi32, #tpu.memory_space<vmem>>, vector<16xi32>,
      %get3A_905 = arith.constant 32 : index
      %get3A_906 = tpu.vector_load %arg9[%get3A_905] {strides = array<i32>} : memref<128xi32, #tpu.memory_space<vmem>>, vector<16xi32>,
      %and3A_907 = arith.constant 7 : i32
      %and3A_908 = vector.broadcast %and3A_907 : i32 to vector<16xi32>
      %and3A_909 = arith.andi %get3A_906, %and3A_908 : vector<16xi32>
      %add3A_910 = arith.constant 96 : i32
      %add3A_911 = arith.addi %multiple_of3A_634, %add3A_910 : i32
      %add3A_912 = vector.broadcast %add3A_911 : i32 to vector<16xi32>
      %add3A_913 = arith.addi %add3A_912, %iota3A : vector<16xi32>
      %gather3A_914 = tpu.vector_load_idx %arg17[%add3A_913, %and3A_909] : memref<3200x8xi32, #tpu.memory_space<vmem>>[vector<16xi32>, vector<16xi32>], vector<16xi32>,
      %shift_right_logical3A_915 = arith.constant 3 : i32
      %shift_right_logical3A_916 = vector.broadcast %shift_right_logical3A_915 : i32 to vector<16xi32>
      %shift_right_logical3A_917 = arith.shrui %gather3A_914, %shift_right_logical3A_916 : vector<16xi32>
      %mul3A_918 = arith.constant 1024 : i32
      %mul3A_919 = vector.broadcast %mul3A_918 : i32 to vector<16xi32>
      %mul3A_920 = arith.muli %shift_right_logical3A_917, %mul3A_919 : vector<16xi32>
      %and3A_921 = arith.constant 7 : i32
      %and3A_922 = vector.broadcast %and3A_921 : i32 to vector<16xi32>
      %and3A_923 = arith.andi %gather3A_914, %and3A_922 : vector<16xi32>
      %mul3A_924 = arith.constant 16 : i32
      %mul3A_925 = vector.broadcast %mul3A_924 : i32 to vector<16xi32>
      %mul3A_926 = arith.muli %and3A_923, %mul3A_925 : vector<16xi32>
      %add3A_927 = arith.addi %mul3A_920, %mul3A_926 : vector<16xi32>
      %get3A_928 = arith.constant 32 : index
      %get3A_929 = tpu.vector_load %arg12[%get3A_928] {strides = array<i32>} : memref<128xi32, #tpu.memory_space<vmem>>, vector<16xi32>,
      %add3A_930 = arith.addi %add3A_927, %get3A_929 : vector<16xi32>
      %swap3A_931 = arith.constant 0 : i32
      %swap3A_932 = tpu.memref_slice %arg15[%scan3A_631, %swap3A_931] : memref<25x128xi32, #tpu.memory_space<vmem>> -> memref<1x128xi32, #tpu.memory_space<vmem>>
      %swap3A_933 = tpu.memref_squeeze %swap3A_932 : memref<1x128xi32, #tpu.memory_space<vmem>> -> memref<128xi32, #tpu.memory_space<vmem>>
      %swap3A_934 = arith.constant 96 : index
      %swap3A_935 = tpu.vector_load %swap3A_933[%swap3A_934] {strides = array<i32>} : memref<128xi32, #tpu.memory_space<vmem>>, vector<16xi32>,
      tpu.vector_store %swap3A_933[%swap3A_934], %add3A_930 {strides = array<i32>} : memref<128xi32, #tpu.memory_space<vmem>>, vector<16xi32>,
      %mul3A_936 = arith.constant 125 : i32
      %mul3A_937 = vector.broadcast %mul3A_936 : i32 to vector<16xi32>
      %mul3A_938 = arith.muli %gather3A_914, %mul3A_937 : vector<16xi32>
      %get3A_939 = arith.constant 32 : index
      %get3A_940 = tpu.vector_load %arg10[%get3A_939] {strides = array<i32>} : memref<128xi32, #tpu.memory_space<vmem>>, vector<16xi32>,
      %shift_right_logical3A_941 = arith.constant 3 : i32
      %shift_right_logical3A_942 = vector.broadcast %shift_right_logical3A_941 : i32 to vector<16xi32>
      %shift_right_logical3A_943 = arith.shrui %get3A_940, %shift_right_logical3A_942 : vector<16xi32>
      %add3A_944 = arith.addi %mul3A_938, %shift_right_logical3A_943 : vector<16xi32>
      %swap3A_945 = arith.constant 0 : i32
      %swap3A_946 = tpu.memref_slice %arg16[%scan3A_631, %swap3A_945] : memref<25x128xi32, #tpu.memory_space<vmem>> -> memref<1x128xi32, #tpu.memory_space<vmem>>
      %swap3A_947 = tpu.memref_squeeze %swap3A_946 : memref<1x128xi32, #tpu.memory_space<vmem>> -> memref<128xi32, #tpu.memory_space<vmem>>
      %swap3A_948 = arith.constant 96 : index
      %swap3A_949 = tpu.vector_load %swap3A_947[%swap3A_948] {strides = array<i32>} : memref<128xi32, #tpu.memory_space<vmem>>, vector<16xi32>,
      tpu.vector_store %swap3A_947[%swap3A_948], %add3A_944 {strides = array<i32>} : memref<128xi32, #tpu.memory_space<vmem>>, vector<16xi32>,
      %get3A_950 = arith.constant 48 : index
      %get3A_951 = tpu.vector_load %arg9[%get3A_950] {strides = array<i32>} : memref<128xi32, #tpu.memory_space<vmem>>, vector<16xi32>,
      %and3A_952 = arith.constant 7 : i32
      %and3A_953 = vector.broadcast %and3A_952 : i32 to vector<16xi32>
      %and3A_954 = arith.andi %get3A_951, %and3A_953 : vector<16xi32>
      %add3A_955 = arith.constant 112 : i32
      %add3A_956 = arith.addi %multiple_of3A_634, %add3A_955 : i32
      %add3A_957 = vector.broadcast %add3A_956 : i32 to vector<16xi32>
      %add3A_958 = arith.addi %add3A_957, %iota3A : vector<16xi32>
      %gather3A_959 = tpu.vector_load_idx %arg17[%add3A_958, %and3A_954] : memref<3200x8xi32, #tpu.memory_space<vmem>>[vector<16xi32>, vector<16xi32>], vector<16xi32>,
      %shift_right_logical3A_960 = arith.constant 3 : i32
      %shift_right_logical3A_961 = vector.broadcast %shift_right_logical3A_960 : i32 to vector<16xi32>
      %shift_right_logical3A_962 = arith.shrui %gather3A_959, %shift_right_logical3A_961 : vector<16xi32>
      %mul3A_963 = arith.constant 1024 : i32
      %mul3A_964 = vector.broadcast %mul3A_963 : i32 to vector<16xi32>
      %mul3A_965 = arith.muli %shift_right_logical3A_962, %mul3A_964 : vector<16xi32>
      %and3A_966 = arith.constant 7 : i32
      %and3A_967 = vector.broadcast %and3A_966 : i32 to vector<16xi32>
      %and3A_968 = arith.andi %gather3A_959, %and3A_967 : vector<16xi32>
      %mul3A_969 = arith.constant 16 : i32
      %mul3A_970 = vector.broadcast %mul3A_969 : i32 to vector<16xi32>
      %mul3A_971 = arith.muli %and3A_968, %mul3A_970 : vector<16xi32>
      %add3A_972 = arith.addi %mul3A_965, %mul3A_971 : vector<16xi32>
      %get3A_973 = arith.constant 48 : index
      %get3A_974 = tpu.vector_load %arg12[%get3A_973] {strides = array<i32>} : memref<128xi32, #tpu.memory_space<vmem>>, vector<16xi32>,
      %add3A_975 = arith.addi %add3A_972, %get3A_974 : vector<16xi32>
      %swap3A_976 = arith.constant 0 : i32
      %swap3A_977 = tpu.memref_slice %arg15[%scan3A_631, %swap3A_976] : memref<25x128xi32, #tpu.memory_space<vmem>> -> memref<1x128xi32, #tpu.memory_space<vmem>>
      %swap3A_978 = tpu.memref_squeeze %swap3A_977 : memref<1x128xi32, #tpu.memory_space<vmem>> -> memref<128xi32, #tpu.memory_space<vmem>>
      %swap3A_979 = arith.constant 112 : index
      %swap3A_980 = tpu.vector_load %swap3A_978[%swap3A_979] {strides = array<i32>} : memref<128xi32, #tpu.memory_space<vmem>>, vector<16xi32>,
      tpu.vector_store %swap3A_978[%swap3A_979], %add3A_975 {strides = array<i32>} : memref<128xi32, #tpu.memory_space<vmem>>, vector<16xi32>,
      %mul3A_981 = arith.constant 125 : i32
      %mul3A_982 = vector.broadcast %mul3A_981 : i32 to vector<16xi32>
      %mul3A_983 = arith.muli %gather3A_959, %mul3A_982 : vector<16xi32>
      %get3A_984 = arith.constant 48 : index
      %get3A_985 = tpu.vector_load %arg10[%get3A_984] {strides = array<i32>} : memref<128xi32, #tpu.memory_space<vmem>>, vector<16xi32>,
      %shift_right_logical3A_986 = arith.constant 3 : i32
      %shift_right_logical3A_987 = vector.broadcast %shift_right_logical3A_986 : i32 to vector<16xi32>
      %shift_right_logical3A_988 = arith.shrui %get3A_985, %shift_right_logical3A_987 : vector<16xi32>
      %add3A_989 = arith.addi %mul3A_983, %shift_right_logical3A_988 : vector<16xi32>
      %swap3A_990 = arith.constant 0 : i32
      %swap3A_991 = tpu.memref_slice %arg16[%scan3A_631, %swap3A_990] : memref<25x128xi32, #tpu.memory_space<vmem>> -> memref<1x128xi32, #tpu.memory_space<vmem>>
      %swap3A_992 = tpu.memref_squeeze %swap3A_991 : memref<1x128xi32, #tpu.memory_space<vmem>> -> memref<128xi32, #tpu.memory_space<vmem>>
      %swap3A_993 = arith.constant 112 : index
      %swap3A_994 = tpu.vector_load %swap3A_992[%swap3A_993] {strides = array<i32>} : memref<128xi32, #tpu.memory_space<vmem>>, vector<16xi32>,
      tpu.vector_store %swap3A_992[%swap3A_993], %add3A_989 {strides = array<i32>} : memref<128xi32, #tpu.memory_space<vmem>>, vector<16xi32>,
      %dma_start3A = arith.constant 0 : i32
      %dma_start3A_995 = tpu.memref_slice %arg19[%multiple_of3A_634, %dma_start3A] : memref<3200x8xf32, #tpu.memory_space<vmem>> -> memref<128x8xf32, #tpu.memory_space<vmem>>
      %dma_start3A_996 = arith.constant 0 : i32
      %dma_start3A_997 = tpu.memref_slice %arg15[%scan3A_631, %dma_start3A_996] : memref<25x128xi32, #tpu.memory_space<vmem>> -> memref<1x128xi32, #tpu.memory_space<vmem>>
      %dma_start3A_998 = tpu.memref_squeeze %dma_start3A_997 : memref<1x128xi32, #tpu.memory_space<vmem>> -> memref<128xi32, #tpu.memory_space<vmem>>
      %dma_start3A_999 = arith.constant 0 : i32
      %dma_start3A_1000 = arith.constant 0 : i32
      %dma_start3A_1001 = tpu.memref_slice %arg3[%dma_start3A_999, %dma_start3A_1000] : memref<128000x8xf32, #tpu.memory_space<hbm>> -> memref<128000x8xf32, #tpu.memory_space<hbm>>
      tpu.enqueue_indirect_dma source(%dma_start3A_1001 : memref<128000x8xf32, #tpu.memory_space<hbm>>) target(%dma_start3A_995 : memref<128x8xf32, #tpu.memory_space<vmem>>) offsets(%dma_start3A_998 : memref<128xi32, #tpu.memory_space<vmem>>) semaphore(%arg25 : memref<!tpu.dma_semaphore, #tpu.memory_space<semaphore_mem>>)
      %dma_start3A_1002 = arith.constant 0 : i32
      %dma_start3A_1003 = tpu.memref_slice %arg20[%multiple_of3A_634, %dma_start3A_1002] : memref<3200x8xf32, #tpu.memory_space<vmem>> -> memref<128x8xf32, #tpu.memory_space<vmem>>
      %dma_start3A_1004 = arith.constant 0 : i32
      %dma_start3A_1005 = tpu.memref_slice %arg16[%scan3A_631, %dma_start3A_1004] : memref<25x128xi32, #tpu.memory_space<vmem>> -> memref<1x128xi32, #tpu.memory_space<vmem>>
      %dma_start3A_1006 = tpu.memref_squeeze %dma_start3A_1005 : memref<1x128xi32, #tpu.memory_space<vmem>> -> memref<128xi32, #tpu.memory_space<vmem>>
      %dma_start3A_1007 = arith.constant 0 : i32
      %dma_start3A_1008 = arith.constant 0 : i32
      %dma_start3A_1009 = tpu.memref_slice %arg4[%dma_start3A_1007, %dma_start3A_1008] : memref<125000x8xf32, #tpu.memory_space<hbm>> -> memref<125000x8xf32, #tpu.memory_space<hbm>>
      tpu.enqueue_indirect_dma source(%dma_start3A_1009 : memref<125000x8xf32, #tpu.memory_space<hbm>>) target(%dma_start3A_1003 : memref<128x8xf32, #tpu.memory_space<vmem>>) offsets(%dma_start3A_1006 : memref<128xi32, #tpu.memory_space<vmem>>) semaphore(%arg26 : memref<!tpu.dma_semaphore, #tpu.memory_space<semaphore_mem>>)
    }
    %scan3A_351 = arith.constant 25 : i32
    %scan3A_352 = arith.constant 0 : i32
    %scan3A_353 = arith.constant 0 : i32
    %scan3A_354 = arith.constant 25 : i32
    %scan3A_355 = arith.addi %scan3A_353, %scan3A_354 : i32
    %scan3A_356 = arith.constant 1 : i32
    scf.for %scan3A_631 = %scan3A_353 to %scan3A_355 step %scan3A_356  : i32 {
      %get3A_632 = arith.constant 64 : index
      %get3A_633 = tpu.vector_load %arg11[%get3A_632] {strides = array<i32>} : memref<128xi32, #tpu.memory_space<vmem>>, vector<16xi32>,
      %mul3A_634 = arith.constant 2 : i32
      %mul3A_635 = arith.muli %mul3A_634, %scan3A_631 : i32
      %add3A_636 = arith.constant 0 : i32
      %add3A_637 = arith.addi %mul3A_635, %add3A_636 : i32
      %mul3A_638 = arith.constant 128000 : i32
      %mul3A_639 = arith.muli %add3A_637, %mul3A_638 : i32
      %add3A_640 = vector.broadcast %mul3A_639 : i32 to vector<16xi32>
      %add3A_641 = arith.addi %get3A_633, %add3A_640 : vector<16xi32>
      %swap3A_642 = arith.constant 0 : i32
      %swap3A_643 = tpu.memref_slice %arg14[%scan3A_631, %swap3A_642] : memref<25x128xi32, #tpu.memory_space<vmem>> -> memref<1x128xi32, #tpu.memory_space<vmem>>
      %swap3A_644 = tpu.memref_squeeze %swap3A_643 : memref<1x128xi32, #tpu.memory_space<vmem>> -> memref<128xi32, #tpu.memory_space<vmem>>
      %swap3A_645 = arith.constant 0 : index
      %swap3A_646 = tpu.vector_load %swap3A_644[%swap3A_645] {strides = array<i32>} : memref<128xi32, #tpu.memory_space<vmem>>, vector<16xi32>,
      tpu.vector_store %swap3A_644[%swap3A_645], %add3A_641 {strides = array<i32>} : memref<128xi32, #tpu.memory_space<vmem>>, vector<16xi32>,
      %get3A_647 = arith.constant 80 : index
      %get3A_648 = tpu.vector_load %arg11[%get3A_647] {strides = array<i32>} : memref<128xi32, #tpu.memory_space<vmem>>, vector<16xi32>,
      %mul3A_649 = arith.constant 2 : i32
      %mul3A_650 = arith.muli %mul3A_649, %scan3A_631 : i32
      %add3A_651 = arith.constant 0 : i32
      %add3A_652 = arith.addi %mul3A_650, %add3A_651 : i32
      %mul3A_653 = arith.constant 128000 : i32
      %mul3A_654 = arith.muli %add3A_652, %mul3A_653 : i32
      %add3A_655 = vector.broadcast %mul3A_654 : i32 to vector<16xi32>
      %add3A_656 = arith.addi %get3A_648, %add3A_655 : vector<16xi32>
      %swap3A_657 = arith.constant 0 : i32
      %swap3A_658 = tpu.memref_slice %arg14[%scan3A_631, %swap3A_657] : memref<25x128xi32, #tpu.memory_space<vmem>> -> memref<1x128xi32, #tpu.memory_space<vmem>>
      %swap3A_659 = tpu.memref_squeeze %swap3A_658 : memref<1x128xi32, #tpu.memory_space<vmem>> -> memref<128xi32, #tpu.memory_space<vmem>>
      %swap3A_660 = arith.constant 16 : index
      %swap3A_661 = tpu.vector_load %swap3A_659[%swap3A_660] {strides = array<i32>} : memref<128xi32, #tpu.memory_space<vmem>>, vector<16xi32>,
      tpu.vector_store %swap3A_659[%swap3A_660], %add3A_656 {strides = array<i32>} : memref<128xi32, #tpu.memory_space<vmem>>, vector<16xi32>,
      %get3A_662 = arith.constant 96 : index
      %get3A_663 = tpu.vector_load %arg11[%get3A_662] {strides = array<i32>} : memref<128xi32, #tpu.memory_space<vmem>>, vector<16xi32>,
      %mul3A_664 = arith.constant 2 : i32
      %mul3A_665 = arith.muli %mul3A_664, %scan3A_631 : i32
      %add3A_666 = arith.constant 0 : i32
      %add3A_667 = arith.addi %mul3A_665, %add3A_666 : i32
      %mul3A_668 = arith.constant 128000 : i32
      %mul3A_669 = arith.muli %add3A_667, %mul3A_668 : i32
      %add3A_670 = vector.broadcast %mul3A_669 : i32 to vector<16xi32>
      %add3A_671 = arith.addi %get3A_663, %add3A_670 : vector<16xi32>
      %swap3A_672 = arith.constant 0 : i32
      %swap3A_673 = tpu.memref_slice %arg14[%scan3A_631, %swap3A_672] : memref<25x128xi32, #tpu.memory_space<vmem>> -> memref<1x128xi32, #tpu.memory_space<vmem>>
      %swap3A_674 = tpu.memref_squeeze %swap3A_673 : memref<1x128xi32, #tpu.memory_space<vmem>> -> memref<128xi32, #tpu.memory_space<vmem>>
      %swap3A_675 = arith.constant 32 : index
      %swap3A_676 = tpu.vector_load %swap3A_674[%swap3A_675] {strides = array<i32>} : memref<128xi32, #tpu.memory_space<vmem>>, vector<16xi32>,
      tpu.vector_store %swap3A_674[%swap3A_675], %add3A_671 {strides = array<i32>} : memref<128xi32, #tpu.memory_space<vmem>>, vector<16xi32>,
      %get3A_677 = arith.constant 112 : index
      %get3A_678 = tpu.vector_load %arg11[%get3A_677] {strides = array<i32>} : memref<128xi32, #tpu.memory_space<vmem>>, vector<16xi32>,
      %mul3A_679 = arith.constant 2 : i32
      %mul3A_680 = arith.muli %mul3A_679, %scan3A_631 : i32
      %add3A_681 = arith.constant 0 : i32
      %add3A_682 = arith.addi %mul3A_680, %add3A_681 : i32
      %mul3A_683 = arith.constant 128000 : i32
      %mul3A_684 = arith.muli %add3A_682, %mul3A_683 : i32
      %add3A_685 = vector.broadcast %mul3A_684 : i32 to vector<16xi32>
      %add3A_686 = arith.addi %get3A_678, %add3A_685 : vector<16xi32>
      %swap3A_687 = arith.constant 0 : i32
      %swap3A_688 = tpu.memref_slice %arg14[%scan3A_631, %swap3A_687] : memref<25x128xi32, #tpu.memory_space<vmem>> -> memref<1x128xi32, #tpu.memory_space<vmem>>
      %swap3A_689 = tpu.memref_squeeze %swap3A_688 : memref<1x128xi32, #tpu.memory_space<vmem>> -> memref<128xi32, #tpu.memory_space<vmem>>
      %swap3A_690 = arith.constant 48 : index
      %swap3A_691 = tpu.vector_load %swap3A_689[%swap3A_690] {strides = array<i32>} : memref<128xi32, #tpu.memory_space<vmem>>, vector<16xi32>,
      tpu.vector_store %swap3A_689[%swap3A_690], %add3A_686 {strides = array<i32>} : memref<128xi32, #tpu.memory_space<vmem>>, vector<16xi32>,
      %get3A_692 = arith.constant 64 : index
      %get3A_693 = tpu.vector_load %arg11[%get3A_692] {strides = array<i32>} : memref<128xi32, #tpu.memory_space<vmem>>, vector<16xi32>,
      %mul3A_694 = arith.constant 2 : i32
      %mul3A_695 = arith.muli %mul3A_694, %scan3A_631 : i32
      %add3A_696 = arith.constant 1 : i32
      %add3A_697 = arith.addi %mul3A_695, %add3A_696 : i32
      %mul3A_698 = arith.constant 128000 : i32
      %mul3A_699 = arith.muli %add3A_697, %mul3A_698 : i32
      %add3A_700 = vector.broadcast %mul3A_699 : i32 to vector<16xi32>
      %add3A_701 = arith.addi %get3A_693, %add3A_700 : vector<16xi32>
      %swap3A_702 = arith.constant 0 : i32
      %swap3A_703 = tpu.memref_slice %arg14[%scan3A_631, %swap3A_702] : memref<25x128xi32, #tpu.memory_space<vmem>> -> memref<1x128xi32, #tpu.memory_space<vmem>>
      %swap3A_704 = tpu.memref_squeeze %swap3A_703 : memref<1x128xi32, #tpu.memory_space<vmem>> -> memref<128xi32, #tpu.memory_space<vmem>>
      %swap3A_705 = arith.constant 64 : index
      %swap3A_706 = tpu.vector_load %swap3A_704[%swap3A_705] {strides = array<i32>} : memref<128xi32, #tpu.memory_space<vmem>>, vector<16xi32>,
      tpu.vector_store %swap3A_704[%swap3A_705], %add3A_701 {strides = array<i32>} : memref<128xi32, #tpu.memory_space<vmem>>, vector<16xi32>,
      %get3A_707 = arith.constant 80 : index
      %get3A_708 = tpu.vector_load %arg11[%get3A_707] {strides = array<i32>} : memref<128xi32, #tpu.memory_space<vmem>>, vector<16xi32>,
      %mul3A_709 = arith.constant 2 : i32
      %mul3A_710 = arith.muli %mul3A_709, %scan3A_631 : i32
      %add3A_711 = arith.constant 1 : i32
      %add3A_712 = arith.addi %mul3A_710, %add3A_711 : i32
      %mul3A_713 = arith.constant 128000 : i32
      %mul3A_714 = arith.muli %add3A_712, %mul3A_713 : i32
      %add3A_715 = vector.broadcast %mul3A_714 : i32 to vector<16xi32>
      %add3A_716 = arith.addi %get3A_708, %add3A_715 : vector<16xi32>
      %swap3A_717 = arith.constant 0 : i32
      %swap3A_718 = tpu.memref_slice %arg14[%scan3A_631, %swap3A_717] : memref<25x128xi32, #tpu.memory_space<vmem>> -> memref<1x128xi32, #tpu.memory_space<vmem>>
      %swap3A_719 = tpu.memref_squeeze %swap3A_718 : memref<1x128xi32, #tpu.memory_space<vmem>> -> memref<128xi32, #tpu.memory_space<vmem>>
      %swap3A_720 = arith.constant 80 : index
      %swap3A_721 = tpu.vector_load %swap3A_719[%swap3A_720] {strides = array<i32>} : memref<128xi32, #tpu.memory_space<vmem>>, vector<16xi32>,
      tpu.vector_store %swap3A_719[%swap3A_720], %add3A_716 {strides = array<i32>} : memref<128xi32, #tpu.memory_space<vmem>>, vector<16xi32>,
      %get3A_722 = arith.constant 96 : index
      %get3A_723 = tpu.vector_load %arg11[%get3A_722] {strides = array<i32>} : memref<128xi32, #tpu.memory_space<vmem>>, vector<16xi32>,
      %mul3A_724 = arith.constant 2 : i32
      %mul3A_725 = arith.muli %mul3A_724, %scan3A_631 : i32
      %add3A_726 = arith.constant 1 : i32
      %add3A_727 = arith.addi %mul3A_725, %add3A_726 : i32
      %mul3A_728 = arith.constant 128000 : i32
      %mul3A_729 = arith.muli %add3A_727, %mul3A_728 : i32
      %add3A_730 = vector.broadcast %mul3A_729 : i32 to vector<16xi32>
      %add3A_731 = arith.addi %get3A_723, %add3A_730 : vector<16xi32>
      %swap3A_732 = arith.constant 0 : i32
      %swap3A_733 = tpu.memref_slice %arg14[%scan3A_631, %swap3A_732] : memref<25x128xi32, #tpu.memory_space<vmem>> -> memref<1x128xi32, #tpu.memory_space<vmem>>
      %swap3A_734 = tpu.memref_squeeze %swap3A_733 : memref<1x128xi32, #tpu.memory_space<vmem>> -> memref<128xi32, #tpu.memory_space<vmem>>
      %swap3A_735 = arith.constant 96 : index
      %swap3A_736 = tpu.vector_load %swap3A_734[%swap3A_735] {strides = array<i32>} : memref<128xi32, #tpu.memory_space<vmem>>, vector<16xi32>,
      tpu.vector_store %swap3A_734[%swap3A_735], %add3A_731 {strides = array<i32>} : memref<128xi32, #tpu.memory_space<vmem>>, vector<16xi32>,
      %get3A_737 = arith.constant 112 : index
      %get3A_738 = tpu.vector_load %arg11[%get3A_737] {strides = array<i32>} : memref<128xi32, #tpu.memory_space<vmem>>, vector<16xi32>,
      %mul3A_739 = arith.constant 2 : i32
      %mul3A_740 = arith.muli %mul3A_739, %scan3A_631 : i32
      %add3A_741 = arith.constant 1 : i32
      %add3A_742 = arith.addi %mul3A_740, %add3A_741 : i32
      %mul3A_743 = arith.constant 128000 : i32
      %mul3A_744 = arith.muli %add3A_742, %mul3A_743 : i32
      %add3A_745 = vector.broadcast %mul3A_744 : i32 to vector<16xi32>
      %add3A_746 = arith.addi %get3A_738, %add3A_745 : vector<16xi32>
      %swap3A_747 = arith.constant 0 : i32
      %swap3A_748 = tpu.memref_slice %arg14[%scan3A_631, %swap3A_747] : memref<25x128xi32, #tpu.memory_space<vmem>> -> memref<1x128xi32, #tpu.memory_space<vmem>>
      %swap3A_749 = tpu.memref_squeeze %swap3A_748 : memref<1x128xi32, #tpu.memory_space<vmem>> -> memref<128xi32, #tpu.memory_space<vmem>>
      %swap3A_750 = arith.constant 112 : index
      %swap3A_751 = tpu.vector_load %swap3A_749[%swap3A_750] {strides = array<i32>} : memref<128xi32, #tpu.memory_space<vmem>>, vector<16xi32>,
      tpu.vector_store %swap3A_749[%swap3A_750], %add3A_746 {strides = array<i32>} : memref<128xi32, #tpu.memory_space<vmem>>, vector<16xi32>,
      %mul3A_752 = arith.constant 128 : i32
      %mul3A_753 = arith.muli %scan3A_631, %mul3A_752 : i32
      %multiple_of3A_754 = tpu.assume_multiple %mul3A_753, 128 : i32
      %dma_start3A = arith.constant 0 : i32
      %dma_start3A_755 = tpu.memref_slice %arg18[%multiple_of3A_754, %dma_start3A] : memref<3200x8xi32, #tpu.memory_space<vmem>> -> memref<128x8xi32, #tpu.memory_space<vmem>>
      %dma_start3A_756 = arith.constant 0 : i32
      %dma_start3A_757 = tpu.memref_slice %arg14[%scan3A_631, %dma_start3A_756] : memref<25x128xi32, #tpu.memory_space<vmem>> -> memref<1x128xi32, #tpu.memory_space<vmem>>
      %dma_start3A_758 = tpu.memref_squeeze %dma_start3A_757 : memref<1x128xi32, #tpu.memory_space<vmem>> -> memref<128xi32, #tpu.memory_space<vmem>>
      %dma_start3A_759 = arith.constant 0 : i32
      %dma_start3A_760 = arith.constant 0 : i32
      %dma_start3A_761 = tpu.memref_slice %arg5[%dma_start3A_759, %dma_start3A_760] : memref<6400000x8xi32, #tpu.memory_space<hbm>> -> memref<6400000x8xi32, #tpu.memory_space<hbm>>
      tpu.enqueue_indirect_dma source(%dma_start3A_761 : memref<6400000x8xi32, #tpu.memory_space<hbm>>) target(%dma_start3A_755 : memref<128x8xi32, #tpu.memory_space<vmem>>) offsets(%dma_start3A_758 : memref<128xi32, #tpu.memory_space<vmem>>) semaphore(%arg24 : memref<!tpu.dma_semaphore, #tpu.memory_space<semaphore_mem>>)
    }
    %scan3A_357 = arith.constant 25 : i32
    %dma_wait3A_358 = arith.constant 0 : i32
    %dma_wait3A_359 = arith.constant 0 : i32
    %dma_wait3A_360 = tpu.memref_slice %arg3[%dma_wait3A_358, %dma_wait3A_359] : memref<128000x8xf32, #tpu.memory_space<hbm>> -> memref<3200x8xf32, #tpu.memory_space<hbm>>
    %dma_wait3A_361 = arith.constant 0 : i32
    %dma_wait3A_362 = arith.constant 0 : i32
    %dma_wait3A_363 = tpu.memref_slice %arg3[%dma_wait3A_361, %dma_wait3A_362] : memref<128000x8xf32, #tpu.memory_space<hbm>> -> memref<3200x8xf32, #tpu.memory_space<hbm>>
    tpu.wait_dma2 semaphore(%arg25 : memref<!tpu.dma_semaphore, #tpu.memory_space<semaphore_mem>>) src(%dma_wait3A_363 : memref<3200x8xf32, #tpu.memory_space<hbm>>) dst(%arg19 : memref<3200x8xf32, #tpu.memory_space<vmem>>)
    %dma_wait3A_364 = arith.constant 0 : i32
    %dma_wait3A_365 = arith.constant 0 : i32
    %dma_wait3A_366 = tpu.memref_slice %arg4[%dma_wait3A_364, %dma_wait3A_365] : memref<125000x8xf32, #tpu.memory_space<hbm>> -> memref<3200x8xf32, #tpu.memory_space<hbm>>
    %dma_wait3A_367 = arith.constant 0 : i32
    %dma_wait3A_368 = arith.constant 0 : i32
    %dma_wait3A_369 = tpu.memref_slice %arg4[%dma_wait3A_367, %dma_wait3A_368] : memref<125000x8xf32, #tpu.memory_space<hbm>> -> memref<3200x8xf32, #tpu.memory_space<hbm>>
    tpu.wait_dma2 semaphore(%arg26 : memref<!tpu.dma_semaphore, #tpu.memory_space<semaphore_mem>>) src(%dma_wait3A_369 : memref<3200x8xf32, #tpu.memory_space<hbm>>) dst(%arg20 : memref<3200x8xf32, #tpu.memory_space<vmem>>)
    %get3A_370 = arith.constant 0 : index
    %get3A_371 = tpu.vector_load %arg9[%get3A_370] {strides = array<i32>} : memref<128xi32, #tpu.memory_space<vmem>>, vector<16xi32>,
    %get3A_372 = arith.constant 0 : index
    %get3A_373 = tpu.vector_load %arg10[%get3A_372] {strides = array<i32>} : memref<128xi32, #tpu.memory_space<vmem>>, vector<16xi32>,
    %and3A_374 = arith.constant 7 : i32
    %and3A_375 = vector.broadcast %and3A_374 : i32 to vector<16xi32>
    %and3A_376 = arith.andi %get3A_371, %and3A_375 : vector<16xi32>
    %and3A_377 = arith.constant 7 : i32
    %and3A_378 = vector.broadcast %and3A_377 : i32 to vector<16xi32>
    %and3A_379 = arith.andi %get3A_373, %and3A_378 : vector<16xi32>
    %gather3A = tpu.vector_load_idx %arg21[%get3A_371] : memref<1024xf32, #tpu.memory_space<vmem>>[vector<16xi32>], vector<16xf32>,
    %gather3A_380 = tpu.vector_load_idx %arg22[%get3A_373] : memref<1000xf32, #tpu.memory_space<vmem>>[vector<16xi32>], vector<16xf32>,
    %add3A_381 = arith.constant 0 : i32
    %add3A_382 = vector.broadcast %add3A_381 : i32 to vector<16xi32>
    %add3A_383 = arith.addi %add3A_382, %iota3A : vector<16xi32>
    %broadcast_in_dim3A = arith.constant 0.000000e+00 : f32
    %broadcast_in_dim3A_384 = vector.broadcast %broadcast_in_dim3A : f32 to vector<16xf32>
    %scan3A_385 = arith.constant 0 : i32
    %scan3A_386 = arith.constant 50 : i32
    %scan3A_387 = arith.addi %scan3A_385, %scan3A_386 : i32
    %scan3A_388 = arith.constant 1 : i32
    %scan3A_389 = scf.for %scan3A_631 = %scan3A_385 to %scan3A_387 step %scan3A_388 iter_args(%scan3A_632 = %broadcast_in_dim3A_384) -> (vector<16xf32>)  : i32 {
      %mul3A_633 = arith.constant 64 : i32
      %mul3A_634 = arith.muli %scan3A_631, %mul3A_633 : i32
      %add3A_635 = vector.broadcast %mul3A_634 : i32 to vector<16xi32>
      %add3A_636 = arith.addi %add3A_383, %add3A_635 : vector<16xi32>
      %gather3A_637 = tpu.vector_load_idx %arg17[%add3A_636, %and3A_376] : memref<3200x8xi32, #tpu.memory_space<vmem>>[vector<16xi32>, vector<16xi32>], vector<16xi32>,
      %gather3A_638 = tpu.vector_load_idx %arg20[%add3A_636, %and3A_379] : memref<3200x8xf32, #tpu.memory_space<vmem>>[vector<16xi32>, vector<16xi32>], vector<16xf32>,
      %gather3A_639 = tpu.vector_load_idx %arg19[%add3A_636, %and3A_376] : memref<3200x8xf32, #tpu.memory_space<vmem>>[vector<16xi32>, vector<16xi32>], vector<16xf32>,
      %gather3A_640 = tpu.vector_load_idx %arg22[%gather3A_637] : memref<1000xf32, #tpu.memory_space<vmem>>[vector<16xi32>], vector<16xf32>,
      %sub3A = arith.subf %gather3A_639, %gather3A : vector<16xf32>
      %sub3A_641 = arith.subf %sub3A, %gather3A_640 : vector<16xf32>
      %mul3A_642 = arith.mulf %gather3A_638, %sub3A_641 : vector<16xf32>
      %add3A_643 = arith.addf %scan3A_632, %mul3A_642 : vector<16xf32>
      scf.yield %add3A_643 : vector<16xf32>
    }
    %scan3A_390 = arith.constant 50 : i32
    %add3A_391 = arith.addf %gather3A, %gather3A_380 : vector<16xf32>
    %div3A = arith.constant 5.000000e+01 : f32
    %div3A_392 = vector.broadcast %div3A : f32 to vector<16xf32>
    %div3A_393 = arith.divf %scan3A_389, %div3A_392 : vector<16xf32>
    %add3A_394 = arith.addf %add3A_391, %div3A_393 : vector<16xf32>
    %swap3A_395 = arith.constant 0 : index
    %swap3A_396 = tpu.vector_load %arg23[%swap3A_395] {strides = array<i32>} : memref<128xf32, #tpu.memory_space<vmem>>, vector<16xf32>,
    tpu.vector_store %arg23[%swap3A_395], %add3A_394 {strides = array<i32>} : memref<128xf32, #tpu.memory_space<vmem>>, vector<16xf32>,
    %get3A_397 = arith.constant 16 : index
    %get3A_398 = tpu.vector_load %arg9[%get3A_397] {strides = array<i32>} : memref<128xi32, #tpu.memory_space<vmem>>, vector<16xi32>,
    %get3A_399 = arith.constant 16 : index
    %get3A_400 = tpu.vector_load %arg10[%get3A_399] {strides = array<i32>} : memref<128xi32, #tpu.memory_space<vmem>>, vector<16xi32>,
    %and3A_401 = arith.constant 7 : i32
    %and3A_402 = vector.broadcast %and3A_401 : i32 to vector<16xi32>
    %and3A_403 = arith.andi %get3A_398, %and3A_402 : vector<16xi32>
    %and3A_404 = arith.constant 7 : i32
    %and3A_405 = vector.broadcast %and3A_404 : i32 to vector<16xi32>
    %and3A_406 = arith.andi %get3A_400, %and3A_405 : vector<16xi32>
    %gather3A_407 = tpu.vector_load_idx %arg21[%get3A_398] : memref<1024xf32, #tpu.memory_space<vmem>>[vector<16xi32>], vector<16xf32>,
    %gather3A_408 = tpu.vector_load_idx %arg22[%get3A_400] : memref<1000xf32, #tpu.memory_space<vmem>>[vector<16xi32>], vector<16xf32>,
    %add3A_409 = arith.constant 16 : i32
    %add3A_410 = vector.broadcast %add3A_409 : i32 to vector<16xi32>
    %add3A_411 = arith.addi %add3A_410, %iota3A : vector<16xi32>
    %broadcast_in_dim3A_412 = arith.constant 0.000000e+00 : f32
    %broadcast_in_dim3A_413 = vector.broadcast %broadcast_in_dim3A_412 : f32 to vector<16xf32>
    %scan3A_414 = arith.constant 0 : i32
    %scan3A_415 = arith.constant 50 : i32
    %scan3A_416 = arith.addi %scan3A_414, %scan3A_415 : i32
    %scan3A_417 = arith.constant 1 : i32
    %scan3A_418 = scf.for %scan3A_631 = %scan3A_414 to %scan3A_416 step %scan3A_417 iter_args(%scan3A_632 = %broadcast_in_dim3A_413) -> (vector<16xf32>)  : i32 {
      %mul3A_633 = arith.constant 64 : i32
      %mul3A_634 = arith.muli %scan3A_631, %mul3A_633 : i32
      %add3A_635 = vector.broadcast %mul3A_634 : i32 to vector<16xi32>
      %add3A_636 = arith.addi %add3A_411, %add3A_635 : vector<16xi32>
      %gather3A_637 = tpu.vector_load_idx %arg17[%add3A_636, %and3A_403] : memref<3200x8xi32, #tpu.memory_space<vmem>>[vector<16xi32>, vector<16xi32>], vector<16xi32>,
      %gather3A_638 = tpu.vector_load_idx %arg20[%add3A_636, %and3A_406] : memref<3200x8xf32, #tpu.memory_space<vmem>>[vector<16xi32>, vector<16xi32>], vector<16xf32>,
      %gather3A_639 = tpu.vector_load_idx %arg19[%add3A_636, %and3A_403] : memref<3200x8xf32, #tpu.memory_space<vmem>>[vector<16xi32>, vector<16xi32>], vector<16xf32>,
      %gather3A_640 = tpu.vector_load_idx %arg22[%gather3A_637] : memref<1000xf32, #tpu.memory_space<vmem>>[vector<16xi32>], vector<16xf32>,
      %sub3A = arith.subf %gather3A_639, %gather3A_407 : vector<16xf32>
      %sub3A_641 = arith.subf %sub3A, %gather3A_640 : vector<16xf32>
      %mul3A_642 = arith.mulf %gather3A_638, %sub3A_641 : vector<16xf32>
      %add3A_643 = arith.addf %scan3A_632, %mul3A_642 : vector<16xf32>
      scf.yield %add3A_643 : vector<16xf32>
    }
    %scan3A_419 = arith.constant 50 : i32
    %add3A_420 = arith.addf %gather3A_407, %gather3A_408 : vector<16xf32>
    %div3A_421 = arith.constant 5.000000e+01 : f32
    %div3A_422 = vector.broadcast %div3A_421 : f32 to vector<16xf32>
    %div3A_423 = arith.divf %scan3A_418, %div3A_422 : vector<16xf32>
    %add3A_424 = arith.addf %add3A_420, %div3A_423 : vector<16xf32>
    %swap3A_425 = arith.constant 16 : index
    %swap3A_426 = tpu.vector_load %arg23[%swap3A_425] {strides = array<i32>} : memref<128xf32, #tpu.memory_space<vmem>>, vector<16xf32>,
    tpu.vector_store %arg23[%swap3A_425], %add3A_424 {strides = array<i32>} : memref<128xf32, #tpu.memory_space<vmem>>, vector<16xf32>,
    %get3A_427 = arith.constant 32 : index
    %get3A_428 = tpu.vector_load %arg9[%get3A_427] {strides = array<i32>} : memref<128xi32, #tpu.memory_space<vmem>>, vector<16xi32>,
    %get3A_429 = arith.constant 32 : index
    %get3A_430 = tpu.vector_load %arg10[%get3A_429] {strides = array<i32>} : memref<128xi32, #tpu.memory_space<vmem>>, vector<16xi32>,
    %and3A_431 = arith.constant 7 : i32
    %and3A_432 = vector.broadcast %and3A_431 : i32 to vector<16xi32>
    %and3A_433 = arith.andi %get3A_428, %and3A_432 : vector<16xi32>
    %and3A_434 = arith.constant 7 : i32
    %and3A_435 = vector.broadcast %and3A_434 : i32 to vector<16xi32>
    %and3A_436 = arith.andi %get3A_430, %and3A_435 : vector<16xi32>
    %gather3A_437 = tpu.vector_load_idx %arg21[%get3A_428] : memref<1024xf32, #tpu.memory_space<vmem>>[vector<16xi32>], vector<16xf32>,
    %gather3A_438 = tpu.vector_load_idx %arg22[%get3A_430] : memref<1000xf32, #tpu.memory_space<vmem>>[vector<16xi32>], vector<16xf32>,
    %add3A_439 = arith.constant 32 : i32
    %add3A_440 = vector.broadcast %add3A_439 : i32 to vector<16xi32>
    %add3A_441 = arith.addi %add3A_440, %iota3A : vector<16xi32>
    %broadcast_in_dim3A_442 = arith.constant 0.000000e+00 : f32
    %broadcast_in_dim3A_443 = vector.broadcast %broadcast_in_dim3A_442 : f32 to vector<16xf32>
    %scan3A_444 = arith.constant 0 : i32
    %scan3A_445 = arith.constant 50 : i32
    %scan3A_446 = arith.addi %scan3A_444, %scan3A_445 : i32
    %scan3A_447 = arith.constant 1 : i32
    %scan3A_448 = scf.for %scan3A_631 = %scan3A_444 to %scan3A_446 step %scan3A_447 iter_args(%scan3A_632 = %broadcast_in_dim3A_443) -> (vector<16xf32>)  : i32 {
      %mul3A_633 = arith.constant 64 : i32
      %mul3A_634 = arith.muli %scan3A_631, %mul3A_633 : i32
      %add3A_635 = vector.broadcast %mul3A_634 : i32 to vector<16xi32>
      %add3A_636 = arith.addi %add3A_441, %add3A_635 : vector<16xi32>
      %gather3A_637 = tpu.vector_load_idx %arg17[%add3A_636, %and3A_433] : memref<3200x8xi32, #tpu.memory_space<vmem>>[vector<16xi32>, vector<16xi32>], vector<16xi32>,
      %gather3A_638 = tpu.vector_load_idx %arg20[%add3A_636, %and3A_436] : memref<3200x8xf32, #tpu.memory_space<vmem>>[vector<16xi32>, vector<16xi32>], vector<16xf32>,
      %gather3A_639 = tpu.vector_load_idx %arg19[%add3A_636, %and3A_433] : memref<3200x8xf32, #tpu.memory_space<vmem>>[vector<16xi32>, vector<16xi32>], vector<16xf32>,
      %gather3A_640 = tpu.vector_load_idx %arg22[%gather3A_637] : memref<1000xf32, #tpu.memory_space<vmem>>[vector<16xi32>], vector<16xf32>,
      %sub3A = arith.subf %gather3A_639, %gather3A_437 : vector<16xf32>
      %sub3A_641 = arith.subf %sub3A, %gather3A_640 : vector<16xf32>
      %mul3A_642 = arith.mulf %gather3A_638, %sub3A_641 : vector<16xf32>
      %add3A_643 = arith.addf %scan3A_632, %mul3A_642 : vector<16xf32>
      scf.yield %add3A_643 : vector<16xf32>
    }
    %scan3A_449 = arith.constant 50 : i32
    %add3A_450 = arith.addf %gather3A_437, %gather3A_438 : vector<16xf32>
    %div3A_451 = arith.constant 5.000000e+01 : f32
    %div3A_452 = vector.broadcast %div3A_451 : f32 to vector<16xf32>
    %div3A_453 = arith.divf %scan3A_448, %div3A_452 : vector<16xf32>
    %add3A_454 = arith.addf %add3A_450, %div3A_453 : vector<16xf32>
    %swap3A_455 = arith.constant 32 : index
    %swap3A_456 = tpu.vector_load %arg23[%swap3A_455] {strides = array<i32>} : memref<128xf32, #tpu.memory_space<vmem>>, vector<16xf32>,
    tpu.vector_store %arg23[%swap3A_455], %add3A_454 {strides = array<i32>} : memref<128xf32, #tpu.memory_space<vmem>>, vector<16xf32>,
    %get3A_457 = arith.constant 48 : index
    %get3A_458 = tpu.vector_load %arg9[%get3A_457] {strides = array<i32>} : memref<128xi32, #tpu.memory_space<vmem>>, vector<16xi32>,
    %get3A_459 = arith.constant 48 : index
    %get3A_460 = tpu.vector_load %arg10[%get3A_459] {strides = array<i32>} : memref<128xi32, #tpu.memory_space<vmem>>, vector<16xi32>,
    %and3A_461 = arith.constant 7 : i32
    %and3A_462 = vector.broadcast %and3A_461 : i32 to vector<16xi32>
    %and3A_463 = arith.andi %get3A_458, %and3A_462 : vector<16xi32>
    %and3A_464 = arith.constant 7 : i32
    %and3A_465 = vector.broadcast %and3A_464 : i32 to vector<16xi32>
    %and3A_466 = arith.andi %get3A_460, %and3A_465 : vector<16xi32>
    %gather3A_467 = tpu.vector_load_idx %arg21[%get3A_458] : memref<1024xf32, #tpu.memory_space<vmem>>[vector<16xi32>], vector<16xf32>,
    %gather3A_468 = tpu.vector_load_idx %arg22[%get3A_460] : memref<1000xf32, #tpu.memory_space<vmem>>[vector<16xi32>], vector<16xf32>,
    %add3A_469 = arith.constant 48 : i32
    %add3A_470 = vector.broadcast %add3A_469 : i32 to vector<16xi32>
    %add3A_471 = arith.addi %add3A_470, %iota3A : vector<16xi32>
    %broadcast_in_dim3A_472 = arith.constant 0.000000e+00 : f32
    %broadcast_in_dim3A_473 = vector.broadcast %broadcast_in_dim3A_472 : f32 to vector<16xf32>
    %scan3A_474 = arith.constant 0 : i32
    %scan3A_475 = arith.constant 50 : i32
    %scan3A_476 = arith.addi %scan3A_474, %scan3A_475 : i32
    %scan3A_477 = arith.constant 1 : i32
    %scan3A_478 = scf.for %scan3A_631 = %scan3A_474 to %scan3A_476 step %scan3A_477 iter_args(%scan3A_632 = %broadcast_in_dim3A_473) -> (vector<16xf32>)  : i32 {
      %mul3A_633 = arith.constant 64 : i32
      %mul3A_634 = arith.muli %scan3A_631, %mul3A_633 : i32
      %add3A_635 = vector.broadcast %mul3A_634 : i32 to vector<16xi32>
      %add3A_636 = arith.addi %add3A_471, %add3A_635 : vector<16xi32>
      %gather3A_637 = tpu.vector_load_idx %arg17[%add3A_636, %and3A_463] : memref<3200x8xi32, #tpu.memory_space<vmem>>[vector<16xi32>, vector<16xi32>], vector<16xi32>,
      %gather3A_638 = tpu.vector_load_idx %arg20[%add3A_636, %and3A_466] : memref<3200x8xf32, #tpu.memory_space<vmem>>[vector<16xi32>, vector<16xi32>], vector<16xf32>,
      %gather3A_639 = tpu.vector_load_idx %arg19[%add3A_636, %and3A_463] : memref<3200x8xf32, #tpu.memory_space<vmem>>[vector<16xi32>, vector<16xi32>], vector<16xf32>,
      %gather3A_640 = tpu.vector_load_idx %arg22[%gather3A_637] : memref<1000xf32, #tpu.memory_space<vmem>>[vector<16xi32>], vector<16xf32>,
      %sub3A = arith.subf %gather3A_639, %gather3A_467 : vector<16xf32>
      %sub3A_641 = arith.subf %sub3A, %gather3A_640 : vector<16xf32>
      %mul3A_642 = arith.mulf %gather3A_638, %sub3A_641 : vector<16xf32>
      %add3A_643 = arith.addf %scan3A_632, %mul3A_642 : vector<16xf32>
      scf.yield %add3A_643 : vector<16xf32>
    }
    %scan3A_479 = arith.constant 50 : i32
    %add3A_480 = arith.addf %gather3A_467, %gather3A_468 : vector<16xf32>
    %div3A_481 = arith.constant 5.000000e+01 : f32
    %div3A_482 = vector.broadcast %div3A_481 : f32 to vector<16xf32>
    %div3A_483 = arith.divf %scan3A_478, %div3A_482 : vector<16xf32>
    %add3A_484 = arith.addf %add3A_480, %div3A_483 : vector<16xf32>
    %swap3A_485 = arith.constant 48 : index
    %swap3A_486 = tpu.vector_load %arg23[%swap3A_485] {strides = array<i32>} : memref<128xf32, #tpu.memory_space<vmem>>, vector<16xf32>,
    tpu.vector_store %arg23[%swap3A_485], %add3A_484 {strides = array<i32>} : memref<128xf32, #tpu.memory_space<vmem>>, vector<16xf32>,
    %dma_wait3A_487 = arith.constant 0 : i32
    %dma_wait3A_488 = arith.constant 0 : i32
    %dma_wait3A_489 = tpu.memref_slice %arg5[%dma_wait3A_487, %dma_wait3A_488] : memref<6400000x8xi32, #tpu.memory_space<hbm>> -> memref<3200x8xi32, #tpu.memory_space<hbm>>
    %dma_wait3A_490 = arith.constant 0 : i32
    %dma_wait3A_491 = arith.constant 0 : i32
    %dma_wait3A_492 = tpu.memref_slice %arg5[%dma_wait3A_490, %dma_wait3A_491] : memref<6400000x8xi32, #tpu.memory_space<hbm>> -> memref<3200x8xi32, #tpu.memory_space<hbm>>
    tpu.wait_dma2 semaphore(%arg24 : memref<!tpu.dma_semaphore, #tpu.memory_space<semaphore_mem>>) src(%dma_wait3A_492 : memref<3200x8xi32, #tpu.memory_space<hbm>>) dst(%arg18 : memref<3200x8xi32, #tpu.memory_space<vmem>>)
    %scan3A_493 = arith.constant 0 : i32
    %scan3A_494 = arith.constant 0 : i32
    %scan3A_495 = arith.constant 25 : i32
    %scan3A_496 = arith.addi %scan3A_494, %scan3A_495 : i32
    %scan3A_497 = arith.constant 1 : i32
    scf.for %scan3A_631 = %scan3A_494 to %scan3A_496 step %scan3A_497  : i32 {
      %mul3A_632 = arith.constant 128 : i32
      %mul3A_633 = arith.muli %scan3A_631, %mul3A_632 : i32
      %multiple_of3A_634 = tpu.assume_multiple %mul3A_633, 128 : i32
      %get3A_635 = arith.constant 64 : index
      %get3A_636 = tpu.vector_load %arg9[%get3A_635] {strides = array<i32>} : memref<128xi32, #tpu.memory_space<vmem>>, vector<16xi32>,
      %and3A_637 = arith.constant 7 : i32
      %and3A_638 = vector.broadcast %and3A_637 : i32 to vector<16xi32>
      %and3A_639 = arith.andi %get3A_636, %and3A_638 : vector<16xi32>
      %add3A_640 = arith.constant 0 : i32
      %add3A_641 = arith.addi %multiple_of3A_634, %add3A_640 : i32
      %add3A_642 = vector.broadcast %add3A_641 : i32 to vector<16xi32>
      %add3A_643 = arith.addi %add3A_642, %iota3A : vector<16xi32>
      %gather3A_644 = tpu.vector_load_idx %arg18[%add3A_643, %and3A_639] : memref<3200x8xi32, #tpu.memory_space<vmem>>[vector<16xi32>, vector<16xi32>], vector<16xi32>,
      %shift_right_logical3A_645 = arith.constant 3 : i32
      %shift_right_logical3A_646 = vector.broadcast %shift_right_logical3A_645 : i32 to vector<16xi32>
      %shift_right_logical3A_647 = arith.shrui %gather3A_644, %shift_right_logical3A_646 : vector<16xi32>
      %mul3A_648 = arith.constant 1024 : i32
      %mul3A_649 = vector.broadcast %mul3A_648 : i32 to vector<16xi32>
      %mul3A_650 = arith.muli %shift_right_logical3A_647, %mul3A_649 : vector<16xi32>
      %and3A_651 = arith.constant 7 : i32
      %and3A_652 = vector.broadcast %and3A_651 : i32 to vector<16xi32>
      %and3A_653 = arith.andi %gather3A_644, %and3A_652 : vector<16xi32>
      %mul3A_654 = arith.constant 16 : i32
      %mul3A_655 = vector.broadcast %mul3A_654 : i32 to vector<16xi32>
      %mul3A_656 = arith.muli %and3A_653, %mul3A_655 : vector<16xi32>
      %add3A_657 = arith.addi %mul3A_650, %mul3A_656 : vector<16xi32>
      %get3A_658 = arith.constant 64 : index
      %get3A_659 = tpu.vector_load %arg12[%get3A_658] {strides = array<i32>} : memref<128xi32, #tpu.memory_space<vmem>>, vector<16xi32>,
      %add3A_660 = arith.addi %add3A_657, %get3A_659 : vector<16xi32>
      %swap3A_661 = arith.constant 0 : i32
      %swap3A_662 = tpu.memref_slice %arg15[%scan3A_631, %swap3A_661] : memref<25x128xi32, #tpu.memory_space<vmem>> -> memref<1x128xi32, #tpu.memory_space<vmem>>
      %swap3A_663 = tpu.memref_squeeze %swap3A_662 : memref<1x128xi32, #tpu.memory_space<vmem>> -> memref<128xi32, #tpu.memory_space<vmem>>
      %swap3A_664 = arith.constant 0 : index
      %swap3A_665 = tpu.vector_load %swap3A_663[%swap3A_664] {strides = array<i32>} : memref<128xi32, #tpu.memory_space<vmem>>, vector<16xi32>,
      tpu.vector_store %swap3A_663[%swap3A_664], %add3A_660 {strides = array<i32>} : memref<128xi32, #tpu.memory_space<vmem>>, vector<16xi32>,
      %mul3A_666 = arith.constant 125 : i32
      %mul3A_667 = vector.broadcast %mul3A_666 : i32 to vector<16xi32>
      %mul3A_668 = arith.muli %gather3A_644, %mul3A_667 : vector<16xi32>
      %get3A_669 = arith.constant 64 : index
      %get3A_670 = tpu.vector_load %arg10[%get3A_669] {strides = array<i32>} : memref<128xi32, #tpu.memory_space<vmem>>, vector<16xi32>,
      %shift_right_logical3A_671 = arith.constant 3 : i32
      %shift_right_logical3A_672 = vector.broadcast %shift_right_logical3A_671 : i32 to vector<16xi32>
      %shift_right_logical3A_673 = arith.shrui %get3A_670, %shift_right_logical3A_672 : vector<16xi32>
      %add3A_674 = arith.addi %mul3A_668, %shift_right_logical3A_673 : vector<16xi32>
      %swap3A_675 = arith.constant 0 : i32
      %swap3A_676 = tpu.memref_slice %arg16[%scan3A_631, %swap3A_675] : memref<25x128xi32, #tpu.memory_space<vmem>> -> memref<1x128xi32, #tpu.memory_space<vmem>>
      %swap3A_677 = tpu.memref_squeeze %swap3A_676 : memref<1x128xi32, #tpu.memory_space<vmem>> -> memref<128xi32, #tpu.memory_space<vmem>>
      %swap3A_678 = arith.constant 0 : index
      %swap3A_679 = tpu.vector_load %swap3A_677[%swap3A_678] {strides = array<i32>} : memref<128xi32, #tpu.memory_space<vmem>>, vector<16xi32>,
      tpu.vector_store %swap3A_677[%swap3A_678], %add3A_674 {strides = array<i32>} : memref<128xi32, #tpu.memory_space<vmem>>, vector<16xi32>,
      %get3A_680 = arith.constant 80 : index
      %get3A_681 = tpu.vector_load %arg9[%get3A_680] {strides = array<i32>} : memref<128xi32, #tpu.memory_space<vmem>>, vector<16xi32>,
      %and3A_682 = arith.constant 7 : i32
      %and3A_683 = vector.broadcast %and3A_682 : i32 to vector<16xi32>
      %and3A_684 = arith.andi %get3A_681, %and3A_683 : vector<16xi32>
      %add3A_685 = arith.constant 16 : i32
      %add3A_686 = arith.addi %multiple_of3A_634, %add3A_685 : i32
      %add3A_687 = vector.broadcast %add3A_686 : i32 to vector<16xi32>
      %add3A_688 = arith.addi %add3A_687, %iota3A : vector<16xi32>
      %gather3A_689 = tpu.vector_load_idx %arg18[%add3A_688, %and3A_684] : memref<3200x8xi32, #tpu.memory_space<vmem>>[vector<16xi32>, vector<16xi32>], vector<16xi32>,
      %shift_right_logical3A_690 = arith.constant 3 : i32
      %shift_right_logical3A_691 = vector.broadcast %shift_right_logical3A_690 : i32 to vector<16xi32>
      %shift_right_logical3A_692 = arith.shrui %gather3A_689, %shift_right_logical3A_691 : vector<16xi32>
      %mul3A_693 = arith.constant 1024 : i32
      %mul3A_694 = vector.broadcast %mul3A_693 : i32 to vector<16xi32>
      %mul3A_695 = arith.muli %shift_right_logical3A_692, %mul3A_694 : vector<16xi32>
      %and3A_696 = arith.constant 7 : i32
      %and3A_697 = vector.broadcast %and3A_696 : i32 to vector<16xi32>
      %and3A_698 = arith.andi %gather3A_689, %and3A_697 : vector<16xi32>
      %mul3A_699 = arith.constant 16 : i32
      %mul3A_700 = vector.broadcast %mul3A_699 : i32 to vector<16xi32>
      %mul3A_701 = arith.muli %and3A_698, %mul3A_700 : vector<16xi32>
      %add3A_702 = arith.addi %mul3A_695, %mul3A_701 : vector<16xi32>
      %get3A_703 = arith.constant 80 : index
      %get3A_704 = tpu.vector_load %arg12[%get3A_703] {strides = array<i32>} : memref<128xi32, #tpu.memory_space<vmem>>, vector<16xi32>,
      %add3A_705 = arith.addi %add3A_702, %get3A_704 : vector<16xi32>
      %swap3A_706 = arith.constant 0 : i32
      %swap3A_707 = tpu.memref_slice %arg15[%scan3A_631, %swap3A_706] : memref<25x128xi32, #tpu.memory_space<vmem>> -> memref<1x128xi32, #tpu.memory_space<vmem>>
      %swap3A_708 = tpu.memref_squeeze %swap3A_707 : memref<1x128xi32, #tpu.memory_space<vmem>> -> memref<128xi32, #tpu.memory_space<vmem>>
      %swap3A_709 = arith.constant 16 : index
      %swap3A_710 = tpu.vector_load %swap3A_708[%swap3A_709] {strides = array<i32>} : memref<128xi32, #tpu.memory_space<vmem>>, vector<16xi32>,
      tpu.vector_store %swap3A_708[%swap3A_709], %add3A_705 {strides = array<i32>} : memref<128xi32, #tpu.memory_space<vmem>>, vector<16xi32>,
      %mul3A_711 = arith.constant 125 : i32
      %mul3A_712 = vector.broadcast %mul3A_711 : i32 to vector<16xi32>
      %mul3A_713 = arith.muli %gather3A_689, %mul3A_712 : vector<16xi32>
      %get3A_714 = arith.constant 80 : index
      %get3A_715 = tpu.vector_load %arg10[%get3A_714] {strides = array<i32>} : memref<128xi32, #tpu.memory_space<vmem>>, vector<16xi32>,
      %shift_right_logical3A_716 = arith.constant 3 : i32
      %shift_right_logical3A_717 = vector.broadcast %shift_right_logical3A_716 : i32 to vector<16xi32>
      %shift_right_logical3A_718 = arith.shrui %get3A_715, %shift_right_logical3A_717 : vector<16xi32>
      %add3A_719 = arith.addi %mul3A_713, %shift_right_logical3A_718 : vector<16xi32>
      %swap3A_720 = arith.constant 0 : i32
      %swap3A_721 = tpu.memref_slice %arg16[%scan3A_631, %swap3A_720] : memref<25x128xi32, #tpu.memory_space<vmem>> -> memref<1x128xi32, #tpu.memory_space<vmem>>
      %swap3A_722 = tpu.memref_squeeze %swap3A_721 : memref<1x128xi32, #tpu.memory_space<vmem>> -> memref<128xi32, #tpu.memory_space<vmem>>
      %swap3A_723 = arith.constant 16 : index
      %swap3A_724 = tpu.vector_load %swap3A_722[%swap3A_723] {strides = array<i32>} : memref<128xi32, #tpu.memory_space<vmem>>, vector<16xi32>,
      tpu.vector_store %swap3A_722[%swap3A_723], %add3A_719 {strides = array<i32>} : memref<128xi32, #tpu.memory_space<vmem>>, vector<16xi32>,
      %get3A_725 = arith.constant 96 : index
      %get3A_726 = tpu.vector_load %arg9[%get3A_725] {strides = array<i32>} : memref<128xi32, #tpu.memory_space<vmem>>, vector<16xi32>,
      %and3A_727 = arith.constant 7 : i32
      %and3A_728 = vector.broadcast %and3A_727 : i32 to vector<16xi32>
      %and3A_729 = arith.andi %get3A_726, %and3A_728 : vector<16xi32>
      %add3A_730 = arith.constant 32 : i32
      %add3A_731 = arith.addi %multiple_of3A_634, %add3A_730 : i32
      %add3A_732 = vector.broadcast %add3A_731 : i32 to vector<16xi32>
      %add3A_733 = arith.addi %add3A_732, %iota3A : vector<16xi32>
      %gather3A_734 = tpu.vector_load_idx %arg18[%add3A_733, %and3A_729] : memref<3200x8xi32, #tpu.memory_space<vmem>>[vector<16xi32>, vector<16xi32>], vector<16xi32>,
      %shift_right_logical3A_735 = arith.constant 3 : i32
      %shift_right_logical3A_736 = vector.broadcast %shift_right_logical3A_735 : i32 to vector<16xi32>
      %shift_right_logical3A_737 = arith.shrui %gather3A_734, %shift_right_logical3A_736 : vector<16xi32>
      %mul3A_738 = arith.constant 1024 : i32
      %mul3A_739 = vector.broadcast %mul3A_738 : i32 to vector<16xi32>
      %mul3A_740 = arith.muli %shift_right_logical3A_737, %mul3A_739 : vector<16xi32>
      %and3A_741 = arith.constant 7 : i32
      %and3A_742 = vector.broadcast %and3A_741 : i32 to vector<16xi32>
      %and3A_743 = arith.andi %gather3A_734, %and3A_742 : vector<16xi32>
      %mul3A_744 = arith.constant 16 : i32
      %mul3A_745 = vector.broadcast %mul3A_744 : i32 to vector<16xi32>
      %mul3A_746 = arith.muli %and3A_743, %mul3A_745 : vector<16xi32>
      %add3A_747 = arith.addi %mul3A_740, %mul3A_746 : vector<16xi32>
      %get3A_748 = arith.constant 96 : index
      %get3A_749 = tpu.vector_load %arg12[%get3A_748] {strides = array<i32>} : memref<128xi32, #tpu.memory_space<vmem>>, vector<16xi32>,
      %add3A_750 = arith.addi %add3A_747, %get3A_749 : vector<16xi32>
      %swap3A_751 = arith.constant 0 : i32
      %swap3A_752 = tpu.memref_slice %arg15[%scan3A_631, %swap3A_751] : memref<25x128xi32, #tpu.memory_space<vmem>> -> memref<1x128xi32, #tpu.memory_space<vmem>>
      %swap3A_753 = tpu.memref_squeeze %swap3A_752 : memref<1x128xi32, #tpu.memory_space<vmem>> -> memref<128xi32, #tpu.memory_space<vmem>>
      %swap3A_754 = arith.constant 32 : index
      %swap3A_755 = tpu.vector_load %swap3A_753[%swap3A_754] {strides = array<i32>} : memref<128xi32, #tpu.memory_space<vmem>>, vector<16xi32>,
      tpu.vector_store %swap3A_753[%swap3A_754], %add3A_750 {strides = array<i32>} : memref<128xi32, #tpu.memory_space<vmem>>, vector<16xi32>,
      %mul3A_756 = arith.constant 125 : i32
      %mul3A_757 = vector.broadcast %mul3A_756 : i32 to vector<16xi32>
      %mul3A_758 = arith.muli %gather3A_734, %mul3A_757 : vector<16xi32>
      %get3A_759 = arith.constant 96 : index
      %get3A_760 = tpu.vector_load %arg10[%get3A_759] {strides = array<i32>} : memref<128xi32, #tpu.memory_space<vmem>>, vector<16xi32>,
      %shift_right_logical3A_761 = arith.constant 3 : i32
      %shift_right_logical3A_762 = vector.broadcast %shift_right_logical3A_761 : i32 to vector<16xi32>
      %shift_right_logical3A_763 = arith.shrui %get3A_760, %shift_right_logical3A_762 : vector<16xi32>
      %add3A_764 = arith.addi %mul3A_758, %shift_right_logical3A_763 : vector<16xi32>
      %swap3A_765 = arith.constant 0 : i32
      %swap3A_766 = tpu.memref_slice %arg16[%scan3A_631, %swap3A_765] : memref<25x128xi32, #tpu.memory_space<vmem>> -> memref<1x128xi32, #tpu.memory_space<vmem>>
      %swap3A_767 = tpu.memref_squeeze %swap3A_766 : memref<1x128xi32, #tpu.memory_space<vmem>> -> memref<128xi32, #tpu.memory_space<vmem>>
      %swap3A_768 = arith.constant 32 : index
      %swap3A_769 = tpu.vector_load %swap3A_767[%swap3A_768] {strides = array<i32>} : memref<128xi32, #tpu.memory_space<vmem>>, vector<16xi32>,
      tpu.vector_store %swap3A_767[%swap3A_768], %add3A_764 {strides = array<i32>} : memref<128xi32, #tpu.memory_space<vmem>>, vector<16xi32>,
      %get3A_770 = arith.constant 112 : index
      %get3A_771 = tpu.vector_load %arg9[%get3A_770] {strides = array<i32>} : memref<128xi32, #tpu.memory_space<vmem>>, vector<16xi32>,
      %and3A_772 = arith.constant 7 : i32
      %and3A_773 = vector.broadcast %and3A_772 : i32 to vector<16xi32>
      %and3A_774 = arith.andi %get3A_771, %and3A_773 : vector<16xi32>
      %add3A_775 = arith.constant 48 : i32
      %add3A_776 = arith.addi %multiple_of3A_634, %add3A_775 : i32
      %add3A_777 = vector.broadcast %add3A_776 : i32 to vector<16xi32>
      %add3A_778 = arith.addi %add3A_777, %iota3A : vector<16xi32>
      %gather3A_779 = tpu.vector_load_idx %arg18[%add3A_778, %and3A_774] : memref<3200x8xi32, #tpu.memory_space<vmem>>[vector<16xi32>, vector<16xi32>], vector<16xi32>,
      %shift_right_logical3A_780 = arith.constant 3 : i32
      %shift_right_logical3A_781 = vector.broadcast %shift_right_logical3A_780 : i32 to vector<16xi32>
      %shift_right_logical3A_782 = arith.shrui %gather3A_779, %shift_right_logical3A_781 : vector<16xi32>
      %mul3A_783 = arith.constant 1024 : i32
      %mul3A_784 = vector.broadcast %mul3A_783 : i32 to vector<16xi32>
      %mul3A_785 = arith.muli %shift_right_logical3A_782, %mul3A_784 : vector<16xi32>
      %and3A_786 = arith.constant 7 : i32
      %and3A_787 = vector.broadcast %and3A_786 : i32 to vector<16xi32>
      %and3A_788 = arith.andi %gather3A_779, %and3A_787 : vector<16xi32>
      %mul3A_789 = arith.constant 16 : i32
      %mul3A_790 = vector.broadcast %mul3A_789 : i32 to vector<16xi32>
      %mul3A_791 = arith.muli %and3A_788, %mul3A_790 : vector<16xi32>
      %add3A_792 = arith.addi %mul3A_785, %mul3A_791 : vector<16xi32>
      %get3A_793 = arith.constant 112 : index
      %get3A_794 = tpu.vector_load %arg12[%get3A_793] {strides = array<i32>} : memref<128xi32, #tpu.memory_space<vmem>>, vector<16xi32>,
      %add3A_795 = arith.addi %add3A_792, %get3A_794 : vector<16xi32>
      %swap3A_796 = arith.constant 0 : i32
      %swap3A_797 = tpu.memref_slice %arg15[%scan3A_631, %swap3A_796] : memref<25x128xi32, #tpu.memory_space<vmem>> -> memref<1x128xi32, #tpu.memory_space<vmem>>
      %swap3A_798 = tpu.memref_squeeze %swap3A_797 : memref<1x128xi32, #tpu.memory_space<vmem>> -> memref<128xi32, #tpu.memory_space<vmem>>
      %swap3A_799 = arith.constant 48 : index
      %swap3A_800 = tpu.vector_load %swap3A_798[%swap3A_799] {strides = array<i32>} : memref<128xi32, #tpu.memory_space<vmem>>, vector<16xi32>,
      tpu.vector_store %swap3A_798[%swap3A_799], %add3A_795 {strides = array<i32>} : memref<128xi32, #tpu.memory_space<vmem>>, vector<16xi32>,
      %mul3A_801 = arith.constant 125 : i32
      %mul3A_802 = vector.broadcast %mul3A_801 : i32 to vector<16xi32>
      %mul3A_803 = arith.muli %gather3A_779, %mul3A_802 : vector<16xi32>
      %get3A_804 = arith.constant 112 : index
      %get3A_805 = tpu.vector_load %arg10[%get3A_804] {strides = array<i32>} : memref<128xi32, #tpu.memory_space<vmem>>, vector<16xi32>,
      %shift_right_logical3A_806 = arith.constant 3 : i32
      %shift_right_logical3A_807 = vector.broadcast %shift_right_logical3A_806 : i32 to vector<16xi32>
      %shift_right_logical3A_808 = arith.shrui %get3A_805, %shift_right_logical3A_807 : vector<16xi32>
      %add3A_809 = arith.addi %mul3A_803, %shift_right_logical3A_808 : vector<16xi32>
      %swap3A_810 = arith.constant 0 : i32
      %swap3A_811 = tpu.memref_slice %arg16[%scan3A_631, %swap3A_810] : memref<25x128xi32, #tpu.memory_space<vmem>> -> memref<1x128xi32, #tpu.memory_space<vmem>>
      %swap3A_812 = tpu.memref_squeeze %swap3A_811 : memref<1x128xi32, #tpu.memory_space<vmem>> -> memref<128xi32, #tpu.memory_space<vmem>>
      %swap3A_813 = arith.constant 48 : index
      %swap3A_814 = tpu.vector_load %swap3A_812[%swap3A_813] {strides = array<i32>} : memref<128xi32, #tpu.memory_space<vmem>>, vector<16xi32>,
      tpu.vector_store %swap3A_812[%swap3A_813], %add3A_809 {strides = array<i32>} : memref<128xi32, #tpu.memory_space<vmem>>, vector<16xi32>,
      %get3A_815 = arith.constant 64 : index
      %get3A_816 = tpu.vector_load %arg9[%get3A_815] {strides = array<i32>} : memref<128xi32, #tpu.memory_space<vmem>>, vector<16xi32>,
      %and3A_817 = arith.constant 7 : i32
      %and3A_818 = vector.broadcast %and3A_817 : i32 to vector<16xi32>
      %and3A_819 = arith.andi %get3A_816, %and3A_818 : vector<16xi32>
      %add3A_820 = arith.constant 64 : i32
      %add3A_821 = arith.addi %multiple_of3A_634, %add3A_820 : i32
      %add3A_822 = vector.broadcast %add3A_821 : i32 to vector<16xi32>
      %add3A_823 = arith.addi %add3A_822, %iota3A : vector<16xi32>
      %gather3A_824 = tpu.vector_load_idx %arg18[%add3A_823, %and3A_819] : memref<3200x8xi32, #tpu.memory_space<vmem>>[vector<16xi32>, vector<16xi32>], vector<16xi32>,
      %shift_right_logical3A_825 = arith.constant 3 : i32
      %shift_right_logical3A_826 = vector.broadcast %shift_right_logical3A_825 : i32 to vector<16xi32>
      %shift_right_logical3A_827 = arith.shrui %gather3A_824, %shift_right_logical3A_826 : vector<16xi32>
      %mul3A_828 = arith.constant 1024 : i32
      %mul3A_829 = vector.broadcast %mul3A_828 : i32 to vector<16xi32>
      %mul3A_830 = arith.muli %shift_right_logical3A_827, %mul3A_829 : vector<16xi32>
      %and3A_831 = arith.constant 7 : i32
      %and3A_832 = vector.broadcast %and3A_831 : i32 to vector<16xi32>
      %and3A_833 = arith.andi %gather3A_824, %and3A_832 : vector<16xi32>
      %mul3A_834 = arith.constant 16 : i32
      %mul3A_835 = vector.broadcast %mul3A_834 : i32 to vector<16xi32>
      %mul3A_836 = arith.muli %and3A_833, %mul3A_835 : vector<16xi32>
      %add3A_837 = arith.addi %mul3A_830, %mul3A_836 : vector<16xi32>
      %get3A_838 = arith.constant 64 : index
      %get3A_839 = tpu.vector_load %arg12[%get3A_838] {strides = array<i32>} : memref<128xi32, #tpu.memory_space<vmem>>, vector<16xi32>,
      %add3A_840 = arith.addi %add3A_837, %get3A_839 : vector<16xi32>
      %swap3A_841 = arith.constant 0 : i32
      %swap3A_842 = tpu.memref_slice %arg15[%scan3A_631, %swap3A_841] : memref<25x128xi32, #tpu.memory_space<vmem>> -> memref<1x128xi32, #tpu.memory_space<vmem>>
      %swap3A_843 = tpu.memref_squeeze %swap3A_842 : memref<1x128xi32, #tpu.memory_space<vmem>> -> memref<128xi32, #tpu.memory_space<vmem>>
      %swap3A_844 = arith.constant 64 : index
      %swap3A_845 = tpu.vector_load %swap3A_843[%swap3A_844] {strides = array<i32>} : memref<128xi32, #tpu.memory_space<vmem>>, vector<16xi32>,
      tpu.vector_store %swap3A_843[%swap3A_844], %add3A_840 {strides = array<i32>} : memref<128xi32, #tpu.memory_space<vmem>>, vector<16xi32>,
      %mul3A_846 = arith.constant 125 : i32
      %mul3A_847 = vector.broadcast %mul3A_846 : i32 to vector<16xi32>
      %mul3A_848 = arith.muli %gather3A_824, %mul3A_847 : vector<16xi32>
      %get3A_849 = arith.constant 64 : index
      %get3A_850 = tpu.vector_load %arg10[%get3A_849] {strides = array<i32>} : memref<128xi32, #tpu.memory_space<vmem>>, vector<16xi32>,
      %shift_right_logical3A_851 = arith.constant 3 : i32
      %shift_right_logical3A_852 = vector.broadcast %shift_right_logical3A_851 : i32 to vector<16xi32>
      %shift_right_logical3A_853 = arith.shrui %get3A_850, %shift_right_logical3A_852 : vector<16xi32>
      %add3A_854 = arith.addi %mul3A_848, %shift_right_logical3A_853 : vector<16xi32>
      %swap3A_855 = arith.constant 0 : i32
      %swap3A_856 = tpu.memref_slice %arg16[%scan3A_631, %swap3A_855] : memref<25x128xi32, #tpu.memory_space<vmem>> -> memref<1x128xi32, #tpu.memory_space<vmem>>
      %swap3A_857 = tpu.memref_squeeze %swap3A_856 : memref<1x128xi32, #tpu.memory_space<vmem>> -> memref<128xi32, #tpu.memory_space<vmem>>
      %swap3A_858 = arith.constant 64 : index
      %swap3A_859 = tpu.vector_load %swap3A_857[%swap3A_858] {strides = array<i32>} : memref<128xi32, #tpu.memory_space<vmem>>, vector<16xi32>,
      tpu.vector_store %swap3A_857[%swap3A_858], %add3A_854 {strides = array<i32>} : memref<128xi32, #tpu.memory_space<vmem>>, vector<16xi32>,
      %get3A_860 = arith.constant 80 : index
      %get3A_861 = tpu.vector_load %arg9[%get3A_860] {strides = array<i32>} : memref<128xi32, #tpu.memory_space<vmem>>, vector<16xi32>,
      %and3A_862 = arith.constant 7 : i32
      %and3A_863 = vector.broadcast %and3A_862 : i32 to vector<16xi32>
      %and3A_864 = arith.andi %get3A_861, %and3A_863 : vector<16xi32>
      %add3A_865 = arith.constant 80 : i32
      %add3A_866 = arith.addi %multiple_of3A_634, %add3A_865 : i32
      %add3A_867 = vector.broadcast %add3A_866 : i32 to vector<16xi32>
      %add3A_868 = arith.addi %add3A_867, %iota3A : vector<16xi32>
      %gather3A_869 = tpu.vector_load_idx %arg18[%add3A_868, %and3A_864] : memref<3200x8xi32, #tpu.memory_space<vmem>>[vector<16xi32>, vector<16xi32>], vector<16xi32>,
      %shift_right_logical3A_870 = arith.constant 3 : i32
      %shift_right_logical3A_871 = vector.broadcast %shift_right_logical3A_870 : i32 to vector<16xi32>
      %shift_right_logical3A_872 = arith.shrui %gather3A_869, %shift_right_logical3A_871 : vector<16xi32>
      %mul3A_873 = arith.constant 1024 : i32
      %mul3A_874 = vector.broadcast %mul3A_873 : i32 to vector<16xi32>
      %mul3A_875 = arith.muli %shift_right_logical3A_872, %mul3A_874 : vector<16xi32>
      %and3A_876 = arith.constant 7 : i32
      %and3A_877 = vector.broadcast %and3A_876 : i32 to vector<16xi32>
      %and3A_878 = arith.andi %gather3A_869, %and3A_877 : vector<16xi32>
      %mul3A_879 = arith.constant 16 : i32
      %mul3A_880 = vector.broadcast %mul3A_879 : i32 to vector<16xi32>
      %mul3A_881 = arith.muli %and3A_878, %mul3A_880 : vector<16xi32>
      %add3A_882 = arith.addi %mul3A_875, %mul3A_881 : vector<16xi32>
      %get3A_883 = arith.constant 80 : index
      %get3A_884 = tpu.vector_load %arg12[%get3A_883] {strides = array<i32>} : memref<128xi32, #tpu.memory_space<vmem>>, vector<16xi32>,
      %add3A_885 = arith.addi %add3A_882, %get3A_884 : vector<16xi32>
      %swap3A_886 = arith.constant 0 : i32
      %swap3A_887 = tpu.memref_slice %arg15[%scan3A_631, %swap3A_886] : memref<25x128xi32, #tpu.memory_space<vmem>> -> memref<1x128xi32, #tpu.memory_space<vmem>>
      %swap3A_888 = tpu.memref_squeeze %swap3A_887 : memref<1x128xi32, #tpu.memory_space<vmem>> -> memref<128xi32, #tpu.memory_space<vmem>>
      %swap3A_889 = arith.constant 80 : index
      %swap3A_890 = tpu.vector_load %swap3A_888[%swap3A_889] {strides = array<i32>} : memref<128xi32, #tpu.memory_space<vmem>>, vector<16xi32>,
      tpu.vector_store %swap3A_888[%swap3A_889], %add3A_885 {strides = array<i32>} : memref<128xi32, #tpu.memory_space<vmem>>, vector<16xi32>,
      %mul3A_891 = arith.constant 125 : i32
      %mul3A_892 = vector.broadcast %mul3A_891 : i32 to vector<16xi32>
      %mul3A_893 = arith.muli %gather3A_869, %mul3A_892 : vector<16xi32>
      %get3A_894 = arith.constant 80 : index
      %get3A_895 = tpu.vector_load %arg10[%get3A_894] {strides = array<i32>} : memref<128xi32, #tpu.memory_space<vmem>>, vector<16xi32>,
      %shift_right_logical3A_896 = arith.constant 3 : i32
      %shift_right_logical3A_897 = vector.broadcast %shift_right_logical3A_896 : i32 to vector<16xi32>
      %shift_right_logical3A_898 = arith.shrui %get3A_895, %shift_right_logical3A_897 : vector<16xi32>
      %add3A_899 = arith.addi %mul3A_893, %shift_right_logical3A_898 : vector<16xi32>
      %swap3A_900 = arith.constant 0 : i32
      %swap3A_901 = tpu.memref_slice %arg16[%scan3A_631, %swap3A_900] : memref<25x128xi32, #tpu.memory_space<vmem>> -> memref<1x128xi32, #tpu.memory_space<vmem>>
      %swap3A_902 = tpu.memref_squeeze %swap3A_901 : memref<1x128xi32, #tpu.memory_space<vmem>> -> memref<128xi32, #tpu.memory_space<vmem>>
      %swap3A_903 = arith.constant 80 : index
      %swap3A_904 = tpu.vector_load %swap3A_902[%swap3A_903] {strides = array<i32>} : memref<128xi32, #tpu.memory_space<vmem>>, vector<16xi32>,
      tpu.vector_store %swap3A_902[%swap3A_903], %add3A_899 {strides = array<i32>} : memref<128xi32, #tpu.memory_space<vmem>>, vector<16xi32>,
      %get3A_905 = arith.constant 96 : index
      %get3A_906 = tpu.vector_load %arg9[%get3A_905] {strides = array<i32>} : memref<128xi32, #tpu.memory_space<vmem>>, vector<16xi32>,
      %and3A_907 = arith.constant 7 : i32
      %and3A_908 = vector.broadcast %and3A_907 : i32 to vector<16xi32>
      %and3A_909 = arith.andi %get3A_906, %and3A_908 : vector<16xi32>
      %add3A_910 = arith.constant 96 : i32
      %add3A_911 = arith.addi %multiple_of3A_634, %add3A_910 : i32
      %add3A_912 = vector.broadcast %add3A_911 : i32 to vector<16xi32>
      %add3A_913 = arith.addi %add3A_912, %iota3A : vector<16xi32>
      %gather3A_914 = tpu.vector_load_idx %arg18[%add3A_913, %and3A_909] : memref<3200x8xi32, #tpu.memory_space<vmem>>[vector<16xi32>, vector<16xi32>], vector<16xi32>,
      %shift_right_logical3A_915 = arith.constant 3 : i32
      %shift_right_logical3A_916 = vector.broadcast %shift_right_logical3A_915 : i32 to vector<16xi32>
      %shift_right_logical3A_917 = arith.shrui %gather3A_914, %shift_right_logical3A_916 : vector<16xi32>
      %mul3A_918 = arith.constant 1024 : i32
      %mul3A_919 = vector.broadcast %mul3A_918 : i32 to vector<16xi32>
      %mul3A_920 = arith.muli %shift_right_logical3A_917, %mul3A_919 : vector<16xi32>
      %and3A_921 = arith.constant 7 : i32
      %and3A_922 = vector.broadcast %and3A_921 : i32 to vector<16xi32>
      %and3A_923 = arith.andi %gather3A_914, %and3A_922 : vector<16xi32>
      %mul3A_924 = arith.constant 16 : i32
      %mul3A_925 = vector.broadcast %mul3A_924 : i32 to vector<16xi32>
      %mul3A_926 = arith.muli %and3A_923, %mul3A_925 : vector<16xi32>
      %add3A_927 = arith.addi %mul3A_920, %mul3A_926 : vector<16xi32>
      %get3A_928 = arith.constant 96 : index
      %get3A_929 = tpu.vector_load %arg12[%get3A_928] {strides = array<i32>} : memref<128xi32, #tpu.memory_space<vmem>>, vector<16xi32>,
      %add3A_930 = arith.addi %add3A_927, %get3A_929 : vector<16xi32>
      %swap3A_931 = arith.constant 0 : i32
      %swap3A_932 = tpu.memref_slice %arg15[%scan3A_631, %swap3A_931] : memref<25x128xi32, #tpu.memory_space<vmem>> -> memref<1x128xi32, #tpu.memory_space<vmem>>
      %swap3A_933 = tpu.memref_squeeze %swap3A_932 : memref<1x128xi32, #tpu.memory_space<vmem>> -> memref<128xi32, #tpu.memory_space<vmem>>
      %swap3A_934 = arith.constant 96 : index
      %swap3A_935 = tpu.vector_load %swap3A_933[%swap3A_934] {strides = array<i32>} : memref<128xi32, #tpu.memory_space<vmem>>, vector<16xi32>,
      tpu.vector_store %swap3A_933[%swap3A_934], %add3A_930 {strides = array<i32>} : memref<128xi32, #tpu.memory_space<vmem>>, vector<16xi32>,
      %mul3A_936 = arith.constant 125 : i32
      %mul3A_937 = vector.broadcast %mul3A_936 : i32 to vector<16xi32>
      %mul3A_938 = arith.muli %gather3A_914, %mul3A_937 : vector<16xi32>
      %get3A_939 = arith.constant 96 : index
      %get3A_940 = tpu.vector_load %arg10[%get3A_939] {strides = array<i32>} : memref<128xi32, #tpu.memory_space<vmem>>, vector<16xi32>,
      %shift_right_logical3A_941 = arith.constant 3 : i32
      %shift_right_logical3A_942 = vector.broadcast %shift_right_logical3A_941 : i32 to vector<16xi32>
      %shift_right_logical3A_943 = arith.shrui %get3A_940, %shift_right_logical3A_942 : vector<16xi32>
      %add3A_944 = arith.addi %mul3A_938, %shift_right_logical3A_943 : vector<16xi32>
      %swap3A_945 = arith.constant 0 : i32
      %swap3A_946 = tpu.memref_slice %arg16[%scan3A_631, %swap3A_945] : memref<25x128xi32, #tpu.memory_space<vmem>> -> memref<1x128xi32, #tpu.memory_space<vmem>>
      %swap3A_947 = tpu.memref_squeeze %swap3A_946 : memref<1x128xi32, #tpu.memory_space<vmem>> -> memref<128xi32, #tpu.memory_space<vmem>>
      %swap3A_948 = arith.constant 96 : index
      %swap3A_949 = tpu.vector_load %swap3A_947[%swap3A_948] {strides = array<i32>} : memref<128xi32, #tpu.memory_space<vmem>>, vector<16xi32>,
      tpu.vector_store %swap3A_947[%swap3A_948], %add3A_944 {strides = array<i32>} : memref<128xi32, #tpu.memory_space<vmem>>, vector<16xi32>,
      %get3A_950 = arith.constant 112 : index
      %get3A_951 = tpu.vector_load %arg9[%get3A_950] {strides = array<i32>} : memref<128xi32, #tpu.memory_space<vmem>>, vector<16xi32>,
      %and3A_952 = arith.constant 7 : i32
      %and3A_953 = vector.broadcast %and3A_952 : i32 to vector<16xi32>
      %and3A_954 = arith.andi %get3A_951, %and3A_953 : vector<16xi32>
      %add3A_955 = arith.constant 112 : i32
      %add3A_956 = arith.addi %multiple_of3A_634, %add3A_955 : i32
      %add3A_957 = vector.broadcast %add3A_956 : i32 to vector<16xi32>
      %add3A_958 = arith.addi %add3A_957, %iota3A : vector<16xi32>
      %gather3A_959 = tpu.vector_load_idx %arg18[%add3A_958, %and3A_954] : memref<3200x8xi32, #tpu.memory_space<vmem>>[vector<16xi32>, vector<16xi32>], vector<16xi32>,
      %shift_right_logical3A_960 = arith.constant 3 : i32
      %shift_right_logical3A_961 = vector.broadcast %shift_right_logical3A_960 : i32 to vector<16xi32>
      %shift_right_logical3A_962 = arith.shrui %gather3A_959, %shift_right_logical3A_961 : vector<16xi32>
      %mul3A_963 = arith.constant 1024 : i32
      %mul3A_964 = vector.broadcast %mul3A_963 : i32 to vector<16xi32>
      %mul3A_965 = arith.muli %shift_right_logical3A_962, %mul3A_964 : vector<16xi32>
      %and3A_966 = arith.constant 7 : i32
      %and3A_967 = vector.broadcast %and3A_966 : i32 to vector<16xi32>
      %and3A_968 = arith.andi %gather3A_959, %and3A_967 : vector<16xi32>
      %mul3A_969 = arith.constant 16 : i32
      %mul3A_970 = vector.broadcast %mul3A_969 : i32 to vector<16xi32>
      %mul3A_971 = arith.muli %and3A_968, %mul3A_970 : vector<16xi32>
      %add3A_972 = arith.addi %mul3A_965, %mul3A_971 : vector<16xi32>
      %get3A_973 = arith.constant 112 : index
      %get3A_974 = tpu.vector_load %arg12[%get3A_973] {strides = array<i32>} : memref<128xi32, #tpu.memory_space<vmem>>, vector<16xi32>,
      %add3A_975 = arith.addi %add3A_972, %get3A_974 : vector<16xi32>
      %swap3A_976 = arith.constant 0 : i32
      %swap3A_977 = tpu.memref_slice %arg15[%scan3A_631, %swap3A_976] : memref<25x128xi32, #tpu.memory_space<vmem>> -> memref<1x128xi32, #tpu.memory_space<vmem>>
      %swap3A_978 = tpu.memref_squeeze %swap3A_977 : memref<1x128xi32, #tpu.memory_space<vmem>> -> memref<128xi32, #tpu.memory_space<vmem>>
      %swap3A_979 = arith.constant 112 : index
      %swap3A_980 = tpu.vector_load %swap3A_978[%swap3A_979] {strides = array<i32>} : memref<128xi32, #tpu.memory_space<vmem>>, vector<16xi32>,
      tpu.vector_store %swap3A_978[%swap3A_979], %add3A_975 {strides = array<i32>} : memref<128xi32, #tpu.memory_space<vmem>>, vector<16xi32>,
      %mul3A_981 = arith.constant 125 : i32
      %mul3A_982 = vector.broadcast %mul3A_981 : i32 to vector<16xi32>
      %mul3A_983 = arith.muli %gather3A_959, %mul3A_982 : vector<16xi32>
      %get3A_984 = arith.constant 112 : index
      %get3A_985 = tpu.vector_load %arg10[%get3A_984] {strides = array<i32>} : memref<128xi32, #tpu.memory_space<vmem>>, vector<16xi32>,
      %shift_right_logical3A_986 = arith.constant 3 : i32
      %shift_right_logical3A_987 = vector.broadcast %shift_right_logical3A_986 : i32 to vector<16xi32>
      %shift_right_logical3A_988 = arith.shrui %get3A_985, %shift_right_logical3A_987 : vector<16xi32>
      %add3A_989 = arith.addi %mul3A_983, %shift_right_logical3A_988 : vector<16xi32>
      %swap3A_990 = arith.constant 0 : i32
      %swap3A_991 = tpu.memref_slice %arg16[%scan3A_631, %swap3A_990] : memref<25x128xi32, #tpu.memory_space<vmem>> -> memref<1x128xi32, #tpu.memory_space<vmem>>
      %swap3A_992 = tpu.memref_squeeze %swap3A_991 : memref<1x128xi32, #tpu.memory_space<vmem>> -> memref<128xi32, #tpu.memory_space<vmem>>
      %swap3A_993 = arith.constant 112 : index
      %swap3A_994 = tpu.vector_load %swap3A_992[%swap3A_993] {strides = array<i32>} : memref<128xi32, #tpu.memory_space<vmem>>, vector<16xi32>,
      tpu.vector_store %swap3A_992[%swap3A_993], %add3A_989 {strides = array<i32>} : memref<128xi32, #tpu.memory_space<vmem>>, vector<16xi32>,
      %dma_start3A = arith.constant 0 : i32
      %dma_start3A_995 = tpu.memref_slice %arg19[%multiple_of3A_634, %dma_start3A] : memref<3200x8xf32, #tpu.memory_space<vmem>> -> memref<128x8xf32, #tpu.memory_space<vmem>>
      %dma_start3A_996 = arith.constant 0 : i32
      %dma_start3A_997 = tpu.memref_slice %arg15[%scan3A_631, %dma_start3A_996] : memref<25x128xi32, #tpu.memory_space<vmem>> -> memref<1x128xi32, #tpu.memory_space<vmem>>
      %dma_start3A_998 = tpu.memref_squeeze %dma_start3A_997 : memref<1x128xi32, #tpu.memory_space<vmem>> -> memref<128xi32, #tpu.memory_space<vmem>>
      %dma_start3A_999 = arith.constant 0 : i32
      %dma_start3A_1000 = arith.constant 0 : i32
      %dma_start3A_1001 = tpu.memref_slice %arg3[%dma_start3A_999, %dma_start3A_1000] : memref<128000x8xf32, #tpu.memory_space<hbm>> -> memref<128000x8xf32, #tpu.memory_space<hbm>>
      tpu.enqueue_indirect_dma source(%dma_start3A_1001 : memref<128000x8xf32, #tpu.memory_space<hbm>>) target(%dma_start3A_995 : memref<128x8xf32, #tpu.memory_space<vmem>>) offsets(%dma_start3A_998 : memref<128xi32, #tpu.memory_space<vmem>>) semaphore(%arg25 : memref<!tpu.dma_semaphore, #tpu.memory_space<semaphore_mem>>)
      %dma_start3A_1002 = arith.constant 0 : i32
      %dma_start3A_1003 = tpu.memref_slice %arg20[%multiple_of3A_634, %dma_start3A_1002] : memref<3200x8xf32, #tpu.memory_space<vmem>> -> memref<128x8xf32, #tpu.memory_space<vmem>>
      %dma_start3A_1004 = arith.constant 0 : i32
      %dma_start3A_1005 = tpu.memref_slice %arg16[%scan3A_631, %dma_start3A_1004] : memref<25x128xi32, #tpu.memory_space<vmem>> -> memref<1x128xi32, #tpu.memory_space<vmem>>
      %dma_start3A_1006 = tpu.memref_squeeze %dma_start3A_1005 : memref<1x128xi32, #tpu.memory_space<vmem>> -> memref<128xi32, #tpu.memory_space<vmem>>
      %dma_start3A_1007 = arith.constant 0 : i32
      %dma_start3A_1008 = arith.constant 0 : i32
      %dma_start3A_1009 = tpu.memref_slice %arg4[%dma_start3A_1007, %dma_start3A_1008] : memref<125000x8xf32, #tpu.memory_space<hbm>> -> memref<125000x8xf32, #tpu.memory_space<hbm>>
      tpu.enqueue_indirect_dma source(%dma_start3A_1009 : memref<125000x8xf32, #tpu.memory_space<hbm>>) target(%dma_start3A_1003 : memref<128x8xf32, #tpu.memory_space<vmem>>) offsets(%dma_start3A_1006 : memref<128xi32, #tpu.memory_space<vmem>>) semaphore(%arg26 : memref<!tpu.dma_semaphore, #tpu.memory_space<semaphore_mem>>)
    }
    %scan3A_498 = arith.constant 25 : i32
    %dma_wait3A_499 = arith.constant 0 : i32
    %dma_wait3A_500 = arith.constant 0 : i32
    %dma_wait3A_501 = tpu.memref_slice %arg3[%dma_wait3A_499, %dma_wait3A_500] : memref<128000x8xf32, #tpu.memory_space<hbm>> -> memref<3200x8xf32, #tpu.memory_space<hbm>>
    %dma_wait3A_502 = arith.constant 0 : i32
    %dma_wait3A_503 = arith.constant 0 : i32
    %dma_wait3A_504 = tpu.memref_slice %arg3[%dma_wait3A_502, %dma_wait3A_503] : memref<128000x8xf32, #tpu.memory_space<hbm>> -> memref<3200x8xf32, #tpu.memory_space<hbm>>
    tpu.wait_dma2 semaphore(%arg25 : memref<!tpu.dma_semaphore, #tpu.memory_space<semaphore_mem>>) src(%dma_wait3A_504 : memref<3200x8xf32, #tpu.memory_space<hbm>>) dst(%arg19 : memref<3200x8xf32, #tpu.memory_space<vmem>>)
    %dma_wait3A_505 = arith.constant 0 : i32
    %dma_wait3A_506 = arith.constant 0 : i32
    %dma_wait3A_507 = tpu.memref_slice %arg4[%dma_wait3A_505, %dma_wait3A_506] : memref<125000x8xf32, #tpu.memory_space<hbm>> -> memref<3200x8xf32, #tpu.memory_space<hbm>>
    %dma_wait3A_508 = arith.constant 0 : i32
    %dma_wait3A_509 = arith.constant 0 : i32
    %dma_wait3A_510 = tpu.memref_slice %arg4[%dma_wait3A_508, %dma_wait3A_509] : memref<125000x8xf32, #tpu.memory_space<hbm>> -> memref<3200x8xf32, #tpu.memory_space<hbm>>
    tpu.wait_dma2 semaphore(%arg26 : memref<!tpu.dma_semaphore, #tpu.memory_space<semaphore_mem>>) src(%dma_wait3A_510 : memref<3200x8xf32, #tpu.memory_space<hbm>>) dst(%arg20 : memref<3200x8xf32, #tpu.memory_space<vmem>>)
    %get3A_511 = arith.constant 64 : index
    %get3A_512 = tpu.vector_load %arg9[%get3A_511] {strides = array<i32>} : memref<128xi32, #tpu.memory_space<vmem>>, vector<16xi32>,
    %get3A_513 = arith.constant 64 : index
    %get3A_514 = tpu.vector_load %arg10[%get3A_513] {strides = array<i32>} : memref<128xi32, #tpu.memory_space<vmem>>, vector<16xi32>,
    %and3A_515 = arith.constant 7 : i32
    %and3A_516 = vector.broadcast %and3A_515 : i32 to vector<16xi32>
    %and3A_517 = arith.andi %get3A_512, %and3A_516 : vector<16xi32>
    %and3A_518 = arith.constant 7 : i32
    %and3A_519 = vector.broadcast %and3A_518 : i32 to vector<16xi32>
    %and3A_520 = arith.andi %get3A_514, %and3A_519 : vector<16xi32>
    %gather3A_521 = tpu.vector_load_idx %arg21[%get3A_512] : memref<1024xf32, #tpu.memory_space<vmem>>[vector<16xi32>], vector<16xf32>,
    %gather3A_522 = tpu.vector_load_idx %arg22[%get3A_514] : memref<1000xf32, #tpu.memory_space<vmem>>[vector<16xi32>], vector<16xf32>,
    %add3A_523 = arith.constant 0 : i32
    %add3A_524 = vector.broadcast %add3A_523 : i32 to vector<16xi32>
    %add3A_525 = arith.addi %add3A_524, %iota3A : vector<16xi32>
    %broadcast_in_dim3A_526 = arith.constant 0.000000e+00 : f32
    %broadcast_in_dim3A_527 = vector.broadcast %broadcast_in_dim3A_526 : f32 to vector<16xf32>
    %scan3A_528 = arith.constant 0 : i32
    %scan3A_529 = arith.constant 50 : i32
    %scan3A_530 = arith.addi %scan3A_528, %scan3A_529 : i32
    %scan3A_531 = arith.constant 1 : i32
    %scan3A_532 = scf.for %scan3A_631 = %scan3A_528 to %scan3A_530 step %scan3A_531 iter_args(%scan3A_632 = %broadcast_in_dim3A_527) -> (vector<16xf32>)  : i32 {
      %mul3A_633 = arith.constant 64 : i32
      %mul3A_634 = arith.muli %scan3A_631, %mul3A_633 : i32
      %add3A_635 = vector.broadcast %mul3A_634 : i32 to vector<16xi32>
      %add3A_636 = arith.addi %add3A_525, %add3A_635 : vector<16xi32>
      %gather3A_637 = tpu.vector_load_idx %arg18[%add3A_636, %and3A_517] : memref<3200x8xi32, #tpu.memory_space<vmem>>[vector<16xi32>, vector<16xi32>], vector<16xi32>,
      %gather3A_638 = tpu.vector_load_idx %arg20[%add3A_636, %and3A_520] : memref<3200x8xf32, #tpu.memory_space<vmem>>[vector<16xi32>, vector<16xi32>], vector<16xf32>,
      %gather3A_639 = tpu.vector_load_idx %arg19[%add3A_636, %and3A_517] : memref<3200x8xf32, #tpu.memory_space<vmem>>[vector<16xi32>, vector<16xi32>], vector<16xf32>,
      %gather3A_640 = tpu.vector_load_idx %arg22[%gather3A_637] : memref<1000xf32, #tpu.memory_space<vmem>>[vector<16xi32>], vector<16xf32>,
      %sub3A = arith.subf %gather3A_639, %gather3A_521 : vector<16xf32>
      %sub3A_641 = arith.subf %sub3A, %gather3A_640 : vector<16xf32>
      %mul3A_642 = arith.mulf %gather3A_638, %sub3A_641 : vector<16xf32>
      %add3A_643 = arith.addf %scan3A_632, %mul3A_642 : vector<16xf32>
      scf.yield %add3A_643 : vector<16xf32>
    }
    %scan3A_533 = arith.constant 50 : i32
    %add3A_534 = arith.addf %gather3A_521, %gather3A_522 : vector<16xf32>
    %div3A_535 = arith.constant 5.000000e+01 : f32
    %div3A_536 = vector.broadcast %div3A_535 : f32 to vector<16xf32>
    %div3A_537 = arith.divf %scan3A_532, %div3A_536 : vector<16xf32>
    %add3A_538 = arith.addf %add3A_534, %div3A_537 : vector<16xf32>
    %swap3A_539 = arith.constant 64 : index
    %swap3A_540 = tpu.vector_load %arg23[%swap3A_539] {strides = array<i32>} : memref<128xf32, #tpu.memory_space<vmem>>, vector<16xf32>,
    tpu.vector_store %arg23[%swap3A_539], %add3A_538 {strides = array<i32>} : memref<128xf32, #tpu.memory_space<vmem>>, vector<16xf32>,
    %get3A_541 = arith.constant 80 : index
    %get3A_542 = tpu.vector_load %arg9[%get3A_541] {strides = array<i32>} : memref<128xi32, #tpu.memory_space<vmem>>, vector<16xi32>,
    %get3A_543 = arith.constant 80 : index
    %get3A_544 = tpu.vector_load %arg10[%get3A_543] {strides = array<i32>} : memref<128xi32, #tpu.memory_space<vmem>>, vector<16xi32>,
    %and3A_545 = arith.constant 7 : i32
    %and3A_546 = vector.broadcast %and3A_545 : i32 to vector<16xi32>
    %and3A_547 = arith.andi %get3A_542, %and3A_546 : vector<16xi32>
    %and3A_548 = arith.constant 7 : i32
    %and3A_549 = vector.broadcast %and3A_548 : i32 to vector<16xi32>
    %and3A_550 = arith.andi %get3A_544, %and3A_549 : vector<16xi32>
    %gather3A_551 = tpu.vector_load_idx %arg21[%get3A_542] : memref<1024xf32, #tpu.memory_space<vmem>>[vector<16xi32>], vector<16xf32>,
    %gather3A_552 = tpu.vector_load_idx %arg22[%get3A_544] : memref<1000xf32, #tpu.memory_space<vmem>>[vector<16xi32>], vector<16xf32>,
    %add3A_553 = arith.constant 16 : i32
    %add3A_554 = vector.broadcast %add3A_553 : i32 to vector<16xi32>
    %add3A_555 = arith.addi %add3A_554, %iota3A : vector<16xi32>
    %broadcast_in_dim3A_556 = arith.constant 0.000000e+00 : f32
    %broadcast_in_dim3A_557 = vector.broadcast %broadcast_in_dim3A_556 : f32 to vector<16xf32>
    %scan3A_558 = arith.constant 0 : i32
    %scan3A_559 = arith.constant 50 : i32
    %scan3A_560 = arith.addi %scan3A_558, %scan3A_559 : i32
    %scan3A_561 = arith.constant 1 : i32
    %scan3A_562 = scf.for %scan3A_631 = %scan3A_558 to %scan3A_560 step %scan3A_561 iter_args(%scan3A_632 = %broadcast_in_dim3A_557) -> (vector<16xf32>)  : i32 {
      %mul3A_633 = arith.constant 64 : i32
      %mul3A_634 = arith.muli %scan3A_631, %mul3A_633 : i32
      %add3A_635 = vector.broadcast %mul3A_634 : i32 to vector<16xi32>
      %add3A_636 = arith.addi %add3A_555, %add3A_635 : vector<16xi32>
      %gather3A_637 = tpu.vector_load_idx %arg18[%add3A_636, %and3A_547] : memref<3200x8xi32, #tpu.memory_space<vmem>>[vector<16xi32>, vector<16xi32>], vector<16xi32>,
      %gather3A_638 = tpu.vector_load_idx %arg20[%add3A_636, %and3A_550] : memref<3200x8xf32, #tpu.memory_space<vmem>>[vector<16xi32>, vector<16xi32>], vector<16xf32>,
      %gather3A_639 = tpu.vector_load_idx %arg19[%add3A_636, %and3A_547] : memref<3200x8xf32, #tpu.memory_space<vmem>>[vector<16xi32>, vector<16xi32>], vector<16xf32>,
      %gather3A_640 = tpu.vector_load_idx %arg22[%gather3A_637] : memref<1000xf32, #tpu.memory_space<vmem>>[vector<16xi32>], vector<16xf32>,
      %sub3A = arith.subf %gather3A_639, %gather3A_551 : vector<16xf32>
      %sub3A_641 = arith.subf %sub3A, %gather3A_640 : vector<16xf32>
      %mul3A_642 = arith.mulf %gather3A_638, %sub3A_641 : vector<16xf32>
      %add3A_643 = arith.addf %scan3A_632, %mul3A_642 : vector<16xf32>
      scf.yield %add3A_643 : vector<16xf32>
    }
    %scan3A_563 = arith.constant 50 : i32
    %add3A_564 = arith.addf %gather3A_551, %gather3A_552 : vector<16xf32>
    %div3A_565 = arith.constant 5.000000e+01 : f32
    %div3A_566 = vector.broadcast %div3A_565 : f32 to vector<16xf32>
    %div3A_567 = arith.divf %scan3A_562, %div3A_566 : vector<16xf32>
    %add3A_568 = arith.addf %add3A_564, %div3A_567 : vector<16xf32>
    %swap3A_569 = arith.constant 80 : index
    %swap3A_570 = tpu.vector_load %arg23[%swap3A_569] {strides = array<i32>} : memref<128xf32, #tpu.memory_space<vmem>>, vector<16xf32>,
    tpu.vector_store %arg23[%swap3A_569], %add3A_568 {strides = array<i32>} : memref<128xf32, #tpu.memory_space<vmem>>, vector<16xf32>,
    %get3A_571 = arith.constant 96 : index
    %get3A_572 = tpu.vector_load %arg9[%get3A_571] {strides = array<i32>} : memref<128xi32, #tpu.memory_space<vmem>>, vector<16xi32>,
    %get3A_573 = arith.constant 96 : index
    %get3A_574 = tpu.vector_load %arg10[%get3A_573] {strides = array<i32>} : memref<128xi32, #tpu.memory_space<vmem>>, vector<16xi32>,
    %and3A_575 = arith.constant 7 : i32
    %and3A_576 = vector.broadcast %and3A_575 : i32 to vector<16xi32>
    %and3A_577 = arith.andi %get3A_572, %and3A_576 : vector<16xi32>
    %and3A_578 = arith.constant 7 : i32
    %and3A_579 = vector.broadcast %and3A_578 : i32 to vector<16xi32>
    %and3A_580 = arith.andi %get3A_574, %and3A_579 : vector<16xi32>
    %gather3A_581 = tpu.vector_load_idx %arg21[%get3A_572] : memref<1024xf32, #tpu.memory_space<vmem>>[vector<16xi32>], vector<16xf32>,
    %gather3A_582 = tpu.vector_load_idx %arg22[%get3A_574] : memref<1000xf32, #tpu.memory_space<vmem>>[vector<16xi32>], vector<16xf32>,
    %add3A_583 = arith.constant 32 : i32
    %add3A_584 = vector.broadcast %add3A_583 : i32 to vector<16xi32>
    %add3A_585 = arith.addi %add3A_584, %iota3A : vector<16xi32>
    %broadcast_in_dim3A_586 = arith.constant 0.000000e+00 : f32
    %broadcast_in_dim3A_587 = vector.broadcast %broadcast_in_dim3A_586 : f32 to vector<16xf32>
    %scan3A_588 = arith.constant 0 : i32
    %scan3A_589 = arith.constant 50 : i32
    %scan3A_590 = arith.addi %scan3A_588, %scan3A_589 : i32
    %scan3A_591 = arith.constant 1 : i32
    %scan3A_592 = scf.for %scan3A_631 = %scan3A_588 to %scan3A_590 step %scan3A_591 iter_args(%scan3A_632 = %broadcast_in_dim3A_587) -> (vector<16xf32>)  : i32 {
      %mul3A_633 = arith.constant 64 : i32
      %mul3A_634 = arith.muli %scan3A_631, %mul3A_633 : i32
      %add3A_635 = vector.broadcast %mul3A_634 : i32 to vector<16xi32>
      %add3A_636 = arith.addi %add3A_585, %add3A_635 : vector<16xi32>
      %gather3A_637 = tpu.vector_load_idx %arg18[%add3A_636, %and3A_577] : memref<3200x8xi32, #tpu.memory_space<vmem>>[vector<16xi32>, vector<16xi32>], vector<16xi32>,
      %gather3A_638 = tpu.vector_load_idx %arg20[%add3A_636, %and3A_580] : memref<3200x8xf32, #tpu.memory_space<vmem>>[vector<16xi32>, vector<16xi32>], vector<16xf32>,
      %gather3A_639 = tpu.vector_load_idx %arg19[%add3A_636, %and3A_577] : memref<3200x8xf32, #tpu.memory_space<vmem>>[vector<16xi32>, vector<16xi32>], vector<16xf32>,
      %gather3A_640 = tpu.vector_load_idx %arg22[%gather3A_637] : memref<1000xf32, #tpu.memory_space<vmem>>[vector<16xi32>], vector<16xf32>,
      %sub3A = arith.subf %gather3A_639, %gather3A_581 : vector<16xf32>
      %sub3A_641 = arith.subf %sub3A, %gather3A_640 : vector<16xf32>
      %mul3A_642 = arith.mulf %gather3A_638, %sub3A_641 : vector<16xf32>
      %add3A_643 = arith.addf %scan3A_632, %mul3A_642 : vector<16xf32>
      scf.yield %add3A_643 : vector<16xf32>
    }
    %scan3A_593 = arith.constant 50 : i32
    %add3A_594 = arith.addf %gather3A_581, %gather3A_582 : vector<16xf32>
    %div3A_595 = arith.constant 5.000000e+01 : f32
    %div3A_596 = vector.broadcast %div3A_595 : f32 to vector<16xf32>
    %div3A_597 = arith.divf %scan3A_592, %div3A_596 : vector<16xf32>
    %add3A_598 = arith.addf %add3A_594, %div3A_597 : vector<16xf32>
    %swap3A_599 = arith.constant 96 : index
    %swap3A_600 = tpu.vector_load %arg23[%swap3A_599] {strides = array<i32>} : memref<128xf32, #tpu.memory_space<vmem>>, vector<16xf32>,
    tpu.vector_store %arg23[%swap3A_599], %add3A_598 {strides = array<i32>} : memref<128xf32, #tpu.memory_space<vmem>>, vector<16xf32>,
    %get3A_601 = arith.constant 112 : index
    %get3A_602 = tpu.vector_load %arg9[%get3A_601] {strides = array<i32>} : memref<128xi32, #tpu.memory_space<vmem>>, vector<16xi32>,
    %get3A_603 = arith.constant 112 : index
    %get3A_604 = tpu.vector_load %arg10[%get3A_603] {strides = array<i32>} : memref<128xi32, #tpu.memory_space<vmem>>, vector<16xi32>,
    %and3A_605 = arith.constant 7 : i32
    %and3A_606 = vector.broadcast %and3A_605 : i32 to vector<16xi32>
    %and3A_607 = arith.andi %get3A_602, %and3A_606 : vector<16xi32>
    %and3A_608 = arith.constant 7 : i32
    %and3A_609 = vector.broadcast %and3A_608 : i32 to vector<16xi32>
    %and3A_610 = arith.andi %get3A_604, %and3A_609 : vector<16xi32>
    %gather3A_611 = tpu.vector_load_idx %arg21[%get3A_602] : memref<1024xf32, #tpu.memory_space<vmem>>[vector<16xi32>], vector<16xf32>,
    %gather3A_612 = tpu.vector_load_idx %arg22[%get3A_604] : memref<1000xf32, #tpu.memory_space<vmem>>[vector<16xi32>], vector<16xf32>,
    %add3A_613 = arith.constant 48 : i32
    %add3A_614 = vector.broadcast %add3A_613 : i32 to vector<16xi32>
    %add3A_615 = arith.addi %add3A_614, %iota3A : vector<16xi32>
    %broadcast_in_dim3A_616 = arith.constant 0.000000e+00 : f32
    %broadcast_in_dim3A_617 = vector.broadcast %broadcast_in_dim3A_616 : f32 to vector<16xf32>
    %scan3A_618 = arith.constant 0 : i32
    %scan3A_619 = arith.constant 50 : i32
    %scan3A_620 = arith.addi %scan3A_618, %scan3A_619 : i32
    %scan3A_621 = arith.constant 1 : i32
    %scan3A_622 = scf.for %scan3A_631 = %scan3A_618 to %scan3A_620 step %scan3A_621 iter_args(%scan3A_632 = %broadcast_in_dim3A_617) -> (vector<16xf32>)  : i32 {
      %mul3A_633 = arith.constant 64 : i32
      %mul3A_634 = arith.muli %scan3A_631, %mul3A_633 : i32
      %add3A_635 = vector.broadcast %mul3A_634 : i32 to vector<16xi32>
      %add3A_636 = arith.addi %add3A_615, %add3A_635 : vector<16xi32>
      %gather3A_637 = tpu.vector_load_idx %arg18[%add3A_636, %and3A_607] : memref<3200x8xi32, #tpu.memory_space<vmem>>[vector<16xi32>, vector<16xi32>], vector<16xi32>,
      %gather3A_638 = tpu.vector_load_idx %arg20[%add3A_636, %and3A_610] : memref<3200x8xf32, #tpu.memory_space<vmem>>[vector<16xi32>, vector<16xi32>], vector<16xf32>,
      %gather3A_639 = tpu.vector_load_idx %arg19[%add3A_636, %and3A_607] : memref<3200x8xf32, #tpu.memory_space<vmem>>[vector<16xi32>, vector<16xi32>], vector<16xf32>,
      %gather3A_640 = tpu.vector_load_idx %arg22[%gather3A_637] : memref<1000xf32, #tpu.memory_space<vmem>>[vector<16xi32>], vector<16xf32>,
      %sub3A = arith.subf %gather3A_639, %gather3A_611 : vector<16xf32>
      %sub3A_641 = arith.subf %sub3A, %gather3A_640 : vector<16xf32>
      %mul3A_642 = arith.mulf %gather3A_638, %sub3A_641 : vector<16xf32>
      %add3A_643 = arith.addf %scan3A_632, %mul3A_642 : vector<16xf32>
      scf.yield %add3A_643 : vector<16xf32>
    }
    %scan3A_623 = arith.constant 50 : i32
    %add3A_624 = arith.addf %gather3A_611, %gather3A_612 : vector<16xf32>
    %div3A_625 = arith.constant 5.000000e+01 : f32
    %div3A_626 = vector.broadcast %div3A_625 : f32 to vector<16xf32>
    %div3A_627 = arith.divf %scan3A_622, %div3A_626 : vector<16xf32>
    %add3A_628 = arith.addf %add3A_624, %div3A_627 : vector<16xf32>
    %swap3A_629 = arith.constant 112 : index
    %swap3A_630 = tpu.vector_load %arg23[%swap3A_629] {strides = array<i32>} : memref<128xf32, #tpu.memory_space<vmem>>, vector<16xf32>,
    tpu.vector_store %arg23[%swap3A_629], %add3A_628 {strides = array<i32>} : memref<128xf32, #tpu.memory_space<vmem>>, vector<16xf32>,
    "tpu.region"() ({
      %run_scoped3A_631 = tpu.sem_alloc : memref<!tpu.dma_semaphore, #tpu.memory_space<semaphore_mem>>
      %dma_start3A = tpu.memref_slice %arg8[%multiple_of3A] : memref<4096xf32, #tpu.memory_space<hbm>> -> memref<128xf32, #tpu.memory_space<hbm>>
      %dma_start3A_632 = tpu.memref_slice %arg8[%multiple_of3A] : memref<4096xf32, #tpu.memory_space<hbm>> -> memref<128xf32, #tpu.memory_space<hbm>>
      tpu.enqueue_dma source(%arg23 : memref<128xf32, #tpu.memory_space<vmem>>) target(%dma_start3A_632 : memref<128xf32, #tpu.memory_space<hbm>>) target_semaphore(%run_scoped3A_631 : memref<!tpu.dma_semaphore, #tpu.memory_space<semaphore_mem>>)
      %dma_wait3A_633 = tpu.memref_slice %arg8[%multiple_of3A] : memref<4096xf32, #tpu.memory_space<hbm>> -> memref<128xf32, #tpu.memory_space<hbm>>
      %dma_wait3A_634 = tpu.memref_slice %arg8[%multiple_of3A] : memref<4096xf32, #tpu.memory_space<hbm>> -> memref<128xf32, #tpu.memory_space<hbm>>
      tpu.wait_dma2 semaphore(%run_scoped3A_631 : memref<!tpu.dma_semaphore, #tpu.memory_space<semaphore_mem>>) src(%arg23 : memref<128xf32, #tpu.memory_space<vmem>>) dst(%dma_wait3A_634 : memref<128xf32, #tpu.memory_space<hbm>>)
      tpu.yield
    }) : () -> ()
    return
  }
}

</mosaic_0001>

<sc_bundles>
// kernel: _sc_call.3.cloned.1.call-start
scs
__scs_entry_jumppad:
0x0: {  	(pc) =	sbr.rel $0x88, $3  }
0x1: {  	(tag) =	ssettag $0x0;
	lr =	simm.s32 $0x1  }
0x2: {  	[smem:$0x3F9B] =	sst lr;
	_ =	strace $0xD0000000  }
0x3: {  	_ = 	snop  }
0x4: {  	_ = 	snop  }
0x5: {  	_ = 	snop  }
0x6: {  	_ = 	snop  }
0x7: {  	_ = 	snop  }
__scs_overlays_trampoline_lowered:
0x8: {  	[smem:$0x3FAA] =	sst s0  }
0x9: {  	[smem:$0x3FAB] =	sst s1  }
0xa: {  	[smem:$0x3FAC] =	sst s2  }
0xb: {  	[smem:$0x3FAD] =	sst s3  }
0xc: {  	[smem:$0x3FAE] =	sst s4  }
0xd: {  	[smem:$0x3FAF] =	sst s5  }
0xe: {  	[smem:$0x3FB0] =	sst s6  }
0xf: {  	[smem:$0x3FB1] =	sst s7  }
0x10: {  	[smem:$0x3FB2] =	sst s8  }
0x11: {  	[smem:$0x3FB3] =	sst s9;
	s0 =	simm.s32 @!p0 $0x0  }
0x12: {  	s1 =	sld [smem:$0x3F99];
	s0 =	simm.s32 @p0 $0x1  }
0x13: {  	[smem:$0x3FB4] =	sst s0;
	s0 =	simm.s32 @!p1 $0x0  }
0x14: {  	s2 =	sld [smem:$0x3F98];
	s0 =	simm.s32 @p1 $0x1  }
0x15: {  	[smem:$0x3FB5] =	sst s0;
	s0 =	simm.s32 @!p2 $0x0  }
0x16: {  	s3 =	sld [smem:$0x3FDB];
	s0 =	simm.s32 @p2 $0x1  }
0x17: {  	s4 =	simm.s32 $0x1BF5;
	[smem:$0x3FB7] =	sst s0  }
0x18: {  	s0 =	sld [smem:$0x3F9A];
	_ =	swait.ge [sflag:s4], $0x0  }
0x19: {  	s7 =	sld [smem:$0x3F9B]  }
0x1a: {  	s8 =	sadd.s32 $0xFFFFE003, lr  }
0x1b: {  	s9 =	sadd.s32 $0xFFFFFEF7, lr;
	s5 =	simm.s32 $0xFFFFFFFF;
	p2 =	slt.u32 s8, $0xFFFFF086  }
0x1c: {  	p1 =	slt.u32 s9, $0xF7A;
	s5 =	simm.s32 @!p2 $0x0  }
0x1d: {  	s5 =	simm.s32 @p1 $0x1;
	p0 =	seq.s32 s7, s2  }
0x1e: {  	s7 =	smul.u32 @!p0 $0xF7A, s2;
	p2 =	seq.s32 @!p0 s5, $0x0  }
0x1f: {  	s9 =	smul.u32 $0xF7A, s1;
	s8 =	simm.s32 @!p0 $0x1BF5;
	p2 =	por !p2, p0  }
0x20: {  	[sflag:s8] =	ssyncset.s32 @!p0 $0xFFFFF086;
	s6 =	sadd.s32 @!p0 s3, s7;
	s7 =	simm.s32 @!p0 $0x108  }
0x21: {  	s3 =	sadd.s32 s3, s9;
	s6 =	sadd.s32 @!p0 $0x88, s6;
	s7 =	simm.s32 @p2 $0x1082  }
0x22: {  	[simem:s7], [sflag:s8] =	dma.local @!p0 [hbm:s6], $0xF7A  }
0x23: {  	s9 =	sor.u32 $0xD0000000, s2;
	s6 =	simm.s32 $0x108;
	_ =	swait.ge @!p0 [sflag:s8], $0x0  }
0x24: {  	s3 =	sadd.s32 $0x88, s3;
	s6 =	simm.s32 @!p1 $0x1082;
	[sflag:s4] =	ssyncset.s32 $0xFFFFF086  }
0x25: {  	[simem:s6], [sflag:s4] =	dma.local [hbm:s3], $0xF7A  }
0x26: {  	[smem:$0x3F9B] =	sst s1;
	(tag) =	ssettag s2;
	_ =	strace s9  }
0x27: {  	s1 =	sld [smem:$0x3FAB]  }
0x28: {  	s2 =	sld [smem:$0x3FAC]  }
0x29: {  	s4 =	sld [smem:$0x3FAE]  }
0x2a: {  	p0 =	seq.s32 s5, $0x0;
	s5 =	sld [smem:$0x3FAF]  }
0x2b: {  	s6 =	sld [smem:$0x3FB0]  }
0x2c: {  	s7 =	sld [smem:$0x3FB1]  }
0x2d: {  	s3 =	simm.s32 $0x108;
	s8 =	sld [smem:$0x3FB2]  }
0x2e: {  	s3 =	simm.s32 @!p0 $0x1082;
	s9 =	sld [smem:$0x3FB3]  }
0x2f: {  	lr =	sadd.s32 s0, s3;
	s0 =	sld [smem:$0x3FAA]  }
0x30: {  	s3 =	sld [smem:$0x3FAD]  }
0x31: {  	[smem:$0x3FB6] =	sst s10  }
0x32: {  	s10 =	sld [smem:$0x3FB4];
	_ =	sdelay $0x3  }
0x33: {  	p0 =	seq.s32 s10, $0x1;
	s10 =	sld [smem:$0x3FB6];
	_ =	sdelay $0x3  }
0x34: {  	[smem:$0x3FB6] =	sst s10  }
0x35: {  	s10 =	sld [smem:$0x3FB5];
	_ =	sdelay $0x3  }
0x36: {  	p1 =	seq.s32 s10, $0x1;
	s10 =	sld [smem:$0x3FB6];
	_ =	sdelay $0x3  }
0x37: {  	[smem:$0x3FB6] =	sst s10  }
0x38: {  	s10 =	sld [smem:$0x3FB7]  }
0x39: {  	_ = 	snop;
	(pc) =	sbr.ind lr, $3  }
0x3a: {  	_ = 	snop  }
0x3b: {  	_ = 	snop  }
0x3c: {  	p2 =	seq.s32 s10, $0x1;
	s10 =	sld [smem:$0x3FB6]  }
0x3d: {  	_ =	shalt  }
0x3e: {  	_ =	shalt  }
0x3f: {  	_ =	shalt  }
0x40: {  	_ =	shalt  }
0x41: {  	_ =	shalt  }
0x42: {  	_ =	shalt  }
0x43: {  	_ =	shalt  }
0x44: {  	_ =	shalt  }
0x45: {  	_ =	shalt  }
0x46: {  	_ =	shalt  }
0x47: {  	_ =	shalt  }
0x48: {  	_ =	shalt  }
0x49: {  	_ =	shalt  }
0x4a: {  	_ =	shalt  }
0x4b: {  	_ =	shalt  }
0x4c: {  	_ =	shalt  }
0x4d: {  	_ =	shalt  }
0x4e: {  	_ =	shalt  }
0x4f: {  	_ =	shalt  }
0x50: {  	_ =	shalt  }
0x51: {  	_ =	shalt  }
0x52: {  	_ =	shalt  }
0x53: {  	_ =	shalt  }
0x54: {  	_ =	shalt  }
0x55: {  	_ =	shalt  }
0x56: {  	_ =	shalt  }
0x57: {  	_ =	shalt  }
0x58: {  	_ =	shalt  }
0x59: {  	_ =	shalt  }
0x5a: {  	_ =	shalt  }
0x5b: {  	_ =	shalt  }
0x5c: {  	_ =	shalt  }
0x5d: {  	_ =	shalt  }
0x5e: {  	_ =	shalt  }
0x5f: {  	_ =	shalt  }
0x60: {  	_ =	shalt  }
0x61: {  	_ =	shalt  }
0x62: {  	_ =	shalt  }
0x63: {  	_ =	shalt  }
0x64: {  	_ =	shalt  }
0x65: {  	_ =	shalt  }
0x66: {  	_ =	shalt  }
0x67: {  	_ =	shalt  }
0x68: {  	_ =	shalt  }
0x69: {  	_ =	shalt  }
0x6a: {  	_ =	shalt  }
0x6b: {  	_ =	shalt  }
0x6c: {  	_ =	shalt  }
0x6d: {  	_ =	shalt  }
0x6e: {  	_ =	shalt  }
0x6f: {  	_ =	shalt  }
0x70: {  	_ =	shalt  }
0x71: {  	_ =	shalt  }
0x72: {  	_ =	shalt  }
0x73: {  	_ =	shalt  }
0x74: {  	_ =	shalt  }
0x75: {  	_ =	shalt  }
0x76: {  	_ =	shalt  }
0x77: {  	_ =	shalt  }
0x78: {  	_ =	shalt  }
0x79: {  	_ =	shalt  }
0x7a: {  	_ =	shalt  }
0x7b: {  	_ =	shalt  }
0x7c: {  	_ =	shalt  }
0x7d: {  	_ =	shalt  }
0x7e: {  	_ =	shalt  }
0x7f: {  	_ =	shalt  }
0x80: {  	_ =	shalt  }
0x81: {  	_ =	shalt  }
0x82: {  	_ =	shalt  }
0x83: {  	_ =	shalt  }
0x84: {  	_ =	shalt  }
0x85: {  	_ =	shalt  }
0x86: {  	_ =	shalt  }
0x87: {  	_ =	shalt  }
.Lfunc_end0:
.L_simem_size_0:
called_computation_lowered:
.L_overlay_start_0:
0x88: {  	s2 =	sld [smem:$0x3FD9]  }
0x89: {  	s3 =	sld [smem:$0x3FFE];
	_ =	sdelay $0x1  }
0x8a: {  	s1 =	srdreg.scid  }
0x8b: {  	s0 =	sand.u32 $0x1, s1  }
0x8c: {  	s17 =	sshll.u32 s0, $0xA;
	s2 =	sadd.s32 s3, s2  }
0x8d: {  	s2 =	sadd.s32 s2, s17  }
0x8e: {  	[smem:$0x3FC2] =	sst s2  }
0x8f: {  	_ = 	snop  }
0x90: {  	s2 =	sld [smem:$0x3FC5]  }
0x91: {  	s18 =	sld [smem:$0x3FC4]  }
0x92: {  	s4 =	sld [smem:$0x3FD0];
	(tm) =	ssettm $0x1  }
0x93: {  	s5 =	sld [smem:$0x3FFB];
	_ =	sdelay $0x3  }
0x94: {  	_ =	strace s5  }
0x95: {  	s5 =	sld [smem:$0x3FFC];
	_ =	sdelay $0x3  }
0x96: {  	_ =	strace s5  }
0x97: {  	s5 =	sld [smem:$0x3FFD];
	_ =	sdelay $0x3  }
0x98: {  	_ =	strace s5  }
0x99: {  	_ =	strace $0x8FFFFFFF  }
0x9a: {  	s19 =	sld [smem:$0x3FDB];
	_ =	sdelay $0x1  }
0x9b: {  	s6 =	simm.s32 $_scs_section_size  }
0x9c: {  	s7 =	simm.s32 $_size__tile_overlayer_lowered;
	s8 =	simm.s32 $_tile_overlayer_lowered  }
0x9d: {  	s22 =	simm.s32 $0x1BFF;
	s21 =	sshll.u32 s8, $0x1;
	s5 =	sadd.s32 s6, s19  }
0x9e: {  	s9 =	simm.s32 $0x0;
	s20 =	sshll.u32 s7, $0x1;
	s7 =	sadd.s32 s21, s5  }
0x9f: {  	[timem:s9], [sflag:s22] =	dma.local [hbm:s7], s20  }
0xa0: {  	_ =	swait.ge [sflag:s22], s20  }
0xa1: {  	s6 =	ssub.s32 $0x0, s20;
	[sflag:s22] =	ssyncset.done $0x0  }
0xa2: {  	[sflag:s22] =	ssyncadd.s32 s6;
	_ =	sdelay $0x1  }
0xa3: {  	s23 =	simm.s32 $0x1B8B  }
0xa4: {  	_ =	swait.ge [sflag:s23], $0x1  }
0xa5: {  	[sflag:s23] =	ssyncset.done $0x0  }
0xa6: {  	s25 =	simm.s32 $0x1B8E;
	s24 =	sld [smem:$0x3FFE];
	[sflag:s23] =	ssyncadd.s32 $0xFFFFFFFF  }
0xa7: {  	s26 =	simm.s32 $execute0_lowered;
	[smem:$0x3FD2] =	sst s25  }
0xa8: {  	s7 =	sshll.u32 s26, $0x1;
	_ =	strace $0x80000046;
	[dreg:$0x1] =	wrdreg $0xFFFFFFFF  }
0xa9: {  	s28 =	simm.s32 $_size_execute0_lowered;
	s5 =	sadd.s32 s5, s7;
	[dreg:$0x0] =	wrdreg $0x0  }
0xaa: {  	s7 =	sshll.u32 s28, $0x1;
	[dreg:$0x2] =	wrdreg s5  }
0xab: {  	[dreg:$0x3] =	wrdreg s7  }
0xac: {  	[dreg:$0x4] =	wrdreg $0xC0  }
0xad: {  	_ =	task [dreg:s9], $0x5FFFF  }
0xae: {  	[dreg:$0x1] =	wrdreg $0xFFFFFFFF  }
0xaf: {  	[dreg:$0x0] =	wrdreg $0x60  }
0xb0: {  	[dreg:$0x2] =	wrdreg s24  }
0xb1: {  	[dreg:$0x3] =	wrdreg s2  }
0xb2: {  	[dreg:$0x4] =	wrdreg s18  }
0xb3: {  	[dreg:$0x5] =	wrdreg s4  }
0xb4: {  	[dreg:$0x6] =	wrdreg $0x9  }
0xb5: {  	_ =	task.clear_ibuf [dreg:s9], $0x7FFFF;
	_ =	strace $0x90000046  }
0xb6: {  	s29 =	simm.s32 $0x9;
	_ =	strace $0x80000048  }
0xb7: {  	_ =	swait.ge [sflag:s29], $0x1  }
0xb8: {  	[sflag:s29] =	ssyncadd.s32 $0xFFFFFFFF  }
0xb9: {  	_ =	strace $0x90000048  }
0xba: {  	_ =	sfence  }
0xbb: {  	s30 =	sld [smem:$0x0];
	_ =	sdelay $0x2  }
0xbc: {  	s31 =	sshll.u32 s1, $0xD;
	s1 =	sshrl.u32 s1, $0x2  }
0xbd: {  	s3 =	sand.u32 $0x4000, s31;
	s1 =	sadd.s32 s1, s30  }
0xbe: {  	s0 =	sor.u32 s3, s0;
	s1 =	sshll.u32 s1, $0x11  }
0xbf: {  	s0 =	sor.u32 s1, s0  }
0xc0: {  	s0 =	sadd.s32 $0x8F2B, s0  }
0xc1: {  	[sflag:s0] =	ssyncadd.remote.s32 $0x1  }
0xc2: {  	_ =	sfence.sel $0xFFFF  }
0xc3: {  	[dreg:$0x0] =	wrdreg $0xFFFFFFFF;
	(pc) =	sbr.abs _section_cstart, $3  }
0xc4: {  	[dreg:$0x1] =	wrdreg $0xFFFFFFFF  }
0xc5: {  	_ =	task.clear_ibuf [dreg:s9], $0x2FFFF;
	_ =	strace $0x9FFFFFFF  }
0xc6: {  	(tm) =	ssettm $0x7FFFFFFF  }
0xc7: {  	_ =	shalt  }
tec
execute0_lowered:
.L_overlay_start_1:
0x0: {  	(tag) =	ssettag $0x1  }
0x1: {  	s7 =	rddreg [dreg:$0x0]  }
0x2: {  	s1 =	rddreg [dreg:$0x1]  }
0x3: {  	s2 =	rddreg [dreg:$0x2];
	s4 =	simm.s32 $0x0  }
0x4: {  	[smem:$0x7FF] =	sst s4  }
0x5: {  	s10 =	rddreg [dreg:$0x3];
	v0 =	vimm.f32 $5.000000000e+01;
	_ =	strace $0x80000047  }
0x6: {  	s5 =	srdreg.scid;
	s3 =	stileid.u32;
	s13 =	simm.s32 $0x80;
	(erf) = vrcp.f32 v0  }
0x7: {  	s14 =	simm.s32 $0x1C400;
	s15 =	simm.s32 $0x1C800;
	s16 =	simm.s32 $0x1  }
0x8: {  	s17 =	simm.s32 $0x3400;
	s18 =	simm.s32 $0x2;
	s19 =	simm.s32 $0x3  }
0x9: {  	s20 =	simm.s32 $0x16000;
	s21 =	simm.s32 $0xFC00;
	s22 =	simm.s32 $0x9800  }
0xa: {  	s23 =	simm.s32 $0x1CBE8;
	s24 =	simm.s32 $0x0;
	s6 =	sand.u32 $0x1, s5  }
0xb: {  	s30 =	sshll.u32 s3, $0x5;
	s5 =	sadd.s32 $0x1F4A00, s7;
	s8 =	sshll.u32 s6, $0x4  }
0xc: {  	s31 =	ssub.s32 $0x2, s6;
	s6 =	sadd.s32 $0x213E00, s7;
	s11 =	sor.u32 s8, s30;
	v0 =	vlaneseq.u32  }
0xd: {  	s12 =	sshrl.u32 s31, $0x1;
	s9 =	sadd.s32 s11, s7;
	s7 =	sadd.s32 $0x61A8A00, s7;
	v0 =	vmul.u32 $0x8, v0  }
0xe: {  	s12 =	ssub.s32 s31, s12;
	s10 =	sadd.s32 s10, s11;
	s8 =	sadd.s32 $0xA00, s9  }
0xf: {  	s9 =	sadd.s32 $0xC00, s9;
	s11 =	smax.u32 s12, $0x1;
	s12 =	simm.s32 $0x4;
	v2 =	vor.u32 $0x80, v0;
	v3 =	vor.u32 $0x100, v0;
	v4 =	vor.u32 $0x180, v0;
	v1 =	vpop (erf)  }
.LBB2_1:
0x10: {  	[tilespmem:s4], [sflag:$0x4] =	stream.linear.gather [hbm4b:s8+s4], $0x80, $0x38;
	[tilespmem:$0x1CC68] =	vst v63  }
0x11: {  	_ =	swait.ge [sflag:s12], $0x80  }
0x12: {  	[sflag:s12] =	ssyncset.done $0x0  }
0x13: {  	[sflag:s12] =	ssyncadd.s32 $0xFFFFFF80  }
0x14: {  	[tilespmem:s13], [sflag:$0x4] =	stream.linear.gather [hbm4b:s9+s4], $0x80, $0x38;
	[tilespmem:$0x1CC68] =	vst v63  }
0x15: {  	_ =	swait.ge [sflag:s12], $0x80  }
0x16: {  	[sflag:s12] =	ssyncset.done $0x0  }
0x17: {  	[sflag:s12] =	ssyncadd.s32 $0xFFFFFF80  }
0x18: {  	[tilespmem:s14], [sflag:$0x4] =	stream.linear.gather [hbm4b:s1+s4], $0x400, $0x38;
	[tilespmem:$0x1CC68] =	vst v63  }
0x19: {  	_ =	swait.ge [sflag:s12], $0x400  }
0x1a: {  	[sflag:s12] =	ssyncset.done $0x0  }
0x1b: {  	[sflag:s12] =	ssyncadd.s32 $0xFFFFFC00  }
0x1c: {  	[tilespmem:s15], [sflag:$0x4] =	stream.linear.gather [hbm4b:s2+s4], $0x3E8, $0x38;
	[tilespmem:$0x1CC68] =	vst v63  }
0x1d: {  	_ =	swait.ge [sflag:s12], $0x3E8  }
0x1e: {  	[sflag:s12] =	ssyncset.done $0x0  }
0x1f: {  	[sflag:s12] =	ssyncadd.s32 $0xFFFFFC18  }
0x20: {  	v5 =	vld [tilespmem:$0x80]  }
0x21: {  	v6 =	vld [tilespmem:$0x0]  }
0x22: {  	v7 =	vld [tilespmem:$0x90]  }
0x23: {  	v9 =	vld [tilespmem:$0x10]  }
0x24: {  	v11 =	vld [tilespmem:$0xA0]  }
0x25: {  	v12 =	vld [tilespmem:$0x20]  }
0x26: {  	v14 =	vld [tilespmem:$0xB0]  }
0x27: {  	v39 =	vld [tilespmem:$0x30]  }
0x28: {  	v16 =	vld [tilespmem:$0xC0]  }
0x29: {  	v41 =	vld [tilespmem:$0x40]  }
0x2a: {  	v18 =	vld [tilespmem:$0xD0]  }
0x2b: {  	v43 =	vld [tilespmem:$0x50];
	v8 =	vshll.u32 v5, $0x7;
	v5 =	vshll.u32 v5, $0x4;
	v10 =	vshrl.u32 v6, $0x3  }
0x2c: {  	v20 =	vld [tilespmem:$0xE0];
	v37 =	vshll.u32 v7, $0x7;
	v7 =	vshll.u32 v7, $0x4;
	v13 =	vshrl.u32 v9, $0x3  }
0x2d: {  	v51 =	vld [tilespmem:$0xF0];
	v38 =	vshll.u32 v11, $0x7;
	v11 =	vshll.u32 v11, $0x4;
	v15 =	vshrl.u32 v12, $0x3  }
0x2e: {  	v40 =	vshll.u32 v14, $0x7;
	v14 =	vshll.u32 v14, $0x4;
	v17 =	vshrl.u32 v39, $0x3  }
0x2f: {  	v42 =	vshll.u32 v16, $0x7;
	v16 =	vshll.u32 v16, $0x4;
	v19 =	vshrl.u32 v41, $0x3  }
0x30: {  	v44 =	vshll.u32 v18, $0x7;
	v49 =	vshll.u32 v18, $0x4;
	v50 =	vshrl.u32 v43, $0x3  }
0x31: {  	v54 =	vshll.u32 v20, $0x7;
	v57 =	vand.u32 $0xFFFFFF80, v43;
	v58 =	vshll.u32 v20, $0x4  }
0x32: {  	v59 =	vshll.u32 v51, $0x7;
	v62 =	vshll.u32 v51, $0x4;
	v8 =	vand.u32 $0xFFFFFC00, v8  }
0x33: {  	v5 =	vand.u32 $0x70, v5;
	v10 =	vand.u32 $0xF, v10;
	v7 =	vand.u32 $0x70, v7  }
0x34: {  	v13 =	vand.u32 $0xF, v13;
	v11 =	vand.u32 $0x70, v11;
	v15 =	vand.u32 $0xF, v15  }
0x35: {  	v14 =	vand.u32 $0x70, v14;
	v17 =	vand.u32 $0xF, v17;
	v8 =	vadd.s32 v6, v8  }
0x36: {  	v16 =	vand.u32 $0x70, v16;
	v46 =	vand.u32 $0xFFFFFC00, v44;
	v8 =	vand.u32 $0xFFFFFF80, v8  }
0x37: {  	v52 =	vand.u32 $0xF, v50;
	v5 =	vor.u32 v8, v5;
	v8 =	vand.u32 $0xFFFFFC00, v37  }
0x38: {  	v55 =	vand.u32 $0xFFFFFC00, v54;
	v61 =	vand.u32 $0xFFFFFC00, v59;
	v8 =	vadd.s32 v9, v8  }
0x39: {  	v6 =	vand.u32 $0xFFFFFF80, v6;
	v48 =	vadd.s32 v43, v46;
	v8 =	vand.u32 $0xFFFFFF80, v8  }
0x3a: {  	v47 =	vld [tilespmem:$0x60];
	v6 =	vor.u32 v6, v10;
	v7 =	vor.u32 v8, v7;
	v8 =	vand.u32 $0xFFFFFC00, v38  }
0x3b: {  	v5 =	vor.u32 v10, v5;
	v9 =	vand.u32 $0xFFFFFF80, v9;
	v8 =	vadd.s32 v12, v8  }
0x3c: {  	v10 =	vand.u32 $0xFFFFFF80, v39;
	v9 =	vor.u32 v9, v13;
	v8 =	vand.u32 $0xFFFFFF80, v8  }
0x3d: {  	[tilespmem:$0x100] =	vst v5;
	v5 =	vand.u32 $0xF, v19;
	v8 =	vor.u32 v8, v11;
	v11 =	vand.u32 $0xFFFFFC00, v40  }
0x3e: {  	[tilespmem:$0x180] =	vst v6;
	v6 =	vor.u32 v10, v17;
	v10 =	vand.u32 $0x70, v62;
	v11 =	vadd.s32 v39, v11  }
0x3f: {  	[tilespmem:$0x190] =	vst v9;
	v9 =	vadd.s32 v47, v55;
	v7 =	vor.u32 v13, v7;
	v11 =	vand.u32 $0xFFFFFF80, v11  }
0x40: {  	[tilespmem:$0x1B0] =	vst v6;
	v12 =	vand.u32 $0xFFFFFF80, v12;
	v11 =	vor.u32 v11, v14;
	v14 =	vand.u32 $0xFFFFFC00, v42  }
0x41: {  	v6 =	vshrl.u32 v47, $0x3;
	v12 =	vor.u32 v12, v15;
	[tilespmem:$0x110] =	vst v7;
	v14 =	vadd.s32 v41, v14  }
0x42: {  	v56 =	vld [tilespmem:$0x70];
	v13 =	vand.u32 $0xFFFFFF80, v48;
	[tilespmem:$0x1A0] =	vst v12;
	v8 =	vor.u32 v15, v8;
	v14 =	vand.u32 $0xFFFFFF80, v14  }
0x43: {  	v9 =	vand.u32 $0xFFFFFF80, v9;
	[tilespmem:$0x120] =	vst v8;
	v11 =	vor.u32 v17, v11;
	v14 =	vor.u32 v14, v16  }
0x44: {  	v7 =	vand.u32 $0xFFFFFF80, v41;
	[tilespmem:$0x130] =	vst v11;
	v45 =	vor.u32 v5, v14;
	v14 =	vand.u32 $0x70, v49  }
0x45: {  	v5 =	vor.u32 v7, v5;
	v53 =	vor.u32 v13, v14;
	v13 =	vand.u32 $0x70, v58;
	[tilespmem:$0x140] =	vst v45  }
0x46: {  	v6 =	vand.u32 $0xF, v6;
	[tilespmem:$0x1C0] =	vst v5;
	v5 =	vor.u32 v57, v52;
	v9 =	vor.u32 v9, v13  }
0x47: {  	v63 =	vld [tilespmem:$0x100];
	v7 =	vor.u32 v52, v53;
	[tilespmem:$0x1D0] =	vst v5;
	v60 =	vor.u32 v6, v9;
	v9 =	vadd.s32 v56, v61  }
0x48: {  	v5 =	vshrl.u32 v56, $0x3;
	[tilespmem:$0x150] =	vst v7;
	v7 =	vand.u32 $0xFFFFFF80, v47;
	v9 =	vand.u32 $0xFFFFFF80, v9  }
0x49: {  	v5 =	vand.u32 $0xF, v5;
	[tilespmem:$0x160] =	vst v60;
	v6 =	vor.u32 v7, v6;
	v7 =	vor.u32 v9, v10  }
0x4a: {  	[tilespmem:$0x1E0] =	vst v6;
	v6 =	vor.u32 v5, v7;
	v7 =	vand.u32 $0xFFFFFF80, v56  }
0x4b: {  	s26 =	simm.s32 $0x0;
	[tilespmem:$0x170] =	vst v6;
	v5 =	vor.u32 v7, v5  }
0x4c: {  	s25 =	simm.s32 $0x200;
	[tilespmem:$0x1F0] =	vst v5;
	v5 =	vadd.s32 s26, v63  }
0x4d: {  	[tilespmem:s25+$0x0] =	vst v5  }
0x4e: {  	v5 =	vld [tilespmem:$0x110];
	_ =	sdelay $0x4  }
0x4f: {  	v5 =	vadd.s32 s26, v5  }
0x50: {  	[tilespmem:s25+$0x10] =	vst v5  }
0x51: {  	v5 =	vld [tilespmem:$0x120];
	_ =	sdelay $0x4  }
0x52: {  	v5 =	vadd.s32 s26, v5  }
0x53: {  	[tilespmem:s25+$0x20] =	vst v5  }
0x54: {  	v5 =	vld [tilespmem:$0x130];
	_ =	sdelay $0x4  }
0x55: {  	v5 =	vadd.s32 s26, v5  }
0x56: {  	[tilespmem:s25+$0x30] =	vst v5  }
0x57: {  	v5 =	vld [tilespmem:$0x100];
	_ =	sdelay $0x3  }
0x58: {  	s28 =	simm.s32 $0x1F400  }
0x59: {  	v5 =	vadd.s32 s28, v5  }
0x5a: {  	[tilespmem:s25+$0x40] =	vst v5  }
0x5b: {  	v5 =	vld [tilespmem:$0x110];
	_ =	sdelay $0x4  }
0x5c: {  	v5 =	vadd.s32 s28, v5  }
0x5d: {  	[tilespmem:s25+$0x50] =	vst v5  }
0x5e: {  	v5 =	vld [tilespmem:$0x120];
	_ =	sdelay $0x4  }
0x5f: {  	v5 =	vadd.s32 s28, v5  }
0x60: {  	[tilespmem:s25+$0x60] =	vst v5  }
0x61: {  	v5 =	vld [tilespmem:$0x130];
	_ =	sdelay $0x4  }
0x62: {  	s29 =	simm.s32 $0x280;
	v5 =	vadd.s32 s28, v5  }
0x63: {  	s30 =	simm.s32 $0x3400;
	s26 =	simm.s32 $0x5DC00;
	s28 =	simm.s32 $0x3800;
	[tilespmem:s25+$0x70] =	vst v5  }
.LBB2_2:
0x64: {  	[tilespmem:s30], [sflag:$0x1] =	stream.indirect.gather [hbm4b:s7+s13], $0x8, s25, s13, $0xb8;
	[tilespmem:$0x1CC68] =	vst v63  }
0x65: {  	p0 =	sne.s32 s26, $0x5FB400;
	s31 =	smov.u32 s26;
	s26 =	sadd.s32 $0x3E800, s26;
	v5 =	vld [tilespmem:$0x100]  }
0x66: {  	s30 =	smov.u32 s28;
	s25 =	smov.u32 s29;
	_ =	sdelay $0x2  }
0x67: {  	s0 =	sadd.s32 $0xFFFE0C00, s31  }
0x68: {  	v5 =	vadd.s32 s0, v5  }
0x69: {  	[tilespmem:s29+$0x0] =	vst v5  }
0x6a: {  	v5 =	vld [tilespmem:$0x110];
	_ =	sdelay $0x4  }
0x6b: {  	v5 =	vadd.s32 s0, v5  }
0x6c: {  	[tilespmem:s29+$0x10] =	vst v5  }
0x6d: {  	v5 =	vld [tilespmem:$0x120];
	_ =	sdelay $0x4  }
0x6e: {  	v5 =	vadd.s32 s0, v5  }
0x6f: {  	[tilespmem:s29+$0x20] =	vst v5  }
0x70: {  	v5 =	vld [tilespmem:$0x130];
	_ =	sdelay $0x4  }
0x71: {  	v5 =	vadd.s32 s0, v5  }
0x72: {  	[tilespmem:s29+$0x30] =	vst v5  }
0x73: {  	v5 =	vld [tilespmem:$0x100];
	_ =	sdelay $0x4  }
0x74: {  	v5 =	vadd.s32 s31, v5  }
0x75: {  	[tilespmem:s29+$0x40] =	vst v5  }
0x76: {  	v5 =	vld [tilespmem:$0x110];
	_ =	sdelay $0x4  }
0x77: {  	v5 =	vadd.s32 s31, v5  }
0x78: {  	[tilespmem:s29+$0x50] =	vst v5  }
0x79: {  	v5 =	vld [tilespmem:$0x120];
	_ =	sdelay $0x4  }
0x7a: {  	v5 =	vadd.s32 s31, v5  }
0x7b: {  	[tilespmem:s29+$0x60] =	vst v5  }
0x7c: {  	v5 =	vld [tilespmem:$0x130];
	_ =	sdelay $0x1  }
.Ltmp0:
0x7d: {  	(pc) =	sbr.rel @p0 .LBB2_2-.Ltmp0, $3  }
0x7e: {  	_ =	sdelay $0x1  }
0x7f: {  	v5 =	vadd.s32 s31, v5  }
0x80: {  	s28 =	sadd.s32 $0x400, s28;
	s29 =	sadd.s32 $0x80, s29;
	[tilespmem:s25+$0x70] =	vst v5  }
0x81: {  	[tilespmem:s30], [sflag:$0x1] =	stream.indirect.gather [hbm4b:s7+s13], $0x8, s25, s13, $0xb8;
	[tilespmem:$0x1CC68] =	vst v63  }
0x82: {  	s25 =	simm.s32 $0x70;
	_ =	swait.ge [sflag:s16], $0x6400  }
0x83: {  	s26 =	simm.s32 $0x16000;
	s28 =	simm.s32 $0xFC00;
	[sflag:s16] =	ssyncset.done $0x0  }
0x84: {  	s29 =	simm.s32 $0x2780;
	s30 =	simm.s32 $0x1B00;
	[sflag:s16] =	ssyncadd.s32 $0xFFFF9C00  }
.LBB2_4:
0x85: {  	v5 =	vld [tilespmem:$0x0];
	_ =	sdelay $0x1  }
0x86: {  	s0 =	sadd.s32 $0xFFFFFF90, s25  }
0x87: {  	v6 =	vmov s0  }
0x88: {  	v6 =	vshll.u32 v6, $0x3  }
0x89: {  	v6 =	vor.u32 v0, v6;
	v5 =	vand.u32 $0x7, v5  }
0x8a: {  	v5 =	vor.u32 v6, v5;
	_ =	sdelay $0x4  }
0x8b: {  	v5 =	vld.idx.msk [tilespmem:v5+s17+$0x0], $0xffff;
	_ =	sdelay $0x1  }
0x8c: {  	v6 =	vld [tilespmem:$0x180];
	_ =	sdelay $0x2  }
0x8d: {  	v7 =	vshll.u32 v5, $0x4  }
0x8e: {  	v8 =	vshll.u32 v5, $0x7;
	v7 =	vand.u32 $0x70, v7  }
0x8f: {  	v8 =	vand.u32 $0xFFFFFC00, v8;
	v6 =	vadd.s32 v6, v7  }
0x90: {  	v6 =	vadd.s32 v8, v6  }
0x91: {  	[tilespmem:s30+$0x0] =	vst v6  }
0x92: {  	v6 =	vld [tilespmem:$0x80];
	_ =	sdelay $0x3  }
0x93: {  	v5 =	vmul.u32 $0x7D, v5  }
0x94: {  	v6 =	vshrl.u32 v6, $0x3  }
0x95: {  	v5 =	vadd.s32 v5, v6  }
0x96: {  	[tilespmem:s29+$0x0] =	vst v5  }
0x97: {  	v5 =	vld [tilespmem:$0x10];
	_ =	sdelay $0x1  }
0x98: {  	s31 =	sadd.s32 $0xFFFFFFA0, s25  }
0x99: {  	v6 =	vmov s31  }
0x9a: {  	v6 =	vshll.u32 v6, $0x3  }
0x9b: {  	v6 =	vor.u32 v0, v6;
	v5 =	vand.u32 $0x7, v5  }
0x9c: {  	v5 =	vor.u32 v6, v5;
	_ =	sdelay $0x4  }
0x9d: {  	v5 =	vld.idx.msk [tilespmem:v5+s17+$0x0], $0xffff;
	_ =	sdelay $0x1  }
0x9e: {  	v6 =	vld [tilespmem:$0x190];
	_ =	sdelay $0x2  }
0x9f: {  	v7 =	vshll.u32 v5, $0x4  }
0xa0: {  	v57 =	vshll.u32 v5, $0x7;
	v7 =	vand.u32 $0x70, v7  }
0xa1: {  	v8 =	vand.u32 $0xFFFFFC00, v57;
	v6 =	vadd.s32 v6, v7  }
0xa2: {  	v6 =	vadd.s32 v8, v6  }
0xa3: {  	[tilespmem:s30+$0x10] =	vst v6  }
0xa4: {  	v6 =	vld [tilespmem:$0x90];
	_ =	sdelay $0x3  }
0xa5: {  	v5 =	vmul.u32 $0x7D, v5  }
0xa6: {  	v6 =	vshrl.u32 v6, $0x3  }
0xa7: {  	v5 =	vadd.s32 v5, v6  }
0xa8: {  	[tilespmem:s29+$0x10] =	vst v5  }
0xa9: {  	v5 =	vld [tilespmem:$0x20];
	_ =	sdelay $0x1  }
0xaa: {  	s31 =	sadd.s32 $0xFFFFFFB0, s25  }
0xab: {  	v6 =	vmov s31  }
0xac: {  	v6 =	vshll.u32 v6, $0x3  }
0xad: {  	v6 =	vor.u32 v0, v6;
	v5 =	vand.u32 $0x7, v5  }
0xae: {  	v5 =	vor.u32 v6, v5;
	_ =	sdelay $0x4  }
0xaf: {  	v5 =	vld.idx.msk [tilespmem:v5+s17+$0x0], $0xffff;
	_ =	sdelay $0x1  }
0xb0: {  	v6 =	vld [tilespmem:$0x1A0];
	_ =	sdelay $0x2  }
0xb1: {  	v7 =	vshll.u32 v5, $0x4  }
0xb2: {  	v58 =	vshll.u32 v5, $0x7;
	v7 =	vand.u32 $0x70, v7  }
0xb3: {  	v8 =	vand.u32 $0xFFFFFC00, v58;
	v6 =	vadd.s32 v6, v7  }
0xb4: {  	v6 =	vadd.s32 v8, v6  }
0xb5: {  	[tilespmem:s30+$0x20] =	vst v6  }
0xb6: {  	v6 =	vld [tilespmem:$0xA0];
	_ =	sdelay $0x3  }
0xb7: {  	v5 =	vmul.u32 $0x7D, v5  }
0xb8: {  	v6 =	vshrl.u32 v6, $0x3  }
0xb9: {  	v5 =	vadd.s32 v5, v6  }
0xba: {  	[tilespmem:s29+$0x20] =	vst v5  }
0xbb: {  	v5 =	vld [tilespmem:$0x30];
	_ =	sdelay $0x1  }
0xbc: {  	s31 =	sadd.s32 $0xFFFFFFC0, s25  }
0xbd: {  	v6 =	vmov s31  }
0xbe: {  	v6 =	vshll.u32 v6, $0x3  }
0xbf: {  	v6 =	vor.u32 v0, v6;
	v5 =	vand.u32 $0x7, v5  }
0xc0: {  	v5 =	vor.u32 v6, v5;
	_ =	sdelay $0x4  }
0xc1: {  	v5 =	vld.idx.msk [tilespmem:v5+s17+$0x0], $0xffff;
	_ =	sdelay $0x1  }
0xc2: {  	v6 =	vld [tilespmem:$0x1B0];
	_ =	sdelay $0x2  }
0xc3: {  	v7 =	vshll.u32 v5, $0x4  }
0xc4: {  	v59 =	vshll.u32 v5, $0x7;
	v7 =	vand.u32 $0x70, v7  }
0xc5: {  	v8 =	vand.u32 $0xFFFFFC00, v59;
	v6 =	vadd.s32 v6, v7  }
0xc6: {  	v6 =	vadd.s32 v8, v6  }
0xc7: {  	[tilespmem:s30+$0x30] =	vst v6  }
0xc8: {  	v6 =	vld [tilespmem:$0xB0];
	_ =	sdelay $0x3  }
0xc9: {  	v5 =	vmul.u32 $0x7D, v5  }
0xca: {  	v6 =	vshrl.u32 v6, $0x3  }
0xcb: {  	v5 =	vadd.s32 v5, v6  }
0xcc: {  	[tilespmem:s29+$0x30] =	vst v5  }
0xcd: {  	v5 =	vld [tilespmem:$0x0];
	_ =	sdelay $0x1  }
0xce: {  	s31 =	sadd.s32 $0xFFFFFFD0, s25  }
0xcf: {  	v6 =	vmov s31  }
0xd0: {  	v6 =	vshll.u32 v6, $0x3  }
0xd1: {  	v6 =	vor.u32 v0, v6;
	v5 =	vand.u32 $0x7, v5  }
0xd2: {  	v5 =	vor.u32 v6, v5;
	_ =	sdelay $0x4  }
0xd3: {  	v5 =	vld.idx.msk [tilespmem:v5+s17+$0x0], $0xffff;
	_ =	sdelay $0x1  }
0xd4: {  	v6 =	vld [tilespmem:$0x180];
	_ =	sdelay $0x2  }
0xd5: {  	v7 =	vshll.u32 v5, $0x4  }
0xd6: {  	v60 =	vshll.u32 v5, $0x7;
	v7 =	vand.u32 $0x70, v7  }
0xd7: {  	v8 =	vand.u32 $0xFFFFFC00, v60;
	v6 =	vadd.s32 v6, v7  }
0xd8: {  	v6 =	vadd.s32 v8, v6  }
0xd9: {  	[tilespmem:s30+$0x40] =	vst v6  }
0xda: {  	v6 =	vld [tilespmem:$0x80];
	_ =	sdelay $0x3  }
0xdb: {  	v5 =	vmul.u32 $0x7D, v5  }
0xdc: {  	v6 =	vshrl.u32 v6, $0x3  }
0xdd: {  	v5 =	vadd.s32 v5, v6  }
0xde: {  	[tilespmem:s29+$0x40] =	vst v5  }
0xdf: {  	v5 =	vld [tilespmem:$0x10];
	_ =	sdelay $0x1  }
0xe0: {  	s31 =	sadd.s32 $0xFFFFFFE0, s25  }
0xe1: {  	v6 =	vmov s31  }
0xe2: {  	v6 =	vshll.u32 v6, $0x3  }
0xe3: {  	v6 =	vor.u32 v0, v6;
	v5 =	vand.u32 $0x7, v5  }
0xe4: {  	v5 =	vor.u32 v6, v5;
	_ =	sdelay $0x4  }
0xe5: {  	v5 =	vld.idx.msk [tilespmem:v5+s17+$0x0], $0xffff;
	_ =	sdelay $0x1  }
0xe6: {  	v6 =	vld [tilespmem:$0x190];
	_ =	sdelay $0x2  }
0xe7: {  	v7 =	vshll.u32 v5, $0x4  }
0xe8: {  	v61 =	vshll.u32 v5, $0x7;
	v7 =	vand.u32 $0x70, v7  }
0xe9: {  	v8 =	vand.u32 $0xFFFFFC00, v61;
	v6 =	vadd.s32 v6, v7  }
0xea: {  	v6 =	vadd.s32 v8, v6  }
0xeb: {  	[tilespmem:s30+$0x50] =	vst v6  }
0xec: {  	v6 =	vld [tilespmem:$0x90];
	_ =	sdelay $0x3  }
0xed: {  	v5 =	vmul.u32 $0x7D, v5  }
0xee: {  	v6 =	vshrl.u32 v6, $0x3  }
0xef: {  	v5 =	vadd.s32 v5, v6  }
0xf0: {  	[tilespmem:s29+$0x50] =	vst v5  }
0xf1: {  	v5 =	vld [tilespmem:$0x20];
	_ =	sdelay $0x1  }
0xf2: {  	s31 =	sadd.s32 $0xFFFFFFF0, s25  }
0xf3: {  	v6 =	vmov s31  }
0xf4: {  	v6 =	vshll.u32 v6, $0x3  }
0xf5: {  	v6 =	vor.u32 v0, v6;
	v5 =	vand.u32 $0x7, v5  }
0xf6: {  	v5 =	vor.u32 v6, v5;
	_ =	sdelay $0x4  }
0xf7: {  	v5 =	vld.idx.msk [tilespmem:v5+s17+$0x0], $0xffff;
	_ =	sdelay $0x1  }
0xf8: {  	v6 =	vld [tilespmem:$0x1A0];
	_ =	sdelay $0x2  }
0xf9: {  	v7 =	vshll.u32 v5, $0x4  }
0xfa: {  	v62 =	vshll.u32 v5, $0x7;
	v7 =	vand.u32 $0x70, v7  }
0xfb: {  	v8 =	vand.u32 $0xFFFFFC00, v62;
	v6 =	vadd.s32 v6, v7  }
0xfc: {  	v6 =	vadd.s32 v8, v6  }
0xfd: {  	[tilespmem:s30+$0x60] =	vst v6  }
0xfe: {  	v6 =	vld [tilespmem:$0xA0];
	_ =	sdelay $0x3  }
0xff: {  	v5 =	vmul.u32 $0x7D, v5  }
0x100: {  	v6 =	vshrl.u32 v6, $0x3  }
0x101: {  	v5 =	vadd.s32 v5, v6  }
0x102: {  	[tilespmem:s29+$0x60] =	vst v5  }
0x103: {  	v5 =	vld [tilespmem:$0x30];
	_ =	sdelay $0x2  }
0x104: {  	v6 =	vmov s25  }
0x105: {  	v6 =	vshll.u32 v6, $0x3  }
0x106: {  	v6 =	vor.u32 v0, v6;
	v5 =	vand.u32 $0x7, v5  }
0x107: {  	v5 =	vor.u32 v6, v5;
	_ =	sdelay $0x4  }
0x108: {  	v5 =	vld.idx.msk [tilespmem:v5+s17+$0x0], $0xffff;
	_ =	sdelay $0x1  }
0x109: {  	v6 =	vld [tilespmem:$0x1B0];
	_ =	sdelay $0x2  }
0x10a: {  	v7 =	vshll.u32 v5, $0x4  }
0x10b: {  	v63 =	vshll.u32 v5, $0x7;
	v7 =	vand.u32 $0x70, v7  }
0x10c: {  	v8 =	vand.u32 $0xFFFFFC00, v63;
	v6 =	vadd.s32 v6, v7  }
0x10d: {  	v6 =	vadd.s32 v8, v6  }
0x10e: {  	[tilespmem:s30+$0x70] =	vst v6  }
0x10f: {  	v6 =	vld [tilespmem:$0xB0];
	_ =	sdelay $0x3  }
0x110: {  	v5 =	vmul.u32 $0x7D, v5  }
0x111: {  	v6 =	vshrl.u32 v6, $0x3  }
0x112: {  	p0 =	sne.s32 s25, $0xC70;
	v5 =	vadd.s32 v5, v6  }
.Ltmp1:
0x113: {  	[tilespmem:s29+$0x70] =	vst v5;
	(pc) =	sbr.rel @p0 .LBB2_4-.Ltmp1, $4  }
0x114: {  	[tilespmem:s28], [sflag:$0x2] =	stream.indirect.gather [hbm4b:s5+s13], $0x8, s30, s13, $0xb8;
	[tilespmem:$0x1CC68] =	vst v63  }
0x115: {  	s25 =	sadd.s32 $0x80, s25;
	s28 =	sadd.s32 $0x400, s28  }
0x116: {  	[tilespmem:s26], [sflag:$0x3] =	stream.indirect.gather [hbm4b:s6+s13], $0x8, s29, s13, $0xb8;
	[tilespmem:$0x1CC68] =	vst v63  }
0x117: {  	s30 =	sadd.s32 $0x80, s30;
	s26 =	sadd.s32 $0x400, s26;
	s29 =	sadd.s32 $0x80, s29  }
0x118: {  	v5 =	vld [tilespmem:$0x140];
	_ =	sdelay $0x3  }
0x119: {  	s0 =	simm.s32 $0x0  }
0x11a: {  	s25 =	simm.s32 $0xE80;
	v5 =	vadd.s32 s0, v5  }
0x11b: {  	[tilespmem:s25+$0x0] =	vst v5  }
0x11c: {  	v5 =	vld [tilespmem:$0x150];
	_ =	sdelay $0x4  }
0x11d: {  	v5 =	vadd.s32 s0, v5  }
0x11e: {  	[tilespmem:s25+$0x10] =	vst v5  }
0x11f: {  	v5 =	vld [tilespmem:$0x160];
	_ =	sdelay $0x4  }
0x120: {  	v5 =	vadd.s32 s0, v5  }
0x121: {  	[tilespmem:s25+$0x20] =	vst v5  }
0x122: {  	v5 =	vld [tilespmem:$0x170];
	_ =	sdelay $0x4  }
0x123: {  	v5 =	vadd.s32 s0, v5  }
0x124: {  	[tilespmem:s25+$0x30] =	vst v5  }
0x125: {  	v5 =	vld [tilespmem:$0x140];
	_ =	sdelay $0x3  }
0x126: {  	s31 =	simm.s32 $0x1F400  }
0x127: {  	v5 =	vadd.s32 s31, v5  }
0x128: {  	[tilespmem:s25+$0x40] =	vst v5  }
0x129: {  	v5 =	vld [tilespmem:$0x150];
	_ =	sdelay $0x4  }
0x12a: {  	v5 =	vadd.s32 s31, v5  }
0x12b: {  	[tilespmem:s25+$0x50] =	vst v5  }
0x12c: {  	v5 =	vld [tilespmem:$0x160];
	_ =	sdelay $0x4  }
0x12d: {  	v5 =	vadd.s32 s31, v5  }
0x12e: {  	[tilespmem:s25+$0x60] =	vst v5  }
0x12f: {  	v5 =	vld [tilespmem:$0x170];
	_ =	sdelay $0x4  }
0x130: {  	s30 =	simm.s32 $0x9800;
	v5 =	vadd.s32 s31, v5  }
0x131: {  	s26 =	simm.s32 $0x5DC00;
	s28 =	simm.s32 $0x9C00;
	s29 =	simm.s32 $0xF00;
	[tilespmem:s25+$0x70] =	vst v5  }
.LBB2_6:
0x132: {  	[tilespmem:s30], [sflag:$0x1] =	stream.indirect.gather [hbm4b:s7+s13], $0x8, s25, s13, $0xb8;
	[tilespmem:$0x1CC68] =	vst v63  }
0x133: {  	p0 =	sne.s32 s26, $0x5FB400;
	s31 =	smov.u32 s26;
	s26 =	sadd.s32 $0x3E800, s26;
	v5 =	vld [tilespmem:$0x140]  }
0x134: {  	s30 =	smov.u32 s28;
	s25 =	smov.u32 s29;
	_ =	sdelay $0x2  }
0x135: {  	s0 =	sadd.s32 $0xFFFE0C00, s31  }
0x136: {  	v5 =	vadd.s32 s0, v5  }
0x137: {  	[tilespmem:s29+$0x0] =	vst v5  }
0x138: {  	v5 =	vld [tilespmem:$0x150];
	_ =	sdelay $0x4  }
0x139: {  	v5 =	vadd.s32 s0, v5  }
0x13a: {  	[tilespmem:s29+$0x10] =	vst v5  }
0x13b: {  	v5 =	vld [tilespmem:$0x160];
	_ =	sdelay $0x4  }
0x13c: {  	v5 =	vadd.s32 s0, v5  }
0x13d: {  	[tilespmem:s29+$0x20] =	vst v5  }
0x13e: {  	v5 =	vld [tilespmem:$0x170];
	_ =	sdelay $0x4  }
0x13f: {  	v5 =	vadd.s32 s0, v5  }
0x140: {  	[tilespmem:s29+$0x30] =	vst v5  }
0x141: {  	v5 =	vld [tilespmem:$0x140];
	_ =	sdelay $0x4  }
0x142: {  	v5 =	vadd.s32 s31, v5  }
0x143: {  	[tilespmem:s29+$0x40] =	vst v5  }
0x144: {  	v5 =	vld [tilespmem:$0x150];
	_ =	sdelay $0x4  }
0x145: {  	v5 =	vadd.s32 s31, v5  }
0x146: {  	[tilespmem:s29+$0x50] =	vst v5  }
0x147: {  	v5 =	vld [tilespmem:$0x160];
	_ =	sdelay $0x4  }
0x148: {  	v5 =	vadd.s32 s31, v5  }
0x149: {  	[tilespmem:s29+$0x60] =	vst v5  }
0x14a: {  	v5 =	vld [tilespmem:$0x170];
	_ =	sdelay $0x1  }
.Ltmp2:
0x14b: {  	(pc) =	sbr.rel @p0 .LBB2_6-.Ltmp2, $3  }
0x14c: {  	_ =	sdelay $0x1  }
0x14d: {  	v5 =	vadd.s32 s31, v5  }
0x14e: {  	s28 =	sadd.s32 $0x400, s28;
	s29 =	sadd.s32 $0x80, s29;
	[tilespmem:s25+$0x70] =	vst v5  }
0x14f: {  	[tilespmem:s30], [sflag:$0x1] =	stream.indirect.gather [hbm4b:s7+s13], $0x8, s25, s13, $0xb8;
	[tilespmem:$0x1CC68] =	vst v63  }
0x150: {  	_ =	swait.ge [sflag:s18], $0x6400  }
0x151: {  	[sflag:s18] =	ssyncset.done $0x0  }
0x152: {  	[sflag:s18] =	ssyncadd.s32 $0xFFFF9C00  }
0x153: {  	_ =	swait.ge [sflag:s19], $0x6400  }
0x154: {  	[sflag:s19] =	ssyncset.done $0x0  }
0x155: {  	[sflag:s19] =	ssyncadd.s32 $0xFFFF9C00  }
0x156: {  	v5 =	vld [tilespmem:$0x0];
	_ =	sdelay $0x1  }
0x157: {  	s0 =	simm.s32 $0x0  }
0x158: {  	v6 =	vmov s0  }
0x159: {  	v6 =	vshll.u32 v6, $0x3  }
0x15a: {  	v6 =	vor.u32 v0, v6;
	v7 =	vand.u32 $0x7, v5  }
0x15b: {  	v8 =	vor.u32 v7, v6;
	_ =	sdelay $0x2  }
0x15c: {  	v12 =	vld [tilespmem:$0x80];
	_ =	sdelay $0x1  }
0x15d: {  	s30 =	simm.s32 $0x40;
	v13 =	vld.idx.msk [tilespmem:v8+s17+$0x0], $0xffff  }
0x15e: {  	v9 =	vmov s30  }
0x15f: {  	v9 =	vshll.u32 v9, $0x3  }
0x160: {  	v10 =	vor.u32 v0, v9  }
0x161: {  	v9 =	vand.u32 $0x7, v12;
	v11 =	vor.u32 v7, v10  }
0x162: {  	v15 =	vor.u32 v9, v6;
	v5 =	vld.idx.msk [tilespmem:v5+s14+$0x0], $0xffff  }
0x163: {  	v6 =	vld.idx.msk [tilespmem:v12+s15+$0x0], $0xffff  }
0x164: {  	v14 =	vld.idx.msk [tilespmem:v8+s21+$0x0], $0xffff  }
0x165: {  	v12 =	vld.idx.msk [tilespmem:v13+s15+$0x0], $0xffff  }
0x166: {  	s31 =	simm.s32 $0x80;
	v13 =	vld.idx.msk [tilespmem:v11+s17+$0x0], $0xffff  }
0x167: {  	s25 =	simm.s32 $0xC0;
	v16 =	vmov s31;
	v8 =	vimm.f32 $0.0e+00;
	v15 =	vld.idx.msk [tilespmem:v15+s20+$0x0], $0xffff  }
.LBB2_8:
0x168: {  	p0 =	sne.s32 s25, $0xC40;
	v16 =	vshll.u32 v16, $0x3  }
0x169: {  	v14 =	vsub.f32 v14, v5;
	v16 =	vor.u32 v0, v16  }
0x16a: {  	v17 =	vor.u32 v7, v16  }
0x16b: {  	v18 =	vor.u32 v9, v10;
	v12 =	vsub.f32 v14, v12;
	v10 =	vmov v16  }
.Ltmp3:
0x16c: {  	v14 =	vld.idx.msk [tilespmem:v11+s21+$0x0], $0xffff;
	v11 =	vmov v17;
	(pc) =	sbr.rel @p0 .LBB2_8-.Ltmp3, $4  }
0x16d: {  	v15 =	vmul.f32 v12, v15  }
0x16e: {  	v12 =	vld.idx.msk [tilespmem:v13+s15+$0x0], $0xffff  }
0x16f: {  	v8 =	vadd.f32 v15, v8;
	v13 =	vld.idx.msk [tilespmem:v17+s17+$0x0], $0xffff  }
0x170: {  	v16 =	vmov s25;
	s25 =	sadd.s32 $0x40, s25;
	v15 =	vld.idx.msk [tilespmem:v18+s20+$0x0], $0xffff  }
0x171: {  	v16 =	vshll.u32 v16, $0x3  }
0x172: {  	v16 =	vor.u32 v0, v16  }
0x173: {  	v7 =	vor.u32 v7, v16;
	_ =	sdelay $0x4  }
0x174: {  	v17 =	vld.idx.msk [tilespmem:v7+s17+$0x0], $0xffff;
	_ =	sdelay $0x1  }
0x175: {  	v10 =	vor.u32 v9, v10;
	_ =	sdelay $0x1  }
0x176: {  	v11 =	vld.idx.msk [tilespmem:v11+s21+$0x0], $0xffff  }
0x177: {  	v9 =	vor.u32 v9, v16;
	v13 =	vld.idx.msk [tilespmem:v13+s15+$0x0], $0xffff  }
0x178: {  	v7 =	vld.idx.msk [tilespmem:v7+s21+$0x0], $0xffff  }
0x179: {  	v14 =	vsub.f32 v14, v5;
	v10 =	vld.idx.msk [tilespmem:v10+s20+$0x0], $0xffff  }
0x17a: {  	v16 =	vld.idx.msk [tilespmem:v17+s15+$0x0], $0xffff  }
0x17b: {  	v12 =	vsub.f32 v14, v12;
	v11 =	vsub.f32 v11, v5  }
0x17c: {  	v9 =	vld.idx.msk [tilespmem:v9+s20+$0x0], $0xffff  }
0x17d: {  	v12 =	vmul.f32 v12, v15;
	v11 =	vsub.f32 v11, v13;
	v7 =	vsub.f32 v7, v5;
	_ =	sdelay $0x1  }
0x17e: {  	v8 =	vadd.f32 v12, v8;
	v12 =	vld [tilespmem:$0x10];
	v10 =	vmul.f32 v11, v10;
	v7 =	vsub.f32 v7, v16;
	_ =	sdelay $0x1  }
0x17f: {  	s0 =	simm.s32 $0x0;
	v8 =	vadd.f32 v10, v8;
	v7 =	vmul.f32 v7, v9  }
0x180: {  	v9 =	vmov s0  }
0x181: {  	v9 =	vshll.u32 v9, $0x3;
	v8 =	vadd.f32 v7, v8  }
0x182: {  	v7 =	vand.u32 $0x7, v12;
	v13 =	vor.u32 v2, v9  }
0x183: {  	v5 =	vadd.f32 v6, v5;
	v6 =	vmul.f32 v8, v1;
	v8 =	vor.u32 v7, v13;
	_ =	sdelay $0x1  }
0x184: {  	v5 =	vadd.f32 v6, v5  }
0x185: {  	s30 =	simm.s32 $0x40;
	v6 =	vld [tilespmem:$0x90]  }
0x186: {  	[tilespmem:$0x1CBE8] =	vst v5;
	v5 =	vmov s30  }
0x187: {  	v15 =	vld.idx.msk [tilespmem:v8+s17+$0x0], $0xffff;
	v5 =	vshll.u32 v5, $0x3  }
0x188: {  	v10 =	vor.u32 v2, v5  }
0x189: {  	v11 =	vor.u32 v7, v10  }
0x18a: {  	v9 =	vand.u32 $0x7, v6  }
0x18b: {  	v14 =	vld.idx.msk [tilespmem:v8+s21+$0x0], $0xffff;
	v17 =	vor.u32 v9, v13  }
0x18c: {  	v5 =	vld.idx.msk [tilespmem:v12+s14+$0x0], $0xffff  }
0x18d: {  	v6 =	vld.idx.msk [tilespmem:v6+s15+$0x0], $0xffff  }
0x18e: {  	v13 =	vld.idx.msk [tilespmem:v11+s17+$0x0], $0xffff  }
0x18f: {  	s31 =	simm.s32 $0x80;
	v12 =	vld.idx.msk [tilespmem:v15+s15+$0x0], $0xffff  }
0x190: {  	s25 =	simm.s32 $0xC0;
	v16 =	vmov s31;
	v8 =	vimm.f32 $0.0e+00;
	v15 =	vld.idx.msk [tilespmem:v17+s20+$0x0], $0xffff  }
.LBB2_10:
0x191: {  	p0 =	sne.s32 s25, $0xC40;
	v16 =	vshll.u32 v16, $0x3  }
0x192: {  	v14 =	vsub.f32 v14, v5;
	v16 =	vor.u32 v2, v16  }
0x193: {  	v17 =	vor.u32 v7, v16  }
0x194: {  	v18 =	vor.u32 v9, v10;
	v12 =	vsub.f32 v14, v12;
	v10 =	vmov v16  }
.Ltmp4:
0x195: {  	v14 =	vld.idx.msk [tilespmem:v11+s21+$0x0], $0xffff;
	v11 =	vmov v17;
	(pc) =	sbr.rel @p0 .LBB2_10-.Ltmp4, $4  }
0x196: {  	v15 =	vmul.f32 v12, v15  }
0x197: {  	v12 =	vld.idx.msk [tilespmem:v13+s15+$0x0], $0xffff  }
0x198: {  	v8 =	vadd.f32 v15, v8;
	v13 =	vld.idx.msk [tilespmem:v17+s17+$0x0], $0xffff  }
0x199: {  	v16 =	vmov s25;
	s25 =	sadd.s32 $0x40, s25;
	v15 =	vld.idx.msk [tilespmem:v18+s20+$0x0], $0xffff  }
0x19a: {  	v16 =	vshll.u32 v16, $0x3  }
0x19b: {  	v16 =	vor.u32 v2, v16  }
0x19c: {  	v7 =	vor.u32 v7, v16;
	_ =	sdelay $0x4  }
0x19d: {  	v17 =	vld.idx.msk [tilespmem:v7+s17+$0x0], $0xffff;
	_ =	sdelay $0x1  }
0x19e: {  	v10 =	vor.u32 v9, v10;
	_ =	sdelay $0x1  }
0x19f: {  	v11 =	vld.idx.msk [tilespmem:v11+s21+$0x0], $0xffff  }
0x1a0: {  	v9 =	vor.u32 v9, v16;
	v13 =	vld.idx.msk [tilespmem:v13+s15+$0x0], $0xffff  }
0x1a1: {  	v7 =	vld.idx.msk [tilespmem:v7+s21+$0x0], $0xffff  }
0x1a2: {  	v14 =	vsub.f32 v14, v5;
	v10 =	vld.idx.msk [tilespmem:v10+s20+$0x0], $0xffff  }
0x1a3: {  	v16 =	vld.idx.msk [tilespmem:v17+s15+$0x0], $0xffff  }
0x1a4: {  	v12 =	vsub.f32 v14, v12;
	v11 =	vsub.f32 v11, v5  }
0x1a5: {  	v9 =	vld.idx.msk [tilespmem:v9+s20+$0x0], $0xffff  }
0x1a6: {  	v12 =	vmul.f32 v12, v15;
	v11 =	vsub.f32 v11, v13;
	v7 =	vsub.f32 v7, v5;
	_ =	sdelay $0x1  }
0x1a7: {  	v8 =	vadd.f32 v12, v8;
	v12 =	vld [tilespmem:$0x20];
	v10 =	vmul.f32 v11, v10;
	v7 =	vsub.f32 v7, v16;
	_ =	sdelay $0x1  }
0x1a8: {  	s0 =	simm.s32 $0x0;
	v8 =	vadd.f32 v10, v8;
	v7 =	vmul.f32 v7, v9  }
0x1a9: {  	v9 =	vmov s0  }
0x1aa: {  	v9 =	vshll.u32 v9, $0x3;
	v8 =	vadd.f32 v7, v8  }
0x1ab: {  	v7 =	vand.u32 $0x7, v12;
	v13 =	vor.u32 v3, v9  }
0x1ac: {  	v5 =	vadd.f32 v6, v5;
	v6 =	vmul.f32 v8, v1;
	v8 =	vor.u32 v7, v13;
	_ =	sdelay $0x1  }
0x1ad: {  	v5 =	vadd.f32 v6, v5  }
0x1ae: {  	s30 =	simm.s32 $0x40;
	v6 =	vld [tilespmem:$0xA0]  }
0x1af: {  	[tilespmem:$0x1CBF8] =	vst v5;
	v5 =	vmov s30  }
0x1b0: {  	v15 =	vld.idx.msk [tilespmem:v8+s17+$0x0], $0xffff;
	v5 =	vshll.u32 v5, $0x3  }
0x1b1: {  	v10 =	vor.u32 v3, v5  }
0x1b2: {  	v11 =	vor.u32 v7, v10  }
0x1b3: {  	v9 =	vand.u32 $0x7, v6  }
0x1b4: {  	v14 =	vld.idx.msk [tilespmem:v8+s21+$0x0], $0xffff;
	v17 =	vor.u32 v9, v13  }
0x1b5: {  	v5 =	vld.idx.msk [tilespmem:v12+s14+$0x0], $0xffff  }
0x1b6: {  	v6 =	vld.idx.msk [tilespmem:v6+s15+$0x0], $0xffff  }
0x1b7: {  	v13 =	vld.idx.msk [tilespmem:v11+s17+$0x0], $0xffff  }
0x1b8: {  	s31 =	simm.s32 $0x80;
	v12 =	vld.idx.msk [tilespmem:v15+s15+$0x0], $0xffff  }
0x1b9: {  	s25 =	simm.s32 $0xC0;
	v16 =	vmov s31;
	v8 =	vimm.f32 $0.0e+00;
	v15 =	vld.idx.msk [tilespmem:v17+s20+$0x0], $0xffff  }
.LBB2_12:
0x1ba: {  	p0 =	sne.s32 s25, $0xC40;
	v16 =	vshll.u32 v16, $0x3  }
0x1bb: {  	v14 =	vsub.f32 v14, v5;
	v16 =	vor.u32 v3, v16  }
0x1bc: {  	v17 =	vor.u32 v7, v16  }
0x1bd: {  	v18 =	vor.u32 v9, v10;
	v12 =	vsub.f32 v14, v12;
	v10 =	vmov v16  }
.Ltmp5:
0x1be: {  	v14 =	vld.idx.msk [tilespmem:v11+s21+$0x0], $0xffff;
	v11 =	vmov v17;
	(pc) =	sbr.rel @p0 .LBB2_12-.Ltmp5, $4  }
0x1bf: {  	v15 =	vmul.f32 v12, v15  }
0x1c0: {  	v12 =	vld.idx.msk [tilespmem:v13+s15+$0x0], $0xffff  }
0x1c1: {  	v8 =	vadd.f32 v15, v8;
	v13 =	vld.idx.msk [tilespmem:v17+s17+$0x0], $0xffff  }
0x1c2: {  	v16 =	vmov s25;
	s25 =	sadd.s32 $0x40, s25;
	v15 =	vld.idx.msk [tilespmem:v18+s20+$0x0], $0xffff  }
0x1c3: {  	v16 =	vshll.u32 v16, $0x3  }
0x1c4: {  	v16 =	vor.u32 v3, v16  }
0x1c5: {  	v7 =	vor.u32 v7, v16;
	_ =	sdelay $0x4  }
0x1c6: {  	v17 =	vld.idx.msk [tilespmem:v7+s17+$0x0], $0xffff;
	_ =	sdelay $0x1  }
0x1c7: {  	v10 =	vor.u32 v9, v10;
	_ =	sdelay $0x1  }
0x1c8: {  	v11 =	vld.idx.msk [tilespmem:v11+s21+$0x0], $0xffff  }
0x1c9: {  	v9 =	vor.u32 v9, v16;
	v13 =	vld.idx.msk [tilespmem:v13+s15+$0x0], $0xffff  }
0x1ca: {  	v7 =	vld.idx.msk [tilespmem:v7+s21+$0x0], $0xffff  }
0x1cb: {  	v14 =	vsub.f32 v14, v5;
	v10 =	vld.idx.msk [tilespmem:v10+s20+$0x0], $0xffff  }
0x1cc: {  	v16 =	vld.idx.msk [tilespmem:v17+s15+$0x0], $0xffff  }
0x1cd: {  	v12 =	vsub.f32 v14, v12;
	v11 =	vsub.f32 v11, v5  }
0x1ce: {  	v9 =	vld.idx.msk [tilespmem:v9+s20+$0x0], $0xffff  }
0x1cf: {  	v12 =	vmul.f32 v12, v15;
	v11 =	vsub.f32 v11, v13;
	v7 =	vsub.f32 v7, v5;
	_ =	sdelay $0x1  }
0x1d0: {  	v8 =	vadd.f32 v12, v8;
	v12 =	vld [tilespmem:$0x30];
	v10 =	vmul.f32 v11, v10;
	v7 =	vsub.f32 v7, v16;
	_ =	sdelay $0x1  }
0x1d1: {  	s0 =	simm.s32 $0x0;
	v8 =	vadd.f32 v10, v8;
	v7 =	vmul.f32 v7, v9  }
0x1d2: {  	v9 =	vmov s0  }
0x1d3: {  	v9 =	vshll.u32 v9, $0x3;
	v8 =	vadd.f32 v7, v8  }
0x1d4: {  	v7 =	vand.u32 $0x7, v12;
	v13 =	vor.u32 v4, v9  }
0x1d5: {  	v5 =	vadd.f32 v6, v5;
	v6 =	vmul.f32 v8, v1;
	v8 =	vor.u32 v7, v13;
	_ =	sdelay $0x1  }
0x1d6: {  	v5 =	vadd.f32 v6, v5  }
0x1d7: {  	s30 =	simm.s32 $0x40;
	v6 =	vld [tilespmem:$0xB0]  }
0x1d8: {  	[tilespmem:$0x1CC08] =	vst v5;
	v5 =	vmov s30  }
0x1d9: {  	v15 =	vld.idx.msk [tilespmem:v8+s17+$0x0], $0xffff;
	v5 =	vshll.u32 v5, $0x3  }
0x1da: {  	v10 =	vor.u32 v4, v5  }
0x1db: {  	v11 =	vor.u32 v7, v10  }
0x1dc: {  	v9 =	vand.u32 $0x7, v6  }
0x1dd: {  	v14 =	vld.idx.msk [tilespmem:v8+s21+$0x0], $0xffff;
	v17 =	vor.u32 v9, v13  }
0x1de: {  	v5 =	vld.idx.msk [tilespmem:v12+s14+$0x0], $0xffff  }
0x1df: {  	v6 =	vld.idx.msk [tilespmem:v6+s15+$0x0], $0xffff  }
0x1e0: {  	v13 =	vld.idx.msk [tilespmem:v11+s17+$0x0], $0xffff  }
0x1e1: {  	s31 =	simm.s32 $0x80;
	v12 =	vld.idx.msk [tilespmem:v15+s15+$0x0], $0xffff  }
0x1e2: {  	s25 =	simm.s32 $0xC0;
	v16 =	vmov s31;
	v8 =	vimm.f32 $0.0e+00;
	v15 =	vld.idx.msk [tilespmem:v17+s20+$0x0], $0xffff  }
.LBB2_14:
0x1e3: {  	p0 =	sne.s32 s25, $0xC40;
	v16 =	vshll.u32 v16, $0x3  }
0x1e4: {  	v14 =	vsub.f32 v14, v5;
	v16 =	vor.u32 v4, v16  }
0x1e5: {  	v17 =	vor.u32 v7, v16  }
0x1e6: {  	v18 =	vor.u32 v9, v10;
	v12 =	vsub.f32 v14, v12;
	v10 =	vmov v16  }
.Ltmp6:
0x1e7: {  	v14 =	vld.idx.msk [tilespmem:v11+s21+$0x0], $0xffff;
	v11 =	vmov v17;
	(pc) =	sbr.rel @p0 .LBB2_14-.Ltmp6, $4  }
0x1e8: {  	v15 =	vmul.f32 v12, v15  }
0x1e9: {  	v12 =	vld.idx.msk [tilespmem:v13+s15+$0x0], $0xffff  }
0x1ea: {  	v8 =	vadd.f32 v15, v8;
	v13 =	vld.idx.msk [tilespmem:v17+s17+$0x0], $0xffff  }
0x1eb: {  	v16 =	vmov s25;
	s25 =	sadd.s32 $0x40, s25;
	v15 =	vld.idx.msk [tilespmem:v18+s20+$0x0], $0xffff  }
0x1ec: {  	v16 =	vshll.u32 v16, $0x3  }
0x1ed: {  	v16 =	vor.u32 v4, v16  }
0x1ee: {  	v7 =	vor.u32 v7, v16;
	_ =	sdelay $0x4  }
0x1ef: {  	v17 =	vld.idx.msk [tilespmem:v7+s17+$0x0], $0xffff;
	_ =	sdelay $0x1  }
0x1f0: {  	v10 =	vor.u32 v9, v10;
	_ =	sdelay $0x1  }
0x1f1: {  	v11 =	vld.idx.msk [tilespmem:v11+s21+$0x0], $0xffff  }
0x1f2: {  	v62 =	vor.u32 v9, v16;
	v13 =	vld.idx.msk [tilespmem:v13+s15+$0x0], $0xffff  }
0x1f3: {  	v7 =	vld.idx.msk [tilespmem:v7+s21+$0x0], $0xffff  }
0x1f4: {  	v14 =	vsub.f32 v14, v5;
	v10 =	vld.idx.msk [tilespmem:v10+s20+$0x0], $0xffff  }
0x1f5: {  	v63 =	vld.idx.msk [tilespmem:v17+s15+$0x0], $0xffff  }
0x1f6: {  	v12 =	vsub.f32 v14, v12;
	v11 =	vsub.f32 v11, v5  }
0x1f7: {  	v9 =	vld.idx.msk [tilespmem:v62+s20+$0x0], $0xffff  }
0x1f8: {  	v12 =	vmul.f32 v12, v15;
	v11 =	vsub.f32 v11, v13;
	v7 =	vsub.f32 v7, v5;
	_ =	sdelay $0x1  }
0x1f9: {  	v8 =	vadd.f32 v12, v8;
	v10 =	vmul.f32 v11, v10;
	v7 =	vsub.f32 v7, v63;
	_ =	sdelay $0x1  }
0x1fa: {  	v8 =	vadd.f32 v10, v8;
	v7 =	vmul.f32 v7, v9;
	_ =	sdelay $0x1  }
0x1fb: {  	v7 =	vadd.f32 v7, v8;
	_ =	sdelay $0x1  }
0x1fc: {  	v5 =	vadd.f32 v6, v5;
	v6 =	vmul.f32 v7, v1;
	_ =	sdelay $0x1  }
0x1fd: {  	v5 =	vadd.f32 v6, v5;
	_ =	sdelay $0x1  }
0x1fe: {  	[tilespmem:$0x1CC18] =	vst v5  }
0x1ff: {  	s25 =	simm.s32 $0x70;
	_ =	swait.ge [sflag:s16], $0x6400  }
0x200: {  	s26 =	simm.s32 $0x16000;
	s28 =	simm.s32 $0xFC00;
	[sflag:s16] =	ssyncset.done $0x0  }
0x201: {  	s29 =	simm.s32 $0x2780;
	s30 =	simm.s32 $0x1B00;
	[sflag:s16] =	ssyncadd.s32 $0xFFFF9C00  }
.LBB2_16:
0x202: {  	v5 =	vld [tilespmem:$0x40];
	_ =	sdelay $0x1  }
0x203: {  	s0 =	sadd.s32 $0xFFFFFF90, s25  }
0x204: {  	v6 =	vmov s0  }
0x205: {  	v6 =	vshll.u32 v6, $0x3  }
0x206: {  	v6 =	vor.u32 v0, v6;
	v5 =	vand.u32 $0x7, v5  }
0x207: {  	v5 =	vor.u32 v6, v5;
	_ =	sdelay $0x4  }
0x208: {  	v5 =	vld.idx.msk [tilespmem:v5+s22+$0x0], $0xffff;
	_ =	sdelay $0x1  }
0x209: {  	v6 =	vld [tilespmem:$0x1C0];
	_ =	sdelay $0x2  }
0x20a: {  	v7 =	vshll.u32 v5, $0x4  }
0x20b: {  	v8 =	vshll.u32 v5, $0x7;
	v7 =	vand.u32 $0x70, v7  }
0x20c: {  	v8 =	vand.u32 $0xFFFFFC00, v8;
	v6 =	vadd.s32 v6, v7  }
0x20d: {  	v6 =	vadd.s32 v8, v6  }
0x20e: {  	[tilespmem:s30+$0x0] =	vst v6  }
0x20f: {  	v6 =	vld [tilespmem:$0xC0];
	_ =	sdelay $0x3  }
0x210: {  	v5 =	vmul.u32 $0x7D, v5  }
0x211: {  	v6 =	vshrl.u32 v6, $0x3  }
0x212: {  	v5 =	vadd.s32 v5, v6  }
0x213: {  	[tilespmem:s29+$0x0] =	vst v5  }
0x214: {  	v5 =	vld [tilespmem:$0x50];
	_ =	sdelay $0x1  }
0x215: {  	s31 =	sadd.s32 $0xFFFFFFA0, s25  }
0x216: {  	v6 =	vmov s31  }
0x217: {  	v6 =	vshll.u32 v6, $0x3  }
0x218: {  	v6 =	vor.u32 v0, v6;
	v5 =	vand.u32 $0x7, v5  }
0x219: {  	v5 =	vor.u32 v6, v5;
	_ =	sdelay $0x4  }
0x21a: {  	v5 =	vld.idx.msk [tilespmem:v5+s22+$0x0], $0xffff;
	_ =	sdelay $0x1  }
0x21b: {  	v6 =	vld [tilespmem:$0x1D0];
	_ =	sdelay $0x2  }
0x21c: {  	v7 =	vshll.u32 v5, $0x4  }
0x21d: {  	v57 =	vshll.u32 v5, $0x7;
	v7 =	vand.u32 $0x70, v7  }
0x21e: {  	v8 =	vand.u32 $0xFFFFFC00, v57;
	v6 =	vadd.s32 v6, v7  }
0x21f: {  	v6 =	vadd.s32 v8, v6  }
0x220: {  	[tilespmem:s30+$0x10] =	vst v6  }
0x221: {  	v6 =	vld [tilespmem:$0xD0];
	_ =	sdelay $0x3  }
0x222: {  	v5 =	vmul.u32 $0x7D, v5  }
0x223: {  	v6 =	vshrl.u32 v6, $0x3  }
0x224: {  	v5 =	vadd.s32 v5, v6  }
0x225: {  	[tilespmem:s29+$0x10] =	vst v5  }
0x226: {  	v5 =	vld [tilespmem:$0x60];
	_ =	sdelay $0x1  }
0x227: {  	s31 =	sadd.s32 $0xFFFFFFB0, s25  }
0x228: {  	v6 =	vmov s31  }
0x229: {  	v6 =	vshll.u32 v6, $0x3  }
0x22a: {  	v6 =	vor.u32 v0, v6;
	v5 =	vand.u32 $0x7, v5  }
0x22b: {  	v5 =	vor.u32 v6, v5;
	_ =	sdelay $0x4  }
0x22c: {  	v5 =	vld.idx.msk [tilespmem:v5+s22+$0x0], $0xffff;
	_ =	sdelay $0x1  }
0x22d: {  	v6 =	vld [tilespmem:$0x1E0];
	_ =	sdelay $0x2  }
0x22e: {  	v7 =	vshll.u32 v5, $0x4  }
0x22f: {  	v58 =	vshll.u32 v5, $0x7;
	v7 =	vand.u32 $0x70, v7  }
0x230: {  	v8 =	vand.u32 $0xFFFFFC00, v58;
	v6 =	vadd.s32 v6, v7  }
0x231: {  	v6 =	vadd.s32 v8, v6  }
0x232: {  	[tilespmem:s30+$0x20] =	vst v6  }
0x233: {  	v6 =	vld [tilespmem:$0xE0];
	_ =	sdelay $0x3  }
0x234: {  	v5 =	vmul.u32 $0x7D, v5  }
0x235: {  	v6 =	vshrl.u32 v6, $0x3  }
0x236: {  	v5 =	vadd.s32 v5, v6  }
0x237: {  	[tilespmem:s29+$0x20] =	vst v5  }
0x238: {  	v5 =	vld [tilespmem:$0x70];
	_ =	sdelay $0x1  }
0x239: {  	s31 =	sadd.s32 $0xFFFFFFC0, s25  }
0x23a: {  	v6 =	vmov s31  }
0x23b: {  	v6 =	vshll.u32 v6, $0x3  }
0x23c: {  	v6 =	vor.u32 v0, v6;
	v5 =	vand.u32 $0x7, v5  }
0x23d: {  	v5 =	vor.u32 v6, v5;
	_ =	sdelay $0x4  }
0x23e: {  	v5 =	vld.idx.msk [tilespmem:v5+s22+$0x0], $0xffff;
	_ =	sdelay $0x1  }
0x23f: {  	v6 =	vld [tilespmem:$0x1F0];
	_ =	sdelay $0x2  }
0x240: {  	v7 =	vshll.u32 v5, $0x4  }
0x241: {  	v59 =	vshll.u32 v5, $0x7;
	v7 =	vand.u32 $0x70, v7  }
0x242: {  	v8 =	vand.u32 $0xFFFFFC00, v59;
	v6 =	vadd.s32 v6, v7  }
0x243: {  	v6 =	vadd.s32 v8, v6  }
0x244: {  	[tilespmem:s30+$0x30] =	vst v6  }
0x245: {  	v6 =	vld [tilespmem:$0xF0];
	_ =	sdelay $0x3  }
0x246: {  	v5 =	vmul.u32 $0x7D, v5  }
0x247: {  	v6 =	vshrl.u32 v6, $0x3  }
0x248: {  	v5 =	vadd.s32 v5, v6  }
0x249: {  	[tilespmem:s29+$0x30] =	vst v5  }
0x24a: {  	v5 =	vld [tilespmem:$0x40];
	_ =	sdelay $0x1  }
0x24b: {  	s31 =	sadd.s32 $0xFFFFFFD0, s25  }
0x24c: {  	v6 =	vmov s31  }
0x24d: {  	v6 =	vshll.u32 v6, $0x3  }
0x24e: {  	v6 =	vor.u32 v0, v6;
	v5 =	vand.u32 $0x7, v5  }
0x24f: {  	v5 =	vor.u32 v6, v5;
	_ =	sdelay $0x4  }
0x250: {  	v5 =	vld.idx.msk [tilespmem:v5+s22+$0x0], $0xffff;
	_ =	sdelay $0x1  }
0x251: {  	v6 =	vld [tilespmem:$0x1C0];
	_ =	sdelay $0x2  }
0x252: {  	v7 =	vshll.u32 v5, $0x4  }
0x253: {  	v60 =	vshll.u32 v5, $0x7;
	v7 =	vand.u32 $0x70, v7  }
0x254: {  	v8 =	vand.u32 $0xFFFFFC00, v60;
	v6 =	vadd.s32 v6, v7  }
0x255: {  	v6 =	vadd.s32 v8, v6  }
0x256: {  	[tilespmem:s30+$0x40] =	vst v6  }
0x257: {  	v6 =	vld [tilespmem:$0xC0];
	_ =	sdelay $0x3  }
0x258: {  	v5 =	vmul.u32 $0x7D, v5  }
0x259: {  	v6 =	vshrl.u32 v6, $0x3  }
0x25a: {  	v5 =	vadd.s32 v5, v6  }
0x25b: {  	[tilespmem:s29+$0x40] =	vst v5  }
0x25c: {  	v5 =	vld [tilespmem:$0x50];
	_ =	sdelay $0x1  }
0x25d: {  	s31 =	sadd.s32 $0xFFFFFFE0, s25  }
0x25e: {  	v6 =	vmov s31  }
0x25f: {  	v6 =	vshll.u32 v6, $0x3  }
0x260: {  	v6 =	vor.u32 v0, v6;
	v5 =	vand.u32 $0x7, v5  }
0x261: {  	v5 =	vor.u32 v6, v5;
	_ =	sdelay $0x4  }
0x262: {  	v5 =	vld.idx.msk [tilespmem:v5+s22+$0x0], $0xffff;
	_ =	sdelay $0x1  }
0x263: {  	v6 =	vld [tilespmem:$0x1D0];
	_ =	sdelay $0x2  }
0x264: {  	v7 =	vshll.u32 v5, $0x4  }
0x265: {  	v61 =	vshll.u32 v5, $0x7;
	v7 =	vand.u32 $0x70, v7  }
0x266: {  	v8 =	vand.u32 $0xFFFFFC00, v61;
	v6 =	vadd.s32 v6, v7  }
0x267: {  	v6 =	vadd.s32 v8, v6  }
0x268: {  	[tilespmem:s30+$0x50] =	vst v6  }
0x269: {  	v6 =	vld [tilespmem:$0xD0];
	_ =	sdelay $0x3  }
0x26a: {  	v5 =	vmul.u32 $0x7D, v5  }
0x26b: {  	v6 =	vshrl.u32 v6, $0x3  }
0x26c: {  	v5 =	vadd.s32 v5, v6  }
0x26d: {  	[tilespmem:s29+$0x50] =	vst v5  }
0x26e: {  	v5 =	vld [tilespmem:$0x60];
	_ =	sdelay $0x1  }
0x26f: {  	s31 =	sadd.s32 $0xFFFFFFF0, s25  }
0x270: {  	v6 =	vmov s31  }
0x271: {  	v6 =	vshll.u32 v6, $0x3  }
0x272: {  	v6 =	vor.u32 v0, v6;
	v5 =	vand.u32 $0x7, v5  }
0x273: {  	v5 =	vor.u32 v6, v5;
	_ =	sdelay $0x4  }
0x274: {  	v5 =	vld.idx.msk [tilespmem:v5+s22+$0x0], $0xffff;
	_ =	sdelay $0x1  }
0x275: {  	v6 =	vld [tilespmem:$0x1E0];
	_ =	sdelay $0x2  }
0x276: {  	v7 =	vshll.u32 v5, $0x4  }
0x277: {  	v62 =	vshll.u32 v5, $0x7;
	v7 =	vand.u32 $0x70, v7  }
0x278: {  	v8 =	vand.u32 $0xFFFFFC00, v62;
	v6 =	vadd.s32 v6, v7  }
0x279: {  	v6 =	vadd.s32 v8, v6  }
0x27a: {  	[tilespmem:s30+$0x60] =	vst v6  }
0x27b: {  	v6 =	vld [tilespmem:$0xE0];
	_ =	sdelay $0x3  }
0x27c: {  	v5 =	vmul.u32 $0x7D, v5  }
0x27d: {  	v6 =	vshrl.u32 v6, $0x3  }
0x27e: {  	v5 =	vadd.s32 v5, v6  }
0x27f: {  	[tilespmem:s29+$0x60] =	vst v5  }
0x280: {  	v5 =	vld [tilespmem:$0x70];
	_ =	sdelay $0x2  }
0x281: {  	v6 =	vmov s25  }
0x282: {  	v6 =	vshll.u32 v6, $0x3  }
0x283: {  	v6 =	vor.u32 v0, v6;
	v5 =	vand.u32 $0x7, v5  }
0x284: {  	v5 =	vor.u32 v6, v5;
	_ =	sdelay $0x4  }
0x285: {  	v5 =	vld.idx.msk [tilespmem:v5+s22+$0x0], $0xffff;
	_ =	sdelay $0x1  }
0x286: {  	v6 =	vld [tilespmem:$0x1F0];
	_ =	sdelay $0x2  }
0x287: {  	v7 =	vshll.u32 v5, $0x4  }
0x288: {  	v63 =	vshll.u32 v5, $0x7;
	v7 =	vand.u32 $0x70, v7  }
0x289: {  	v8 =	vand.u32 $0xFFFFFC00, v63;
	v6 =	vadd.s32 v6, v7  }
0x28a: {  	v6 =	vadd.s32 v8, v6  }
0x28b: {  	[tilespmem:s30+$0x70] =	vst v6  }
0x28c: {  	v6 =	vld [tilespmem:$0xF0];
	_ =	sdelay $0x3  }
0x28d: {  	v5 =	vmul.u32 $0x7D, v5  }
0x28e: {  	v6 =	vshrl.u32 v6, $0x3  }
0x28f: {  	p0 =	sne.s32 s25, $0xC70;
	v5 =	vadd.s32 v5, v6  }
.Ltmp7:
0x290: {  	[tilespmem:s29+$0x70] =	vst v5;
	(pc) =	sbr.rel @p0 .LBB2_16-.Ltmp7, $4  }
0x291: {  	[tilespmem:s28], [sflag:$0x2] =	stream.indirect.gather [hbm4b:s5+s13], $0x8, s30, s13, $0xb8;
	[tilespmem:$0x1CC68] =	vst v63  }
0x292: {  	s25 =	sadd.s32 $0x80, s25;
	s28 =	sadd.s32 $0x400, s28  }
0x293: {  	[tilespmem:s26], [sflag:$0x3] =	stream.indirect.gather [hbm4b:s6+s13], $0x8, s29, s13, $0xb8;
	[tilespmem:$0x1CC68] =	vst v63  }
0x294: {  	s30 =	sadd.s32 $0x80, s30;
	s26 =	sadd.s32 $0x400, s26;
	s29 =	sadd.s32 $0x80, s29  }
0x295: {  	_ =	swait.ge [sflag:s18], $0x6400  }
0x296: {  	[sflag:s18] =	ssyncset.done $0x0  }
0x297: {  	[sflag:s18] =	ssyncadd.s32 $0xFFFF9C00  }
0x298: {  	_ =	swait.ge [sflag:s19], $0x6400  }
0x299: {  	[sflag:s19] =	ssyncset.done $0x0  }
0x29a: {  	[sflag:s19] =	ssyncadd.s32 $0xFFFF9C00  }
0x29b: {  	v5 =	vld [tilespmem:$0x40];
	_ =	sdelay $0x1  }
0x29c: {  	s0 =	simm.s32 $0x0  }
0x29d: {  	v6 =	vmov s0  }
0x29e: {  	v6 =	vshll.u32 v6, $0x3  }
0x29f: {  	v6 =	vor.u32 v0, v6;
	v7 =	vand.u32 $0x7, v5  }
0x2a0: {  	v8 =	vor.u32 v7, v6;
	_ =	sdelay $0x2  }
0x2a1: {  	v12 =	vld [tilespmem:$0xC0];
	_ =	sdelay $0x1  }
0x2a2: {  	s30 =	simm.s32 $0x40;
	v13 =	vld.idx.msk [tilespmem:v8+s22+$0x0], $0xffff  }
0x2a3: {  	v9 =	vmov s30  }
0x2a4: {  	v9 =	vshll.u32 v9, $0x3  }
0x2a5: {  	v10 =	vor.u32 v0, v9  }
0x2a6: {  	v9 =	vand.u32 $0x7, v12;
	v11 =	vor.u32 v7, v10  }
0x2a7: {  	v15 =	vor.u32 v9, v6;
	v5 =	vld.idx.msk [tilespmem:v5+s14+$0x0], $0xffff  }
0x2a8: {  	v6 =	vld.idx.msk [tilespmem:v12+s15+$0x0], $0xffff  }
0x2a9: {  	v14 =	vld.idx.msk [tilespmem:v8+s21+$0x0], $0xffff  }
0x2aa: {  	v12 =	vld.idx.msk [tilespmem:v13+s15+$0x0], $0xffff  }
0x2ab: {  	s31 =	simm.s32 $0x80;
	v13 =	vld.idx.msk [tilespmem:v11+s22+$0x0], $0xffff  }
0x2ac: {  	s25 =	simm.s32 $0xC0;
	v16 =	vmov s31;
	v8 =	vimm.f32 $0.0e+00;
	v15 =	vld.idx.msk [tilespmem:v15+s20+$0x0], $0xffff  }
.LBB2_18:
0x2ad: {  	p0 =	sne.s32 s25, $0xC40;
	v16 =	vshll.u32 v16, $0x3  }
0x2ae: {  	v14 =	vsub.f32 v14, v5;
	v16 =	vor.u32 v0, v16  }
0x2af: {  	v17 =	vor.u32 v7, v16  }
0x2b0: {  	v18 =	vor.u32 v9, v10;
	v12 =	vsub.f32 v14, v12;
	v10 =	vmov v16  }
.Ltmp8:
0x2b1: {  	v14 =	vld.idx.msk [tilespmem:v11+s21+$0x0], $0xffff;
	v11 =	vmov v17;
	(pc) =	sbr.rel @p0 .LBB2_18-.Ltmp8, $4  }
0x2b2: {  	v15 =	vmul.f32 v12, v15  }
0x2b3: {  	v12 =	vld.idx.msk [tilespmem:v13+s15+$0x0], $0xffff  }
0x2b4: {  	v8 =	vadd.f32 v15, v8;
	v13 =	vld.idx.msk [tilespmem:v17+s22+$0x0], $0xffff  }
0x2b5: {  	v16 =	vmov s25;
	s25 =	sadd.s32 $0x40, s25;
	v15 =	vld.idx.msk [tilespmem:v18+s20+$0x0], $0xffff  }
0x2b6: {  	v16 =	vshll.u32 v16, $0x3  }
0x2b7: {  	v16 =	vor.u32 v0, v16  }
0x2b8: {  	v7 =	vor.u32 v7, v16;
	_ =	sdelay $0x4  }
0x2b9: {  	v17 =	vld.idx.msk [tilespmem:v7+s22+$0x0], $0xffff;
	_ =	sdelay $0x1  }
0x2ba: {  	v10 =	vor.u32 v9, v10;
	_ =	sdelay $0x1  }
0x2bb: {  	v11 =	vld.idx.msk [tilespmem:v11+s21+$0x0], $0xffff  }
0x2bc: {  	v9 =	vor.u32 v9, v16;
	v13 =	vld.idx.msk [tilespmem:v13+s15+$0x0], $0xffff  }
0x2bd: {  	v7 =	vld.idx.msk [tilespmem:v7+s21+$0x0], $0xffff  }
0x2be: {  	v14 =	vsub.f32 v14, v5;
	v10 =	vld.idx.msk [tilespmem:v10+s20+$0x0], $0xffff  }
0x2bf: {  	v16 =	vld.idx.msk [tilespmem:v17+s15+$0x0], $0xffff  }
0x2c0: {  	v12 =	vsub.f32 v14, v12;
	v11 =	vsub.f32 v11, v5  }
0x2c1: {  	v9 =	vld.idx.msk [tilespmem:v9+s20+$0x0], $0xffff  }
0x2c2: {  	v12 =	vmul.f32 v12, v15;
	v11 =	vsub.f32 v11, v13;
	v7 =	vsub.f32 v7, v5;
	_ =	sdelay $0x1  }
0x2c3: {  	v8 =	vadd.f32 v12, v8;
	v12 =	vld [tilespmem:$0x50];
	v10 =	vmul.f32 v11, v10;
	v7 =	vsub.f32 v7, v16;
	_ =	sdelay $0x1  }
0x2c4: {  	s0 =	simm.s32 $0x0;
	v8 =	vadd.f32 v10, v8;
	v7 =	vmul.f32 v7, v9  }
0x2c5: {  	v9 =	vmov s0  }
0x2c6: {  	v9 =	vshll.u32 v9, $0x3;
	v8 =	vadd.f32 v7, v8  }
0x2c7: {  	v7 =	vand.u32 $0x7, v12;
	v13 =	vor.u32 v2, v9  }
0x2c8: {  	v5 =	vadd.f32 v6, v5;
	v6 =	vmul.f32 v8, v1;
	v8 =	vor.u32 v7, v13;
	_ =	sdelay $0x1  }
0x2c9: {  	v5 =	vadd.f32 v6, v5  }
0x2ca: {  	s30 =	simm.s32 $0x40;
	v6 =	vld [tilespmem:$0xD0]  }
0x2cb: {  	[tilespmem:$0x1CC28] =	vst v5;
	v5 =	vmov s30  }
0x2cc: {  	v15 =	vld.idx.msk [tilespmem:v8+s22+$0x0], $0xffff;
	v5 =	vshll.u32 v5, $0x3  }
0x2cd: {  	v10 =	vor.u32 v2, v5  }
0x2ce: {  	v11 =	vor.u32 v7, v10  }
0x2cf: {  	v9 =	vand.u32 $0x7, v6  }
0x2d0: {  	v14 =	vld.idx.msk [tilespmem:v8+s21+$0x0], $0xffff;
	v17 =	vor.u32 v9, v13  }
0x2d1: {  	v5 =	vld.idx.msk [tilespmem:v12+s14+$0x0], $0xffff  }
0x2d2: {  	v6 =	vld.idx.msk [tilespmem:v6+s15+$0x0], $0xffff  }
0x2d3: {  	v13 =	vld.idx.msk [tilespmem:v11+s22+$0x0], $0xffff  }
0x2d4: {  	s31 =	simm.s32 $0x80;
	v12 =	vld.idx.msk [tilespmem:v15+s15+$0x0], $0xffff  }
0x2d5: {  	s25 =	simm.s32 $0xC0;
	v16 =	vmov s31;
	v8 =	vimm.f32 $0.0e+00;
	v15 =	vld.idx.msk [tilespmem:v17+s20+$0x0], $0xffff  }
.LBB2_20:
0x2d6: {  	p0 =	sne.s32 s25, $0xC40;
	v16 =	vshll.u32 v16, $0x3  }
0x2d7: {  	v14 =	vsub.f32 v14, v5;
	v16 =	vor.u32 v2, v16  }
0x2d8: {  	v17 =	vor.u32 v7, v16  }
0x2d9: {  	v18 =	vor.u32 v9, v10;
	v12 =	vsub.f32 v14, v12;
	v10 =	vmov v16  }
.Ltmp9:
0x2da: {  	v14 =	vld.idx.msk [tilespmem:v11+s21+$0x0], $0xffff;
	v11 =	vmov v17;
	(pc) =	sbr.rel @p0 .LBB2_20-.Ltmp9, $4  }
0x2db: {  	v15 =	vmul.f32 v12, v15  }
0x2dc: {  	v12 =	vld.idx.msk [tilespmem:v13+s15+$0x0], $0xffff  }
0x2dd: {  	v8 =	vadd.f32 v15, v8;
	v13 =	vld.idx.msk [tilespmem:v17+s22+$0x0], $0xffff  }
0x2de: {  	v16 =	vmov s25;
	s25 =	sadd.s32 $0x40, s25;
	v15 =	vld.idx.msk [tilespmem:v18+s20+$0x0], $0xffff  }
0x2df: {  	v16 =	vshll.u32 v16, $0x3  }
0x2e0: {  	v16 =	vor.u32 v2, v16  }
0x2e1: {  	v7 =	vor.u32 v7, v16;
	_ =	sdelay $0x4  }
0x2e2: {  	v17 =	vld.idx.msk [tilespmem:v7+s22+$0x0], $0xffff;
	_ =	sdelay $0x1  }
0x2e3: {  	v10 =	vor.u32 v9, v10;
	_ =	sdelay $0x1  }
0x2e4: {  	v11 =	vld.idx.msk [tilespmem:v11+s21+$0x0], $0xffff  }
0x2e5: {  	v9 =	vor.u32 v9, v16;
	v13 =	vld.idx.msk [tilespmem:v13+s15+$0x0], $0xffff  }
0x2e6: {  	v7 =	vld.idx.msk [tilespmem:v7+s21+$0x0], $0xffff  }
0x2e7: {  	v14 =	vsub.f32 v14, v5;
	v10 =	vld.idx.msk [tilespmem:v10+s20+$0x0], $0xffff  }
0x2e8: {  	v16 =	vld.idx.msk [tilespmem:v17+s15+$0x0], $0xffff  }
0x2e9: {  	v12 =	vsub.f32 v14, v12;
	v11 =	vsub.f32 v11, v5  }
0x2ea: {  	v9 =	vld.idx.msk [tilespmem:v9+s20+$0x0], $0xffff  }
0x2eb: {  	v12 =	vmul.f32 v12, v15;
	v11 =	vsub.f32 v11, v13;
	v7 =	vsub.f32 v7, v5;
	_ =	sdelay $0x1  }
0x2ec: {  	v8 =	vadd.f32 v12, v8;
	v12 =	vld [tilespmem:$0x60];
	v10 =	vmul.f32 v11, v10;
	v7 =	vsub.f32 v7, v16;
	_ =	sdelay $0x1  }
0x2ed: {  	s0 =	simm.s32 $0x0;
	v8 =	vadd.f32 v10, v8;
	v7 =	vmul.f32 v7, v9  }
0x2ee: {  	v9 =	vmov s0  }
0x2ef: {  	v9 =	vshll.u32 v9, $0x3;
	v8 =	vadd.f32 v7, v8  }
0x2f0: {  	v7 =	vand.u32 $0x7, v12;
	v13 =	vor.u32 v3, v9  }
0x2f1: {  	v5 =	vadd.f32 v6, v5;
	v6 =	vmul.f32 v8, v1;
	v8 =	vor.u32 v7, v13;
	_ =	sdelay $0x1  }
0x2f2: {  	v5 =	vadd.f32 v6, v5  }
0x2f3: {  	s30 =	simm.s32 $0x40;
	v6 =	vld [tilespmem:$0xE0]  }
0x2f4: {  	[tilespmem:$0x1CC38] =	vst v5;
	v5 =	vmov s30  }
0x2f5: {  	v15 =	vld.idx.msk [tilespmem:v8+s22+$0x0], $0xffff;
	v5 =	vshll.u32 v5, $0x3  }
0x2f6: {  	v10 =	vor.u32 v3, v5  }
0x2f7: {  	v11 =	vor.u32 v7, v10  }
0x2f8: {  	v9 =	vand.u32 $0x7, v6  }
0x2f9: {  	v14 =	vld.idx.msk [tilespmem:v8+s21+$0x0], $0xffff;
	v17 =	vor.u32 v9, v13  }
0x2fa: {  	v5 =	vld.idx.msk [tilespmem:v12+s14+$0x0], $0xffff  }
0x2fb: {  	v6 =	vld.idx.msk [tilespmem:v6+s15+$0x0], $0xffff  }
0x2fc: {  	v13 =	vld.idx.msk [tilespmem:v11+s22+$0x0], $0xffff  }
0x2fd: {  	s31 =	simm.s32 $0x80;
	v12 =	vld.idx.msk [tilespmem:v15+s15+$0x0], $0xffff  }
0x2fe: {  	s25 =	simm.s32 $0xC0;
	v16 =	vmov s31;
	v8 =	vimm.f32 $0.0e+00;
	v15 =	vld.idx.msk [tilespmem:v17+s20+$0x0], $0xffff  }
.LBB2_22:
0x2ff: {  	p0 =	sne.s32 s25, $0xC40;
	v16 =	vshll.u32 v16, $0x3  }
0x300: {  	v14 =	vsub.f32 v14, v5;
	v16 =	vor.u32 v3, v16  }
0x301: {  	v17 =	vor.u32 v7, v16  }
0x302: {  	v18 =	vor.u32 v9, v10;
	v12 =	vsub.f32 v14, v12;
	v10 =	vmov v16  }
.Ltmp10:
0x303: {  	v14 =	vld.idx.msk [tilespmem:v11+s21+$0x0], $0xffff;
	v11 =	vmov v17;
	(pc) =	sbr.rel @p0 .LBB2_22-.Ltmp10, $4  }
0x304: {  	v15 =	vmul.f32 v12, v15  }
0x305: {  	v12 =	vld.idx.msk [tilespmem:v13+s15+$0x0], $0xffff  }
0x306: {  	v8 =	vadd.f32 v15, v8;
	v13 =	vld.idx.msk [tilespmem:v17+s22+$0x0], $0xffff  }
0x307: {  	v16 =	vmov s25;
	s25 =	sadd.s32 $0x40, s25;
	v15 =	vld.idx.msk [tilespmem:v18+s20+$0x0], $0xffff  }
0x308: {  	v16 =	vshll.u32 v16, $0x3  }
0x309: {  	v16 =	vor.u32 v3, v16  }
0x30a: {  	v7 =	vor.u32 v7, v16;
	_ =	sdelay $0x4  }
0x30b: {  	v17 =	vld.idx.msk [tilespmem:v7+s22+$0x0], $0xffff;
	_ =	sdelay $0x1  }
0x30c: {  	v10 =	vor.u32 v9, v10;
	_ =	sdelay $0x1  }
0x30d: {  	v11 =	vld.idx.msk [tilespmem:v11+s21+$0x0], $0xffff  }
0x30e: {  	v9 =	vor.u32 v9, v16;
	v13 =	vld.idx.msk [tilespmem:v13+s15+$0x0], $0xffff  }
0x30f: {  	v7 =	vld.idx.msk [tilespmem:v7+s21+$0x0], $0xffff  }
0x310: {  	v14 =	vsub.f32 v14, v5;
	v10 =	vld.idx.msk [tilespmem:v10+s20+$0x0], $0xffff  }
0x311: {  	v16 =	vld.idx.msk [tilespmem:v17+s15+$0x0], $0xffff  }
0x312: {  	v12 =	vsub.f32 v14, v12;
	v11 =	vsub.f32 v11, v5  }
0x313: {  	v9 =	vld.idx.msk [tilespmem:v9+s20+$0x0], $0xffff  }
0x314: {  	v12 =	vmul.f32 v12, v15;
	v11 =	vsub.f32 v11, v13;
	v7 =	vsub.f32 v7, v5;
	_ =	sdelay $0x1  }
0x315: {  	v8 =	vadd.f32 v12, v8;
	v12 =	vld [tilespmem:$0x70];
	v10 =	vmul.f32 v11, v10;
	v7 =	vsub.f32 v7, v16;
	_ =	sdelay $0x1  }
0x316: {  	s0 =	simm.s32 $0x0;
	v8 =	vadd.f32 v10, v8;
	v7 =	vmul.f32 v7, v9  }
0x317: {  	v9 =	vmov s0  }
0x318: {  	v9 =	vshll.u32 v9, $0x3;
	v8 =	vadd.f32 v7, v8  }
0x319: {  	v7 =	vand.u32 $0x7, v12;
	v13 =	vor.u32 v4, v9  }
0x31a: {  	v5 =	vadd.f32 v6, v5;
	v6 =	vmul.f32 v8, v1;
	v8 =	vor.u32 v7, v13;
	_ =	sdelay $0x1  }
0x31b: {  	v5 =	vadd.f32 v6, v5  }
0x31c: {  	s30 =	simm.s32 $0x40;
	v6 =	vld [tilespmem:$0xF0]  }
0x31d: {  	[tilespmem:$0x1CC48] =	vst v5;
	v5 =	vmov s30  }
0x31e: {  	v15 =	vld.idx.msk [tilespmem:v8+s22+$0x0], $0xffff;
	v5 =	vshll.u32 v5, $0x3  }
0x31f: {  	v10 =	vor.u32 v4, v5  }
0x320: {  	v11 =	vor.u32 v7, v10  }
0x321: {  	v9 =	vand.u32 $0x7, v6  }
0x322: {  	v14 =	vld.idx.msk [tilespmem:v8+s21+$0x0], $0xffff;
	v17 =	vor.u32 v9, v13  }
0x323: {  	v5 =	vld.idx.msk [tilespmem:v12+s14+$0x0], $0xffff  }
0x324: {  	v6 =	vld.idx.msk [tilespmem:v6+s15+$0x0], $0xffff  }
0x325: {  	v13 =	vld.idx.msk [tilespmem:v11+s22+$0x0], $0xffff  }
0x326: {  	s31 =	simm.s32 $0x80;
	v12 =	vld.idx.msk [tilespmem:v15+s15+$0x0], $0xffff  }
0x327: {  	s25 =	simm.s32 $0xC0;
	v16 =	vmov s31;
	v8 =	vimm.f32 $0.0e+00;
	v15 =	vld.idx.msk [tilespmem:v17+s20+$0x0], $0xffff  }
.LBB2_24:
0x328: {  	p0 =	sne.s32 s25, $0xC40;
	v16 =	vshll.u32 v16, $0x3  }
0x329: {  	v14 =	vsub.f32 v14, v5;
	v16 =	vor.u32 v4, v16  }
0x32a: {  	v17 =	vor.u32 v7, v16  }
0x32b: {  	v18 =	vor.u32 v9, v10;
	v12 =	vsub.f32 v14, v12;
	v10 =	vmov v16  }
.Ltmp11:
0x32c: {  	v14 =	vld.idx.msk [tilespmem:v11+s21+$0x0], $0xffff;
	v11 =	vmov v17;
	(pc) =	sbr.rel @p0 .LBB2_24-.Ltmp11, $4  }
0x32d: {  	v15 =	vmul.f32 v12, v15  }
0x32e: {  	v12 =	vld.idx.msk [tilespmem:v13+s15+$0x0], $0xffff  }
0x32f: {  	v8 =	vadd.f32 v15, v8;
	v13 =	vld.idx.msk [tilespmem:v17+s22+$0x0], $0xffff  }
0x330: {  	v16 =	vmov s25;
	s25 =	sadd.s32 $0x40, s25;
	v15 =	vld.idx.msk [tilespmem:v18+s20+$0x0], $0xffff  }
0x331: {  	v16 =	vshll.u32 v16, $0x3  }
0x332: {  	v16 =	vor.u32 v4, v16  }
0x333: {  	v7 =	vor.u32 v7, v16;
	_ =	sdelay $0x4  }
0x334: {  	v17 =	vld.idx.msk [tilespmem:v7+s22+$0x0], $0xffff;
	_ =	sdelay $0x1  }
0x335: {  	v10 =	vor.u32 v9, v10;
	_ =	sdelay $0x1  }
0x336: {  	v11 =	vld.idx.msk [tilespmem:v11+s21+$0x0], $0xffff  }
0x337: {  	v62 =	vor.u32 v9, v16;
	v13 =	vld.idx.msk [tilespmem:v13+s15+$0x0], $0xffff  }
0x338: {  	v7 =	vld.idx.msk [tilespmem:v7+s21+$0x0], $0xffff  }
0x339: {  	v14 =	vsub.f32 v14, v5;
	v10 =	vld.idx.msk [tilespmem:v10+s20+$0x0], $0xffff  }
0x33a: {  	v63 =	vld.idx.msk [tilespmem:v17+s15+$0x0], $0xffff  }
0x33b: {  	v12 =	vsub.f32 v14, v12;
	v11 =	vsub.f32 v11, v5  }
0x33c: {  	v9 =	vld.idx.msk [tilespmem:v62+s20+$0x0], $0xffff  }
0x33d: {  	v12 =	vmul.f32 v12, v15;
	v11 =	vsub.f32 v11, v13;
	v7 =	vsub.f32 v7, v5;
	_ =	sdelay $0x1  }
0x33e: {  	v8 =	vadd.f32 v12, v8;
	v10 =	vmul.f32 v11, v10;
	v7 =	vsub.f32 v7, v63;
	_ =	sdelay $0x1  }
0x33f: {  	v8 =	vadd.f32 v10, v8;
	v7 =	vmul.f32 v7, v9;
	_ =	sdelay $0x1  }
0x340: {  	v7 =	vadd.f32 v7, v8;
	_ =	sdelay $0x1  }
0x341: {  	v5 =	vadd.f32 v6, v5;
	v6 =	vmul.f32 v7, v1;
	_ =	sdelay $0x1  }
0x342: {  	s24 =	sadd.s32 $0x1, s24;
	v5 =	vadd.f32 v6, v5  }
0x343: {  	p0 =	sne.s32 s24, s11  }
.Ltmp12:
0x344: {  	[tilespmem:$0x1CC58] =	vst v5;
	(pc) =	sbr.rel @p0 .LBB2_1-.Ltmp12, $4  }
0x345: {  	[hbm4b:s10+s4] =	stream.linear.scatter [tilespmem:s23], [sflag:$0x4], $0x80, $0x38;
	[tilespmem:$0x1CC68] =	vst v63  }
0x346: {  	_ =	swait.ge [sflag:s12], $0x80  }
0x347: {  	[sflag:s12] =	ssyncset.done $0x0  }
0x348: {  	[sflag:s12] =	ssyncadd.s32 $0xFFFFFF80  }
0x349: {  	_ =	sfence.sel $0x180000  }
0x34a: {  	[bflag:$0x0] =	sbarrier.arrive $0xFFFF  }
0x34b: {  	_ =	strace $0x90000047  }
0x34c: {  	[bflag:$0x2] =	sbarrier.arrive $0xFFFF  }
0x34d: {  	p0 =	sne.s32 s3, $0x0;
	s0 =	rddreg [dreg:$0x4]  }
0x34e: {  	s0 =	sadd.s32 @!p0 $0x100000, s0  }
0x34f: {  	[sflag:s0] =	ssyncadd.tile.s32 @!p0 $0x1;
	_ =	shalt  }
.Lfunc_end2:
_tile_overlayer_lowered:
.L_overlay_start_2:
0x350: {  	(tag) =	ssettag $0x2  }
0x351: {  	s0 =	rddreg [dreg:$0x0];
	s2 =	stileid.u32  }
0x352: {  	s1 =	rddreg [dreg:$0x1];
	p0 =	sne.s32 s2, $0x0  }
0x353: {  	s3 =	rddreg [dreg:$0x2];
	[bflag:$0x3] =	sbarrier.arrive $0xFFFF;
	s2 =	simm.s32 @!p0 $0x1C04  }
0x354: {  	[timem:s3], [sflag:s2] =	dma.local @!p0 [hbm:s0], s1  }
0x355: {  	s0 =	simm.s32 @!p0 $0x4  }
0x356: {  	_ =	swait.ge @!p0 [sflag:s0], s1  }
0x357: {  	s1 =	ssub.s32 @!p0 $0x0, s1;
	[sflag:s0] =	ssyncset.done @!p0 $0x0  }
0x358: {  	[sflag:s0] =	ssyncadd.s32 @!p0 s1  }
0x359: {  	[bflag:$0x3] =	sbarrier.arrive $0xFFFF  }
0x35a: {  	_ =	shalt  }

</sc_bundles>
